<compile_context>
chip_gen: v7x
topology: tpu7x:2x2x1
jax: 0.10.2.dev20260603
libtpu: 0.0.44.dev20260713+nightly
codegen_flags: <defaults>
</compile_context>

<pallas_src>
import functools

import jax
import jax.numpy as jnp
from jax import lax
from jax.experimental import pallas as pl
from jax.experimental.pallas import tpu as pltpu
from jax.experimental.pallas import tpu_sc as plsc

N = 10000
D = 128
NC = 2
NS = 16
L = 16
CHUNK = 128
NP = 10240
RPT = NP // NS

_BCAST_DNUMS = lax.GatherDimensionNumbers(
    offset_dims=(), collapsed_slice_dims=(0,), start_index_map=(0,))


def _bcast_lane(v16, j):
    idx = jnp.full((L,), j, dtype=jnp.int32)
    return lax.gather(v16, idx[:, None], _BCAST_DNUMS, slice_sizes=(1,),
                      mode=lax.GatherScatterMode.PROMISE_IN_BOUNDS)


def _make_spmm(nchunk):
    mesh = plsc.VectorSubcoreMesh(
        core_axis_name="c", subcore_axis_name="s", num_cores=NC,
        num_subcores=NS)

    @functools.partial(
        pl.kernel,
        out_type=jax.ShapeDtypeStruct((NC, NP, D), jnp.float32),
        mesh=mesh,
        scratch_types=[
            pltpu.VMEM((nchunk, CHUNK), jnp.int32),
            pltpu.VMEM((nchunk, CHUNK), jnp.int32),
            pltpu.VMEM((nchunk, CHUNK), jnp.float32),
            pltpu.VMEM((CHUNK, D), jnp.float32),
            pltpu.VMEM_SHARED((NP, D), jnp.float32),
            pltpu.SemaphoreType.DMA,
        ],
    )
    def spmm(t1, colsi, rowsi, valsi, out, col_buf, row_buf, val_buf,
             gbuf, acc, sem):
        c = lax.axis_index("c")
        s = lax.axis_index("s")

        pltpu.sync_copy(colsi.at[c, s], col_buf)
        pltpu.sync_copy(rowsi.at[c, s], row_buf)
        pltpu.sync_copy(valsi.at[c, s], val_buf)

        zero16 = jnp.zeros((L,), jnp.float32)

        def zrow(r, carry):
            for q in range(D // L):
                gbuf[r, pl.ds(q * L, L)] = zero16
            return carry

        lax.fori_loop(0, CHUNK, zrow, 0)
        for k in range(RPT // CHUNK):
            pltpu.sync_copy(gbuf, acc.at[pl.ds(s * RPT + k * CHUNK, CHUNK)])
        plsc.subcore_barrier()

        def chunk_body(j, carry):
            pltpu.async_copy(t1.at[col_buf.at[j]], gbuf, sem).wait()

            def grp(g, carry2):
                v16 = val_buf[j, pl.ds(g * L, L)]
                for jj in range(L):
                    b = _bcast_lane(v16, jj)
                    e = g * L + jj
                    for q in range(D // L):
                        gbuf[e, pl.ds(q * L, L)] = (
                            gbuf[e, pl.ds(q * L, L)] * b)
                return carry2

            lax.fori_loop(0, CHUNK // L, grp, 0)
            pltpu.sync_copy(gbuf, acc.at[row_buf.at[j]], add=True)
            return carry

        lax.fori_loop(0, nchunk, chunk_body, 0)
        plsc.subcore_barrier()

        for k in range(RPT // CHUNK):
            pltpu.sync_copy(acc.at[pl.ds(s * RPT + k * CHUNK, CHUNK)],
                            out.at[c, pl.ds(s * RPT + k * CHUNK, CHUNK)])

    return spmm


def _combine_body(p_ref, t2_ref, th_ref, h_ref, h2_ref):
    ssum = p_ref[0] + p_ref[1]
    h = 2.0 * ssum - t2_ref[...]
    h_ref[...] = h
    h2_ref[...] = h * th_ref[...]


def kernel(T_n_1, T_n_2, edge_index, edge_vals, theta):
    E = edge_vals.shape[0]
    ept = -(-E // (NC * NS * CHUNK)) * CHUNK
    nchunk = ept // CHUNK
    EP = ept * NC * NS
    pad = EP - E

    col = jnp.concatenate(
        [edge_index[1], jnp.zeros((pad,), jnp.int32)]).reshape(
            NC, NS, nchunk, CHUNK)
    row = jnp.concatenate(
        [edge_index[0], jnp.zeros((pad,), jnp.int32)]).reshape(
            NC, NS, nchunk, CHUNK)
    val = jnp.concatenate(
        [edge_vals, jnp.zeros((pad,), jnp.float32)]).reshape(
            NC, NS, nchunk, CHUNK)

    partials = _make_spmm(nchunk)(T_n_1, col, row, val)

    R = 400
    th_b = jnp.broadcast_to(theta.reshape(1, 1), (1, D))
    H, H2 = pl.pallas_call(
        _combine_body,
        grid=(N // R,),
        in_specs=[
            pl.BlockSpec((NC, R, D), lambda i: (0, i, 0)),
            pl.BlockSpec((R, D), lambda i: (i, 0)),
            pl.BlockSpec((1, D), lambda i: (0, 0)),
        ],
        out_specs=[
            pl.BlockSpec((R, D), lambda i: (i, 0)),
            pl.BlockSpec((R, D), lambda i: (i, 0)),
        ],
        out_shape=[jax.ShapeDtypeStruct((N, D), jnp.float32)] * 2,
    )(partials, T_n_2, th_b)
    return (H, H2)

# --- scband reference (transcript-rebuilt; emitter-appended) ---
"""Pipeline reference for scband-cheb-layer-16123307229542 (READ-ONLY COPY).

The authoritative reference and input builder live on the scoring server;
editing this copy changes nothing except your own understanding.
"""

import jax, jax.numpy as jnp
import numpy as np

N = 10000
E = 320000
D = 128


def setup_inputs(seed: int = 0) -> dict:
    key = jax.random.key(seed)
    k1, k2, k3, k4 = jax.random.split(key, 4)
    T_n_1 = jax.random.normal(k1, (N, D), dtype=jnp.float32)
    T_n_2 = jax.random.normal(k2, (N, D), dtype=jnp.float32)
    edge_index = jax.random.randint(k3, (2, E), 0, N, dtype=jnp.int32)
    # nonzero values of the sparse scaled-Laplacian M, normalized like 1/deg
    edge_vals = jax.random.normal(k4, (E,), dtype=jnp.float32) * (1.0 / np.sqrt(32.0))
    theta = jnp.ones((1,), dtype=jnp.float32) * 0.5
    return {"T_n_1": T_n_1, "T_n_2": T_n_2, "edge_index": edge_index, "edge_vals": edge_vals, "theta": theta}


def reference(T_n_1, T_n_2, edge_index, edge_vals, theta):
    # torch.spmm(M, T_n_1) with M sparse COO: M[row, col] = edge_vals
    row = edge_index[0]
    col = edge_index[1]
    msgs = edge_vals[:, None] * jnp.take(T_n_1, col, axis=0)
    MT = jax.ops.segment_sum(msgs, row, num_segments=N)
    # Chebyshev recurrence branch: M is not None and T_n_2 is not None
    H_l = 2.0 * MT - T_n_2
    return (H_l, theta * H_l)

if __name__ == "__main__":
    import jax
    _d = setup_inputs()
    print(jax.jit(kernel)(*tuple(_d.values())))

</pallas_src>

<mosaic_0001>
#map = affine_map<(d0, d1) -> (0, 0)>
#map1 = affine_map<(d0, d1) -> (0, 0, 0, 0)>
#map2 = affine_map<(d0, d1) -> (0, 0, 0)>
module attributes {stable_mosaic.version = 14 : i64} {
  func.func @spmm(%arg0: i32, %arg1: i32, %arg2: memref<10000x128xf32, #tpu.memory_space<hbm>>, %arg3: memref<2x16x79x128xi32, #tpu.memory_space<hbm>>, %arg4: memref<2x16x79x128xi32, #tpu.memory_space<hbm>>, %arg5: memref<2x16x79x128xf32, #tpu.memory_space<hbm>>, %arg6: memref<2x10240x128xf32, #tpu.memory_space<hbm>>, %arg7: memref<79x128xi32, #tpu.memory_space<vmem>>, %arg8: memref<79x128xi32, #tpu.memory_space<vmem>>, %arg9: memref<79x128xf32, #tpu.memory_space<vmem>>, %arg10: memref<128x128xf32, #tpu.memory_space<vmem>>, %arg11: memref<10240x128xf32, #tpu.memory_space<vmem_shared>>, %arg12: memref<!tpu.dma_semaphore, #tpu.memory_space<semaphore_mem>>) attributes {dimension_semantics = [#tpu.dimension_semantics<core_parallel>, #tpu.dimension_semantics<subcore_parallel>], iteration_bounds = array<i64: 2, 16>, scalar_prefetch = 0 : i64, scratch_operands = 6 : i64, tpu.core_type = #tpu.core_type<sc_vector_subcore>, window_params = [{transform_indices = #map}, {transform_indices = #map1}, {transform_indices = #map1}, {transform_indices = #map1}, {transform_indices = #map2}]} {
    "tpu.region"() ({
      %run_scoped3A = tpu.sem_alloc : memref<!tpu.dma_semaphore, #tpu.memory_space<semaphore_mem>>
      %dma_start3A = arith.constant 0 : i32
      %dma_start3A_71 = arith.constant 0 : i32
      %dma_start3A_72 = tpu.memref_slice %arg3[%arg0, %arg1, %dma_start3A, %dma_start3A_71] : memref<2x16x79x128xi32, #tpu.memory_space<hbm>> -> memref<1x1x79x128xi32, #tpu.memory_space<hbm>>
      %dma_start3A_73 = tpu.memref_squeeze %dma_start3A_72 : memref<1x1x79x128xi32, #tpu.memory_space<hbm>> -> memref<79x128xi32, #tpu.memory_space<hbm>>
      %dma_start3A_74 = arith.constant 0 : i32
      %dma_start3A_75 = arith.constant 0 : i32
      %dma_start3A_76 = tpu.memref_slice %arg3[%arg0, %arg1, %dma_start3A_74, %dma_start3A_75] : memref<2x16x79x128xi32, #tpu.memory_space<hbm>> -> memref<1x1x79x128xi32, #tpu.memory_space<hbm>>
      %dma_start3A_77 = tpu.memref_squeeze %dma_start3A_76 : memref<1x1x79x128xi32, #tpu.memory_space<hbm>> -> memref<79x128xi32, #tpu.memory_space<hbm>>
      tpu.enqueue_dma source(%dma_start3A_77 : memref<79x128xi32, #tpu.memory_space<hbm>>) target(%arg7 : memref<79x128xi32, #tpu.memory_space<vmem>>) target_semaphore(%run_scoped3A : memref<!tpu.dma_semaphore, #tpu.memory_space<semaphore_mem>>)
      %dma_wait3A = arith.constant 0 : i32
      %dma_wait3A_78 = arith.constant 0 : i32
      %dma_wait3A_79 = tpu.memref_slice %arg3[%arg0, %arg1, %dma_wait3A, %dma_wait3A_78] : memref<2x16x79x128xi32, #tpu.memory_space<hbm>> -> memref<1x1x79x128xi32, #tpu.memory_space<hbm>>
      %dma_wait3A_80 = tpu.memref_squeeze %dma_wait3A_79 : memref<1x1x79x128xi32, #tpu.memory_space<hbm>> -> memref<79x128xi32, #tpu.memory_space<hbm>>
      %dma_wait3A_81 = arith.constant 0 : i32
      %dma_wait3A_82 = arith.constant 0 : i32
      %dma_wait3A_83 = tpu.memref_slice %arg3[%arg0, %arg1, %dma_wait3A_81, %dma_wait3A_82] : memref<2x16x79x128xi32, #tpu.memory_space<hbm>> -> memref<1x1x79x128xi32, #tpu.memory_space<hbm>>
      %dma_wait3A_84 = tpu.memref_squeeze %dma_wait3A_83 : memref<1x1x79x128xi32, #tpu.memory_space<hbm>> -> memref<79x128xi32, #tpu.memory_space<hbm>>
      tpu.wait_dma2 semaphore(%run_scoped3A : memref<!tpu.dma_semaphore, #tpu.memory_space<semaphore_mem>>) src(%dma_wait3A_84 : memref<79x128xi32, #tpu.memory_space<hbm>>) dst(%arg7 : memref<79x128xi32, #tpu.memory_space<vmem>>)
      tpu.yield
    }) : () -> ()
    "tpu.region"() ({
      %run_scoped3A = tpu.sem_alloc : memref<!tpu.dma_semaphore, #tpu.memory_space<semaphore_mem>>
      %dma_start3A = arith.constant 0 : i32
      %dma_start3A_71 = arith.constant 0 : i32
      %dma_start3A_72 = tpu.memref_slice %arg4[%arg0, %arg1, %dma_start3A, %dma_start3A_71] : memref<2x16x79x128xi32, #tpu.memory_space<hbm>> -> memref<1x1x79x128xi32, #tpu.memory_space<hbm>>
      %dma_start3A_73 = tpu.memref_squeeze %dma_start3A_72 : memref<1x1x79x128xi32, #tpu.memory_space<hbm>> -> memref<79x128xi32, #tpu.memory_space<hbm>>
      %dma_start3A_74 = arith.constant 0 : i32
      %dma_start3A_75 = arith.constant 0 : i32
      %dma_start3A_76 = tpu.memref_slice %arg4[%arg0, %arg1, %dma_start3A_74, %dma_start3A_75] : memref<2x16x79x128xi32, #tpu.memory_space<hbm>> -> memref<1x1x79x128xi32, #tpu.memory_space<hbm>>
      %dma_start3A_77 = tpu.memref_squeeze %dma_start3A_76 : memref<1x1x79x128xi32, #tpu.memory_space<hbm>> -> memref<79x128xi32, #tpu.memory_space<hbm>>
      tpu.enqueue_dma source(%dma_start3A_77 : memref<79x128xi32, #tpu.memory_space<hbm>>) target(%arg8 : memref<79x128xi32, #tpu.memory_space<vmem>>) target_semaphore(%run_scoped3A : memref<!tpu.dma_semaphore, #tpu.memory_space<semaphore_mem>>)
      %dma_wait3A = arith.constant 0 : i32
      %dma_wait3A_78 = arith.constant 0 : i32
      %dma_wait3A_79 = tpu.memref_slice %arg4[%arg0, %arg1, %dma_wait3A, %dma_wait3A_78] : memref<2x16x79x128xi32, #tpu.memory_space<hbm>> -> memref<1x1x79x128xi32, #tpu.memory_space<hbm>>
      %dma_wait3A_80 = tpu.memref_squeeze %dma_wait3A_79 : memref<1x1x79x128xi32, #tpu.memory_space<hbm>> -> memref<79x128xi32, #tpu.memory_space<hbm>>
      %dma_wait3A_81 = arith.constant 0 : i32
      %dma_wait3A_82 = arith.constant 0 : i32
      %dma_wait3A_83 = tpu.memref_slice %arg4[%arg0, %arg1, %dma_wait3A_81, %dma_wait3A_82] : memref<2x16x79x128xi32, #tpu.memory_space<hbm>> -> memref<1x1x79x128xi32, #tpu.memory_space<hbm>>
      %dma_wait3A_84 = tpu.memref_squeeze %dma_wait3A_83 : memref<1x1x79x128xi32, #tpu.memory_space<hbm>> -> memref<79x128xi32, #tpu.memory_space<hbm>>
      tpu.wait_dma2 semaphore(%run_scoped3A : memref<!tpu.dma_semaphore, #tpu.memory_space<semaphore_mem>>) src(%dma_wait3A_84 : memref<79x128xi32, #tpu.memory_space<hbm>>) dst(%arg8 : memref<79x128xi32, #tpu.memory_space<vmem>>)
      tpu.yield
    }) : () -> ()
    "tpu.region"() ({
      %run_scoped3A = tpu.sem_alloc : memref<!tpu.dma_semaphore, #tpu.memory_space<semaphore_mem>>
      %dma_start3A = arith.constant 0 : i32
      %dma_start3A_71 = arith.constant 0 : i32
      %dma_start3A_72 = tpu.memref_slice %arg5[%arg0, %arg1, %dma_start3A, %dma_start3A_71] : memref<2x16x79x128xf32, #tpu.memory_space<hbm>> -> memref<1x1x79x128xf32, #tpu.memory_space<hbm>>
      %dma_start3A_73 = tpu.memref_squeeze %dma_start3A_72 : memref<1x1x79x128xf32, #tpu.memory_space<hbm>> -> memref<79x128xf32, #tpu.memory_space<hbm>>
      %dma_start3A_74 = arith.constant 0 : i32
      %dma_start3A_75 = arith.constant 0 : i32
      %dma_start3A_76 = tpu.memref_slice %arg5[%arg0, %arg1, %dma_start3A_74, %dma_start3A_75] : memref<2x16x79x128xf32, #tpu.memory_space<hbm>> -> memref<1x1x79x128xf32, #tpu.memory_space<hbm>>
      %dma_start3A_77 = tpu.memref_squeeze %dma_start3A_76 : memref<1x1x79x128xf32, #tpu.memory_space<hbm>> -> memref<79x128xf32, #tpu.memory_space<hbm>>
      tpu.enqueue_dma source(%dma_start3A_77 : memref<79x128xf32, #tpu.memory_space<hbm>>) target(%arg9 : memref<79x128xf32, #tpu.memory_space<vmem>>) target_semaphore(%run_scoped3A : memref<!tpu.dma_semaphore, #tpu.memory_space<semaphore_mem>>)
      %dma_wait3A = arith.constant 0 : i32
      %dma_wait3A_78 = arith.constant 0 : i32
      %dma_wait3A_79 = tpu.memref_slice %arg5[%arg0, %arg1, %dma_wait3A, %dma_wait3A_78] : memref<2x16x79x128xf32, #tpu.memory_space<hbm>> -> memref<1x1x79x128xf32, #tpu.memory_space<hbm>>
      %dma_wait3A_80 = tpu.memref_squeeze %dma_wait3A_79 : memref<1x1x79x128xf32, #tpu.memory_space<hbm>> -> memref<79x128xf32, #tpu.memory_space<hbm>>
      %dma_wait3A_81 = arith.constant 0 : i32
      %dma_wait3A_82 = arith.constant 0 : i32
      %dma_wait3A_83 = tpu.memref_slice %arg5[%arg0, %arg1, %dma_wait3A_81, %dma_wait3A_82] : memref<2x16x79x128xf32, #tpu.memory_space<hbm>> -> memref<1x1x79x128xf32, #tpu.memory_space<hbm>>
      %dma_wait3A_84 = tpu.memref_squeeze %dma_wait3A_83 : memref<1x1x79x128xf32, #tpu.memory_space<hbm>> -> memref<79x128xf32, #tpu.memory_space<hbm>>
      tpu.wait_dma2 semaphore(%run_scoped3A : memref<!tpu.dma_semaphore, #tpu.memory_space<semaphore_mem>>) src(%dma_wait3A_84 : memref<79x128xf32, #tpu.memory_space<hbm>>) dst(%arg9 : memref<79x128xf32, #tpu.memory_space<vmem>>)
      tpu.yield
    }) : () -> ()
    %broadcast_in_dim3A = arith.constant 0.000000e+00 : f32
    %broadcast_in_dim3A_0 = vector.broadcast %broadcast_in_dim3A : f32 to vector<16xf32>
    %scan3A = arith.constant 0 : i32
    %scan3A_1 = arith.constant 0 : i32
    %scan3A_2 = arith.constant 128 : i32
    %scan3A_3 = arith.addi %scan3A_1, %scan3A_2 : i32
    %scan3A_4 = arith.constant 1 : i32
    scf.for %scan3A_71 = %scan3A_1 to %scan3A_3 step %scan3A_4  : i32 {
      %swap3A = arith.index_cast %scan3A_71 : i32 to index
      %swap3A_72 = arith.constant 0 : index
      %swap3A_73 = tpu.vector_load %arg10[%swap3A, %swap3A_72] {strides = array<i32>} : memref<128x128xf32, #tpu.memory_space<vmem>>, vector<1x16xf32>,
      %swap3A_74 = vector.shape_cast %swap3A_73 : vector<1x16xf32> to vector<16xf32>
      %swap3A_75 = vector.shape_cast %broadcast_in_dim3A_0 : vector<16xf32> to vector<1x16xf32>
      tpu.vector_store %arg10[%swap3A, %swap3A_72], %swap3A_75 {strides = array<i32>} : memref<128x128xf32, #tpu.memory_space<vmem>>, vector<1x16xf32>,
      %swap3A_76 = arith.index_cast %scan3A_71 : i32 to index
      %swap3A_77 = arith.constant 16 : index
      %swap3A_78 = tpu.vector_load %arg10[%swap3A_76, %swap3A_77] {strides = array<i32>} : memref<128x128xf32, #tpu.memory_space<vmem>>, vector<1x16xf32>,
      %swap3A_79 = vector.shape_cast %swap3A_78 : vector<1x16xf32> to vector<16xf32>
      %swap3A_80 = vector.shape_cast %broadcast_in_dim3A_0 : vector<16xf32> to vector<1x16xf32>
      tpu.vector_store %arg10[%swap3A_76, %swap3A_77], %swap3A_80 {strides = array<i32>} : memref<128x128xf32, #tpu.memory_space<vmem>>, vector<1x16xf32>,
      %swap3A_81 = arith.index_cast %scan3A_71 : i32 to index
      %swap3A_82 = arith.constant 32 : index
      %swap3A_83 = tpu.vector_load %arg10[%swap3A_81, %swap3A_82] {strides = array<i32>} : memref<128x128xf32, #tpu.memory_space<vmem>>, vector<1x16xf32>,
      %swap3A_84 = vector.shape_cast %swap3A_83 : vector<1x16xf32> to vector<16xf32>
      %swap3A_85 = vector.shape_cast %broadcast_in_dim3A_0 : vector<16xf32> to vector<1x16xf32>
      tpu.vector_store %arg10[%swap3A_81, %swap3A_82], %swap3A_85 {strides = array<i32>} : memref<128x128xf32, #tpu.memory_space<vmem>>, vector<1x16xf32>,
      %swap3A_86 = arith.index_cast %scan3A_71 : i32 to index
      %swap3A_87 = arith.constant 48 : index
      %swap3A_88 = tpu.vector_load %arg10[%swap3A_86, %swap3A_87] {strides = array<i32>} : memref<128x128xf32, #tpu.memory_space<vmem>>, vector<1x16xf32>,
      %swap3A_89 = vector.shape_cast %swap3A_88 : vector<1x16xf32> to vector<16xf32>
      %swap3A_90 = vector.shape_cast %broadcast_in_dim3A_0 : vector<16xf32> to vector<1x16xf32>
      tpu.vector_store %arg10[%swap3A_86, %swap3A_87], %swap3A_90 {strides = array<i32>} : memref<128x128xf32, #tpu.memory_space<vmem>>, vector<1x16xf32>,
      %swap3A_91 = arith.index_cast %scan3A_71 : i32 to index
      %swap3A_92 = arith.constant 64 : index
      %swap3A_93 = tpu.vector_load %arg10[%swap3A_91, %swap3A_92] {strides = array<i32>} : memref<128x128xf32, #tpu.memory_space<vmem>>, vector<1x16xf32>,
      %swap3A_94 = vector.shape_cast %swap3A_93 : vector<1x16xf32> to vector<16xf32>
      %swap3A_95 = vector.shape_cast %broadcast_in_dim3A_0 : vector<16xf32> to vector<1x16xf32>
      tpu.vector_store %arg10[%swap3A_91, %swap3A_92], %swap3A_95 {strides = array<i32>} : memref<128x128xf32, #tpu.memory_space<vmem>>, vector<1x16xf32>,
      %swap3A_96 = arith.index_cast %scan3A_71 : i32 to index
      %swap3A_97 = arith.constant 80 : index
      %swap3A_98 = tpu.vector_load %arg10[%swap3A_96, %swap3A_97] {strides = array<i32>} : memref<128x128xf32, #tpu.memory_space<vmem>>, vector<1x16xf32>,
      %swap3A_99 = vector.shape_cast %swap3A_98 : vector<1x16xf32> to vector<16xf32>
      %swap3A_100 = vector.shape_cast %broadcast_in_dim3A_0 : vector<16xf32> to vector<1x16xf32>
      tpu.vector_store %arg10[%swap3A_96, %swap3A_97], %swap3A_100 {strides = array<i32>} : memref<128x128xf32, #tpu.memory_space<vmem>>, vector<1x16xf32>,
      %swap3A_101 = arith.index_cast %scan3A_71 : i32 to index
      %swap3A_102 = arith.constant 96 : index
      %swap3A_103 = tpu.vector_load %arg10[%swap3A_101, %swap3A_102] {strides = array<i32>} : memref<128x128xf32, #tpu.memory_space<vmem>>, vector<1x16xf32>,
      %swap3A_104 = vector.shape_cast %swap3A_103 : vector<1x16xf32> to vector<16xf32>
      %swap3A_105 = vector.shape_cast %broadcast_in_dim3A_0 : vector<16xf32> to vector<1x16xf32>
      tpu.vector_store %arg10[%swap3A_101, %swap3A_102], %swap3A_105 {strides = array<i32>} : memref<128x128xf32, #tpu.memory_space<vmem>>, vector<1x16xf32>,
      %swap3A_106 = arith.index_cast %scan3A_71 : i32 to index
      %swap3A_107 = arith.constant 112 : index
      %swap3A_108 = tpu.vector_load %arg10[%swap3A_106, %swap3A_107] {strides = array<i32>} : memref<128x128xf32, #tpu.memory_space<vmem>>, vector<1x16xf32>,
      %swap3A_109 = vector.shape_cast %swap3A_108 : vector<1x16xf32> to vector<16xf32>
      %swap3A_110 = vector.shape_cast %broadcast_in_dim3A_0 : vector<16xf32> to vector<1x16xf32>
      tpu.vector_store %arg10[%swap3A_106, %swap3A_107], %swap3A_110 {strides = array<i32>} : memref<128x128xf32, #tpu.memory_space<vmem>>, vector<1x16xf32>,
    }
    %scan3A_5 = arith.constant 128 : i32
    %mul3A = arith.constant 640 : i32
    %mul3A_6 = arith.muli %arg1, %mul3A : i32
    %add3A = arith.constant 0 : i32
    %add3A_7 = arith.addi %mul3A_6, %add3A : i32
    "tpu.region"() ({
      %run_scoped3A = tpu.sem_alloc : memref<!tpu.dma_semaphore, #tpu.memory_space<semaphore_mem>>
      %dma_start3A = arith.constant 0 : i32
      %dma_start3A_71 = tpu.memref_slice %arg11[%add3A_7, %dma_start3A] : memref<10240x128xf32, #tpu.memory_space<vmem_shared>> -> memref<128x128xf32, #tpu.memory_space<vmem_shared>>
      %dma_start3A_72 = arith.constant 0 : i32
      %dma_start3A_73 = tpu.memref_slice %arg11[%add3A_7, %dma_start3A_72] : memref<10240x128xf32, #tpu.memory_space<vmem_shared>> -> memref<128x128xf32, #tpu.memory_space<vmem_shared>>
      tpu.enqueue_dma source(%arg10 : memref<128x128xf32, #tpu.memory_space<vmem>>) target(%dma_start3A_73 : memref<128x128xf32, #tpu.memory_space<vmem_shared>>) target_semaphore(%run_scoped3A : memref<!tpu.dma_semaphore, #tpu.memory_space<semaphore_mem>>)
      %dma_wait3A = arith.constant 0 : i32
      %dma_wait3A_74 = tpu.memref_slice %arg11[%add3A_7, %dma_wait3A] : memref<10240x128xf32, #tpu.memory_space<vmem_shared>> -> memref<128x128xf32, #tpu.memory_space<vmem_shared>>
      %dma_wait3A_75 = arith.constant 0 : i32
      %dma_wait3A_76 = tpu.memref_slice %arg11[%add3A_7, %dma_wait3A_75] : memref<10240x128xf32, #tpu.memory_space<vmem_shared>> -> memref<128x128xf32, #tpu.memory_space<vmem_shared>>
      tpu.wait_dma2 semaphore(%run_scoped3A : memref<!tpu.dma_semaphore, #tpu.memory_space<semaphore_mem>>) src(%arg10 : memref<128x128xf32, #tpu.memory_space<vmem>>) dst(%dma_wait3A_76 : memref<128x128xf32, #tpu.memory_space<vmem_shared>>)
      tpu.yield
    }) : () -> ()
    %mul3A_8 = arith.constant 640 : i32
    %mul3A_9 = arith.muli %arg1, %mul3A_8 : i32
    %add3A_10 = arith.constant 128 : i32
    %add3A_11 = arith.addi %mul3A_9, %add3A_10 : i32
    "tpu.region"() ({
      %run_scoped3A = tpu.sem_alloc : memref<!tpu.dma_semaphore, #tpu.memory_space<semaphore_mem>>
      %dma_start3A = arith.constant 0 : i32
      %dma_start3A_71 = tpu.memref_slice %arg11[%add3A_11, %dma_start3A] : memref<10240x128xf32, #tpu.memory_space<vmem_shared>> -> memref<128x128xf32, #tpu.memory_space<vmem_shared>>
      %dma_start3A_72 = arith.constant 0 : i32
      %dma_start3A_73 = tpu.memref_slice %arg11[%add3A_11, %dma_start3A_72] : memref<10240x128xf32, #tpu.memory_space<vmem_shared>> -> memref<128x128xf32, #tpu.memory_space<vmem_shared>>
      tpu.enqueue_dma source(%arg10 : memref<128x128xf32, #tpu.memory_space<vmem>>) target(%dma_start3A_73 : memref<128x128xf32, #tpu.memory_space<vmem_shared>>) target_semaphore(%run_scoped3A : memref<!tpu.dma_semaphore, #tpu.memory_space<semaphore_mem>>)
      %dma_wait3A = arith.constant 0 : i32
      %dma_wait3A_74 = tpu.memref_slice %arg11[%add3A_11, %dma_wait3A] : memref<10240x128xf32, #tpu.memory_space<vmem_shared>> -> memref<128x128xf32, #tpu.memory_space<vmem_shared>>
      %dma_wait3A_75 = arith.constant 0 : i32
      %dma_wait3A_76 = tpu.memref_slice %arg11[%add3A_11, %dma_wait3A_75] : memref<10240x128xf32, #tpu.memory_space<vmem_shared>> -> memref<128x128xf32, #tpu.memory_space<vmem_shared>>
      tpu.wait_dma2 semaphore(%run_scoped3A : memref<!tpu.dma_semaphore, #tpu.memory_space<semaphore_mem>>) src(%arg10 : memref<128x128xf32, #tpu.memory_space<vmem>>) dst(%dma_wait3A_76 : memref<128x128xf32, #tpu.memory_space<vmem_shared>>)
      tpu.yield
    }) : () -> ()
    %mul3A_12 = arith.constant 640 : i32
    %mul3A_13 = arith.muli %arg1, %mul3A_12 : i32
    %add3A_14 = arith.constant 256 : i32
    %add3A_15 = arith.addi %mul3A_13, %add3A_14 : i32
    "tpu.region"() ({
      %run_scoped3A = tpu.sem_alloc : memref<!tpu.dma_semaphore, #tpu.memory_space<semaphore_mem>>
      %dma_start3A = arith.constant 0 : i32
      %dma_start3A_71 = tpu.memref_slice %arg11[%add3A_15, %dma_start3A] : memref<10240x128xf32, #tpu.memory_space<vmem_shared>> -> memref<128x128xf32, #tpu.memory_space<vmem_shared>>
      %dma_start3A_72 = arith.constant 0 : i32
      %dma_start3A_73 = tpu.memref_slice %arg11[%add3A_15, %dma_start3A_72] : memref<10240x128xf32, #tpu.memory_space<vmem_shared>> -> memref<128x128xf32, #tpu.memory_space<vmem_shared>>
      tpu.enqueue_dma source(%arg10 : memref<128x128xf32, #tpu.memory_space<vmem>>) target(%dma_start3A_73 : memref<128x128xf32, #tpu.memory_space<vmem_shared>>) target_semaphore(%run_scoped3A : memref<!tpu.dma_semaphore, #tpu.memory_space<semaphore_mem>>)
      %dma_wait3A = arith.constant 0 : i32
      %dma_wait3A_74 = tpu.memref_slice %arg11[%add3A_15, %dma_wait3A] : memref<10240x128xf32, #tpu.memory_space<vmem_shared>> -> memref<128x128xf32, #tpu.memory_space<vmem_shared>>
      %dma_wait3A_75 = arith.constant 0 : i32
      %dma_wait3A_76 = tpu.memref_slice %arg11[%add3A_15, %dma_wait3A_75] : memref<10240x128xf32, #tpu.memory_space<vmem_shared>> -> memref<128x128xf32, #tpu.memory_space<vmem_shared>>
      tpu.wait_dma2 semaphore(%run_scoped3A : memref<!tpu.dma_semaphore, #tpu.memory_space<semaphore_mem>>) src(%arg10 : memref<128x128xf32, #tpu.memory_space<vmem>>) dst(%dma_wait3A_76 : memref<128x128xf32, #tpu.memory_space<vmem_shared>>)
      tpu.yield
    }) : () -> ()
    %mul3A_16 = arith.constant 640 : i32
    %mul3A_17 = arith.muli %arg1, %mul3A_16 : i32
    %add3A_18 = arith.constant 384 : i32
    %add3A_19 = arith.addi %mul3A_17, %add3A_18 : i32
    "tpu.region"() ({
      %run_scoped3A = tpu.sem_alloc : memref<!tpu.dma_semaphore, #tpu.memory_space<semaphore_mem>>
      %dma_start3A = arith.constant 0 : i32
      %dma_start3A_71 = tpu.memref_slice %arg11[%add3A_19, %dma_start3A] : memref<10240x128xf32, #tpu.memory_space<vmem_shared>> -> memref<128x128xf32, #tpu.memory_space<vmem_shared>>
      %dma_start3A_72 = arith.constant 0 : i32
      %dma_start3A_73 = tpu.memref_slice %arg11[%add3A_19, %dma_start3A_72] : memref<10240x128xf32, #tpu.memory_space<vmem_shared>> -> memref<128x128xf32, #tpu.memory_space<vmem_shared>>
      tpu.enqueue_dma source(%arg10 : memref<128x128xf32, #tpu.memory_space<vmem>>) target(%dma_start3A_73 : memref<128x128xf32, #tpu.memory_space<vmem_shared>>) target_semaphore(%run_scoped3A : memref<!tpu.dma_semaphore, #tpu.memory_space<semaphore_mem>>)
      %dma_wait3A = arith.constant 0 : i32
      %dma_wait3A_74 = tpu.memref_slice %arg11[%add3A_19, %dma_wait3A] : memref<10240x128xf32, #tpu.memory_space<vmem_shared>> -> memref<128x128xf32, #tpu.memory_space<vmem_shared>>
      %dma_wait3A_75 = arith.constant 0 : i32
      %dma_wait3A_76 = tpu.memref_slice %arg11[%add3A_19, %dma_wait3A_75] : memref<10240x128xf32, #tpu.memory_space<vmem_shared>> -> memref<128x128xf32, #tpu.memory_space<vmem_shared>>
      tpu.wait_dma2 semaphore(%run_scoped3A : memref<!tpu.dma_semaphore, #tpu.memory_space<semaphore_mem>>) src(%arg10 : memref<128x128xf32, #tpu.memory_space<vmem>>) dst(%dma_wait3A_76 : memref<128x128xf32, #tpu.memory_space<vmem_shared>>)
      tpu.yield
    }) : () -> ()
    %mul3A_20 = arith.constant 640 : i32
    %mul3A_21 = arith.muli %arg1, %mul3A_20 : i32
    %add3A_22 = arith.constant 512 : i32
    %add3A_23 = arith.addi %mul3A_21, %add3A_22 : i32
    "tpu.region"() ({
      %run_scoped3A = tpu.sem_alloc : memref<!tpu.dma_semaphore, #tpu.memory_space<semaphore_mem>>
      %dma_start3A = arith.constant 0 : i32
      %dma_start3A_71 = tpu.memref_slice %arg11[%add3A_23, %dma_start3A] : memref<10240x128xf32, #tpu.memory_space<vmem_shared>> -> memref<128x128xf32, #tpu.memory_space<vmem_shared>>
      %dma_start3A_72 = arith.constant 0 : i32
      %dma_start3A_73 = tpu.memref_slice %arg11[%add3A_23, %dma_start3A_72] : memref<10240x128xf32, #tpu.memory_space<vmem_shared>> -> memref<128x128xf32, #tpu.memory_space<vmem_shared>>
      tpu.enqueue_dma source(%arg10 : memref<128x128xf32, #tpu.memory_space<vmem>>) target(%dma_start3A_73 : memref<128x128xf32, #tpu.memory_space<vmem_shared>>) target_semaphore(%run_scoped3A : memref<!tpu.dma_semaphore, #tpu.memory_space<semaphore_mem>>)
      %dma_wait3A = arith.constant 0 : i32
      %dma_wait3A_74 = tpu.memref_slice %arg11[%add3A_23, %dma_wait3A] : memref<10240x128xf32, #tpu.memory_space<vmem_shared>> -> memref<128x128xf32, #tpu.memory_space<vmem_shared>>
      %dma_wait3A_75 = arith.constant 0 : i32
      %dma_wait3A_76 = tpu.memref_slice %arg11[%add3A_23, %dma_wait3A_75] : memref<10240x128xf32, #tpu.memory_space<vmem_shared>> -> memref<128x128xf32, #tpu.memory_space<vmem_shared>>
      tpu.wait_dma2 semaphore(%run_scoped3A : memref<!tpu.dma_semaphore, #tpu.memory_space<semaphore_mem>>) src(%arg10 : memref<128x128xf32, #tpu.memory_space<vmem>>) dst(%dma_wait3A_76 : memref<128x128xf32, #tpu.memory_space<vmem_shared>>)
      tpu.yield
    }) : () -> ()
    %barrier3A = arith.constant 0 : index
    tpu.barrier barrier_id(%barrier3A)
    %scan3A_24 = arith.constant 0 : i32
    %scan3A_25 = arith.constant 0 : i32
    %scan3A_26 = arith.constant 79 : i32
    %scan3A_27 = arith.addi %scan3A_25, %scan3A_26 : i32
    %scan3A_28 = arith.constant 1 : i32
    scf.for %scan3A_71 = %scan3A_25 to %scan3A_27 step %scan3A_28  : i32 {
      %dma_start3A = arith.constant 0 : i32
      %dma_start3A_72 = tpu.memref_slice %arg7[%scan3A_71, %dma_start3A] : memref<79x128xi32, #tpu.memory_space<vmem>> -> memref<1x128xi32, #tpu.memory_space<vmem>>
      %dma_start3A_73 = tpu.memref_squeeze %dma_start3A_72 : memref<1x128xi32, #tpu.memory_space<vmem>> -> memref<128xi32, #tpu.memory_space<vmem>>
      %dma_start3A_74 = arith.constant 0 : i32
      %dma_start3A_75 = arith.constant 0 : i32
      %dma_start3A_76 = tpu.memref_slice %arg2[%dma_start3A_74, %dma_start3A_75] : memref<10000x128xf32, #tpu.memory_space<hbm>> -> memref<10000x128xf32, #tpu.memory_space<hbm>>
      tpu.enqueue_indirect_dma source(%dma_start3A_76 : memref<10000x128xf32, #tpu.memory_space<hbm>>) target(%arg10 : memref<128x128xf32, #tpu.memory_space<vmem>>) offsets(%dma_start3A_73 : memref<128xi32, #tpu.memory_space<vmem>>) semaphore(%arg12 : memref<!tpu.dma_semaphore, #tpu.memory_space<semaphore_mem>>)
      %dma_wait3A = arith.constant 0 : i32
      %dma_wait3A_77 = tpu.memref_slice %arg7[%scan3A_71, %dma_wait3A] : memref<79x128xi32, #tpu.memory_space<vmem>> -> memref<1x128xi32, #tpu.memory_space<vmem>>
      %dma_wait3A_78 = tpu.memref_squeeze %dma_wait3A_77 : memref<1x128xi32, #tpu.memory_space<vmem>> -> memref<128xi32, #tpu.memory_space<vmem>>
      %dma_wait3A_79 = arith.constant 0 : i32
      %dma_wait3A_80 = arith.constant 0 : i32
      %dma_wait3A_81 = tpu.memref_slice %arg2[%dma_wait3A_79, %dma_wait3A_80] : memref<10000x128xf32, #tpu.memory_space<hbm>> -> memref<10000x128xf32, #tpu.memory_space<hbm>>
      tpu.wait_indirect_dma semaphore(%arg12 : memref<!tpu.dma_semaphore, #tpu.memory_space<semaphore_mem>>) src(%dma_wait3A_81 : memref<10000x128xf32, #tpu.memory_space<hbm>>) dst(%arg10 : memref<128x128xf32, #tpu.memory_space<vmem>>)
      %scan3A_82 = arith.constant 0 : i32
      %scan3A_83 = arith.constant 0 : i32
      %scan3A_84 = arith.constant 8 : i32
      %scan3A_85 = arith.addi %scan3A_83, %scan3A_84 : i32
      %scan3A_86 = arith.constant 1 : i32
      scf.for %scan3A_88 = %scan3A_83 to %scan3A_85 step %scan3A_86  : i32 {
        %mul3A_89 = arith.constant 16 : i32
        %mul3A_90 = arith.muli %scan3A_88, %mul3A_89 : i32
        %get3A = arith.index_cast %scan3A_71 : i32 to index
        %get3A_91 = arith.index_cast %mul3A_90 : i32 to index
        %get3A_92 = tpu.vector_load %arg9[%get3A, %get3A_91] {strides = array<i32>} : memref<79x128xf32, #tpu.memory_space<vmem>>, vector<1x16xf32>,
        %get3A_93 = vector.shape_cast %get3A_92 : vector<1x16xf32> to vector<16xf32>
        %broadcast_in_dim3A_94 = arith.constant 0 : i32
        %broadcast_in_dim3A_95 = vector.broadcast %broadcast_in_dim3A_94 : i32 to vector<16xi32>
        %broadcast_in_dim3A_96 = vector.shape_cast %broadcast_in_dim3A_95 : vector<16xi32> to vector<16x1xi32>
        %gather3A = vector.shape_cast %broadcast_in_dim3A_96 : vector<16x1xi32> to vector<16xi32>
        %gather3A_97 = tpu.dynamic_gather %get3A_93[%gather3A] in [0] : vector<16xf32>, vector<16xi32> -> vector<16xf32>
        %mul3A_98 = arith.constant 16 : i32
        %mul3A_99 = arith.muli %scan3A_88, %mul3A_98 : i32
        %add3A_100 = arith.constant 0 : i32
        %add3A_101 = arith.addi %mul3A_99, %add3A_100 : i32
        %get3A_102 = arith.index_cast %add3A_101 : i32 to index
        %get3A_103 = arith.constant 0 : index
        %get3A_104 = tpu.vector_load %arg10[%get3A_102, %get3A_103] {strides = array<i32>} : memref<128x128xf32, #tpu.memory_space<vmem>>, vector<1x16xf32>,
        %get3A_105 = vector.shape_cast %get3A_104 : vector<1x16xf32> to vector<16xf32>
        %mul3A_106 = arith.mulf %get3A_105, %gather3A_97 : vector<16xf32>
        %swap3A = arith.index_cast %add3A_101 : i32 to index
        %swap3A_107 = arith.constant 0 : index
        %swap3A_108 = tpu.vector_load %arg10[%swap3A, %swap3A_107] {strides = array<i32>} : memref<128x128xf32, #tpu.memory_space<vmem>>, vector<1x16xf32>,
        %swap3A_109 = vector.shape_cast %swap3A_108 : vector<1x16xf32> to vector<16xf32>
        %swap3A_110 = vector.shape_cast %mul3A_106 : vector<16xf32> to vector<1x16xf32>
        tpu.vector_store %arg10[%swap3A, %swap3A_107], %swap3A_110 {strides = array<i32>} : memref<128x128xf32, #tpu.memory_space<vmem>>, vector<1x16xf32>,
        %get3A_111 = arith.index_cast %add3A_101 : i32 to index
        %get3A_112 = arith.constant 16 : index
        %get3A_113 = tpu.vector_load %arg10[%get3A_111, %get3A_112] {strides = array<i32>} : memref<128x128xf32, #tpu.memory_space<vmem>>, vector<1x16xf32>,
        %get3A_114 = vector.shape_cast %get3A_113 : vector<1x16xf32> to vector<16xf32>
        %mul3A_115 = arith.mulf %get3A_114, %gather3A_97 : vector<16xf32>
        %swap3A_116 = arith.index_cast %add3A_101 : i32 to index
        %swap3A_117 = arith.constant 16 : index
        %swap3A_118 = tpu.vector_load %arg10[%swap3A_116, %swap3A_117] {strides = array<i32>} : memref<128x128xf32, #tpu.memory_space<vmem>>, vector<1x16xf32>,
        %swap3A_119 = vector.shape_cast %swap3A_118 : vector<1x16xf32> to vector<16xf32>
        %swap3A_120 = vector.shape_cast %mul3A_115 : vector<16xf32> to vector<1x16xf32>
        tpu.vector_store %arg10[%swap3A_116, %swap3A_117], %swap3A_120 {strides = array<i32>} : memref<128x128xf32, #tpu.memory_space<vmem>>, vector<1x16xf32>,
        %get3A_121 = arith.index_cast %add3A_101 : i32 to index
        %get3A_122 = arith.constant 32 : index
        %get3A_123 = tpu.vector_load %arg10[%get3A_121, %get3A_122] {strides = array<i32>} : memref<128x128xf32, #tpu.memory_space<vmem>>, vector<1x16xf32>,
        %get3A_124 = vector.shape_cast %get3A_123 : vector<1x16xf32> to vector<16xf32>
        %mul3A_125 = arith.mulf %get3A_124, %gather3A_97 : vector<16xf32>
        %swap3A_126 = arith.index_cast %add3A_101 : i32 to index
        %swap3A_127 = arith.constant 32 : index
        %swap3A_128 = tpu.vector_load %arg10[%swap3A_126, %swap3A_127] {strides = array<i32>} : memref<128x128xf32, #tpu.memory_space<vmem>>, vector<1x16xf32>,
        %swap3A_129 = vector.shape_cast %swap3A_128 : vector<1x16xf32> to vector<16xf32>
        %swap3A_130 = vector.shape_cast %mul3A_125 : vector<16xf32> to vector<1x16xf32>
        tpu.vector_store %arg10[%swap3A_126, %swap3A_127], %swap3A_130 {strides = array<i32>} : memref<128x128xf32, #tpu.memory_space<vmem>>, vector<1x16xf32>,
        %get3A_131 = arith.index_cast %add3A_101 : i32 to index
        %get3A_132 = arith.constant 48 : index
        %get3A_133 = tpu.vector_load %arg10[%get3A_131, %get3A_132] {strides = array<i32>} : memref<128x128xf32, #tpu.memory_space<vmem>>, vector<1x16xf32>,
        %get3A_134 = vector.shape_cast %get3A_133 : vector<1x16xf32> to vector<16xf32>
        %mul3A_135 = arith.mulf %get3A_134, %gather3A_97 : vector<16xf32>
        %swap3A_136 = arith.index_cast %add3A_101 : i32 to index
        %swap3A_137 = arith.constant 48 : index
        %swap3A_138 = tpu.vector_load %arg10[%swap3A_136, %swap3A_137] {strides = array<i32>} : memref<128x128xf32, #tpu.memory_space<vmem>>, vector<1x16xf32>,
        %swap3A_139 = vector.shape_cast %swap3A_138 : vector<1x16xf32> to vector<16xf32>
        %swap3A_140 = vector.shape_cast %mul3A_135 : vector<16xf32> to vector<1x16xf32>
        tpu.vector_store %arg10[%swap3A_136, %swap3A_137], %swap3A_140 {strides = array<i32>} : memref<128x128xf32, #tpu.memory_space<vmem>>, vector<1x16xf32>,
        %get3A_141 = arith.index_cast %add3A_101 : i32 to index
        %get3A_142 = arith.constant 64 : index
        %get3A_143 = tpu.vector_load %arg10[%get3A_141, %get3A_142] {strides = array<i32>} : memref<128x128xf32, #tpu.memory_space<vmem>>, vector<1x16xf32>,
        %get3A_144 = vector.shape_cast %get3A_143 : vector<1x16xf32> to vector<16xf32>
        %mul3A_145 = arith.mulf %get3A_144, %gather3A_97 : vector<16xf32>
        %swap3A_146 = arith.index_cast %add3A_101 : i32 to index
        %swap3A_147 = arith.constant 64 : index
        %swap3A_148 = tpu.vector_load %arg10[%swap3A_146, %swap3A_147] {strides = array<i32>} : memref<128x128xf32, #tpu.memory_space<vmem>>, vector<1x16xf32>,
        %swap3A_149 = vector.shape_cast %swap3A_148 : vector<1x16xf32> to vector<16xf32>
        %swap3A_150 = vector.shape_cast %mul3A_145 : vector<16xf32> to vector<1x16xf32>
        tpu.vector_store %arg10[%swap3A_146, %swap3A_147], %swap3A_150 {strides = array<i32>} : memref<128x128xf32, #tpu.memory_space<vmem>>, vector<1x16xf32>,
        %get3A_151 = arith.index_cast %add3A_101 : i32 to index
        %get3A_152 = arith.constant 80 : index
        %get3A_153 = tpu.vector_load %arg10[%get3A_151, %get3A_152] {strides = array<i32>} : memref<128x128xf32, #tpu.memory_space<vmem>>, vector<1x16xf32>,
        %get3A_154 = vector.shape_cast %get3A_153 : vector<1x16xf32> to vector<16xf32>
        %mul3A_155 = arith.mulf %get3A_154, %gather3A_97 : vector<16xf32>
        %swap3A_156 = arith.index_cast %add3A_101 : i32 to index
        %swap3A_157 = arith.constant 80 : index
        %swap3A_158 = tpu.vector_load %arg10[%swap3A_156, %swap3A_157] {strides = array<i32>} : memref<128x128xf32, #tpu.memory_space<vmem>>, vector<1x16xf32>,
        %swap3A_159 = vector.shape_cast %swap3A_158 : vector<1x16xf32> to vector<16xf32>
        %swap3A_160 = vector.shape_cast %mul3A_155 : vector<16xf32> to vector<1x16xf32>
        tpu.vector_store %arg10[%swap3A_156, %swap3A_157], %swap3A_160 {strides = array<i32>} : memref<128x128xf32, #tpu.memory_space<vmem>>, vector<1x16xf32>,
        %get3A_161 = arith.index_cast %add3A_101 : i32 to index
        %get3A_162 = arith.constant 96 : index
        %get3A_163 = tpu.vector_load %arg10[%get3A_161, %get3A_162] {strides = array<i32>} : memref<128x128xf32, #tpu.memory_space<vmem>>, vector<1x16xf32>,
        %get3A_164 = vector.shape_cast %get3A_163 : vector<1x16xf32> to vector<16xf32>
        %mul3A_165 = arith.mulf %get3A_164, %gather3A_97 : vector<16xf32>
        %swap3A_166 = arith.index_cast %add3A_101 : i32 to index
        %swap3A_167 = arith.constant 96 : index
        %swap3A_168 = tpu.vector_load %arg10[%swap3A_166, %swap3A_167] {strides = array<i32>} : memref<128x128xf32, #tpu.memory_space<vmem>>, vector<1x16xf32>,
        %swap3A_169 = vector.shape_cast %swap3A_168 : vector<1x16xf32> to vector<16xf32>
        %swap3A_170 = vector.shape_cast %mul3A_165 : vector<16xf32> to vector<1x16xf32>
        tpu.vector_store %arg10[%swap3A_166, %swap3A_167], %swap3A_170 {strides = array<i32>} : memref<128x128xf32, #tpu.memory_space<vmem>>, vector<1x16xf32>,
        %get3A_171 = arith.index_cast %add3A_101 : i32 to index
        %get3A_172 = arith.constant 112 : index
        %get3A_173 = tpu.vector_load %arg10[%get3A_171, %get3A_172] {strides = array<i32>} : memref<128x128xf32, #tpu.memory_space<vmem>>, vector<1x16xf32>,
        %get3A_174 = vector.shape_cast %get3A_173 : vector<1x16xf32> to vector<16xf32>
        %mul3A_175 = arith.mulf %get3A_174, %gather3A_97 : vector<16xf32>
        %swap3A_176 = arith.index_cast %add3A_101 : i32 to index
        %swap3A_177 = arith.constant 112 : index
        %swap3A_178 = tpu.vector_load %arg10[%swap3A_176, %swap3A_177] {strides = array<i32>} : memref<128x128xf32, #tpu.memory_space<vmem>>, vector<1x16xf32>,
        %swap3A_179 = vector.shape_cast %swap3A_178 : vector<1x16xf32> to vector<16xf32>
        %swap3A_180 = vector.shape_cast %mul3A_175 : vector<16xf32> to vector<1x16xf32>
        tpu.vector_store %arg10[%swap3A_176, %swap3A_177], %swap3A_180 {strides = array<i32>} : memref<128x128xf32, #tpu.memory_space<vmem>>, vector<1x16xf32>,
        %broadcast_in_dim3A_181 = arith.constant 1 : i32
        %broadcast_in_dim3A_182 = vector.broadcast %broadcast_in_dim3A_181 : i32 to vector<16xi32>
        %broadcast_in_dim3A_183 = vector.shape_cast %broadcast_in_dim3A_182 : vector<16xi32> to vector<16x1xi32>
        %gather3A_184 = vector.shape_cast %broadcast_in_dim3A_183 : vector<16x1xi32> to vector<16xi32>
        %gather3A_185 = tpu.dynamic_gather %get3A_93[%gather3A_184] in [0] : vector<16xf32>, vector<16xi32> -> vector<16xf32>
        %mul3A_186 = arith.constant 16 : i32
        %mul3A_187 = arith.muli %scan3A_88, %mul3A_186 : i32
        %add3A_188 = arith.constant 1 : i32
        %add3A_189 = arith.addi %mul3A_187, %add3A_188 : i32
        %get3A_190 = arith.index_cast %add3A_189 : i32 to index
        %get3A_191 = arith.constant 0 : index
        %get3A_192 = tpu.vector_load %arg10[%get3A_190, %get3A_191] {strides = array<i32>} : memref<128x128xf32, #tpu.memory_space<vmem>>, vector<1x16xf32>,
        %get3A_193 = vector.shape_cast %get3A_192 : vector<1x16xf32> to vector<16xf32>
        %mul3A_194 = arith.mulf %get3A_193, %gather3A_185 : vector<16xf32>
        %swap3A_195 = arith.index_cast %add3A_189 : i32 to index
        %swap3A_196 = arith.constant 0 : index
        %swap3A_197 = tpu.vector_load %arg10[%swap3A_195, %swap3A_196] {strides = array<i32>} : memref<128x128xf32, #tpu.memory_space<vmem>>, vector<1x16xf32>,
        %swap3A_198 = vector.shape_cast %swap3A_197 : vector<1x16xf32> to vector<16xf32>
        %swap3A_199 = vector.shape_cast %mul3A_194 : vector<16xf32> to vector<1x16xf32>
        tpu.vector_store %arg10[%swap3A_195, %swap3A_196], %swap3A_199 {strides = array<i32>} : memref<128x128xf32, #tpu.memory_space<vmem>>, vector<1x16xf32>,
        %get3A_200 = arith.index_cast %add3A_189 : i32 to index
        %get3A_201 = arith.constant 16 : index
        %get3A_202 = tpu.vector_load %arg10[%get3A_200, %get3A_201] {strides = array<i32>} : memref<128x128xf32, #tpu.memory_space<vmem>>, vector<1x16xf32>,
        %get3A_203 = vector.shape_cast %get3A_202 : vector<1x16xf32> to vector<16xf32>
        %mul3A_204 = arith.mulf %get3A_203, %gather3A_185 : vector<16xf32>
        %swap3A_205 = arith.index_cast %add3A_189 : i32 to index
        %swap3A_206 = arith.constant 16 : index
        %swap3A_207 = tpu.vector_load %arg10[%swap3A_205, %swap3A_206] {strides = array<i32>} : memref<128x128xf32, #tpu.memory_space<vmem>>, vector<1x16xf32>,
        %swap3A_208 = vector.shape_cast %swap3A_207 : vector<1x16xf32> to vector<16xf32>
        %swap3A_209 = vector.shape_cast %mul3A_204 : vector<16xf32> to vector<1x16xf32>
        tpu.vector_store %arg10[%swap3A_205, %swap3A_206], %swap3A_209 {strides = array<i32>} : memref<128x128xf32, #tpu.memory_space<vmem>>, vector<1x16xf32>,
        %get3A_210 = arith.index_cast %add3A_189 : i32 to index
        %get3A_211 = arith.constant 32 : index
        %get3A_212 = tpu.vector_load %arg10[%get3A_210, %get3A_211] {strides = array<i32>} : memref<128x128xf32, #tpu.memory_space<vmem>>, vector<1x16xf32>,
        %get3A_213 = vector.shape_cast %get3A_212 : vector<1x16xf32> to vector<16xf32>
        %mul3A_214 = arith.mulf %get3A_213, %gather3A_185 : vector<16xf32>
        %swap3A_215 = arith.index_cast %add3A_189 : i32 to index
        %swap3A_216 = arith.constant 32 : index
        %swap3A_217 = tpu.vector_load %arg10[%swap3A_215, %swap3A_216] {strides = array<i32>} : memref<128x128xf32, #tpu.memory_space<vmem>>, vector<1x16xf32>,
        %swap3A_218 = vector.shape_cast %swap3A_217 : vector<1x16xf32> to vector<16xf32>
        %swap3A_219 = vector.shape_cast %mul3A_214 : vector<16xf32> to vector<1x16xf32>
        tpu.vector_store %arg10[%swap3A_215, %swap3A_216], %swap3A_219 {strides = array<i32>} : memref<128x128xf32, #tpu.memory_space<vmem>>, vector<1x16xf32>,
        %get3A_220 = arith.index_cast %add3A_189 : i32 to index
        %get3A_221 = arith.constant 48 : index
        %get3A_222 = tpu.vector_load %arg10[%get3A_220, %get3A_221] {strides = array<i32>} : memref<128x128xf32, #tpu.memory_space<vmem>>, vector<1x16xf32>,
        %get3A_223 = vector.shape_cast %get3A_222 : vector<1x16xf32> to vector<16xf32>
        %mul3A_224 = arith.mulf %get3A_223, %gather3A_185 : vector<16xf32>
        %swap3A_225 = arith.index_cast %add3A_189 : i32 to index
        %swap3A_226 = arith.constant 48 : index
        %swap3A_227 = tpu.vector_load %arg10[%swap3A_225, %swap3A_226] {strides = array<i32>} : memref<128x128xf32, #tpu.memory_space<vmem>>, vector<1x16xf32>,
        %swap3A_228 = vector.shape_cast %swap3A_227 : vector<1x16xf32> to vector<16xf32>
        %swap3A_229 = vector.shape_cast %mul3A_224 : vector<16xf32> to vector<1x16xf32>
        tpu.vector_store %arg10[%swap3A_225, %swap3A_226], %swap3A_229 {strides = array<i32>} : memref<128x128xf32, #tpu.memory_space<vmem>>, vector<1x16xf32>,
        %get3A_230 = arith.index_cast %add3A_189 : i32 to index
        %get3A_231 = arith.constant 64 : index
        %get3A_232 = tpu.vector_load %arg10[%get3A_230, %get3A_231] {strides = array<i32>} : memref<128x128xf32, #tpu.memory_space<vmem>>, vector<1x16xf32>,
        %get3A_233 = vector.shape_cast %get3A_232 : vector<1x16xf32> to vector<16xf32>
        %mul3A_234 = arith.mulf %get3A_233, %gather3A_185 : vector<16xf32>
        %swap3A_235 = arith.index_cast %add3A_189 : i32 to index
        %swap3A_236 = arith.constant 64 : index
        %swap3A_237 = tpu.vector_load %arg10[%swap3A_235, %swap3A_236] {strides = array<i32>} : memref<128x128xf32, #tpu.memory_space<vmem>>, vector<1x16xf32>,
        %swap3A_238 = vector.shape_cast %swap3A_237 : vector<1x16xf32> to vector<16xf32>
        %swap3A_239 = vector.shape_cast %mul3A_234 : vector<16xf32> to vector<1x16xf32>
        tpu.vector_store %arg10[%swap3A_235, %swap3A_236], %swap3A_239 {strides = array<i32>} : memref<128x128xf32, #tpu.memory_space<vmem>>, vector<1x16xf32>,
        %get3A_240 = arith.index_cast %add3A_189 : i32 to index
        %get3A_241 = arith.constant 80 : index
        %get3A_242 = tpu.vector_load %arg10[%get3A_240, %get3A_241] {strides = array<i32>} : memref<128x128xf32, #tpu.memory_space<vmem>>, vector<1x16xf32>,
        %get3A_243 = vector.shape_cast %get3A_242 : vector<1x16xf32> to vector<16xf32>
        %mul3A_244 = arith.mulf %get3A_243, %gather3A_185 : vector<16xf32>
        %swap3A_245 = arith.index_cast %add3A_189 : i32 to index
        %swap3A_246 = arith.constant 80 : index
        %swap3A_247 = tpu.vector_load %arg10[%swap3A_245, %swap3A_246] {strides = array<i32>} : memref<128x128xf32, #tpu.memory_space<vmem>>, vector<1x16xf32>,
        %swap3A_248 = vector.shape_cast %swap3A_247 : vector<1x16xf32> to vector<16xf32>
        %swap3A_249 = vector.shape_cast %mul3A_244 : vector<16xf32> to vector<1x16xf32>
        tpu.vector_store %arg10[%swap3A_245, %swap3A_246], %swap3A_249 {strides = array<i32>} : memref<128x128xf32, #tpu.memory_space<vmem>>, vector<1x16xf32>,
        %get3A_250 = arith.index_cast %add3A_189 : i32 to index
        %get3A_251 = arith.constant 96 : index
        %get3A_252 = tpu.vector_load %arg10[%get3A_250, %get3A_251] {strides = array<i32>} : memref<128x128xf32, #tpu.memory_space<vmem>>, vector<1x16xf32>,
        %get3A_253 = vector.shape_cast %get3A_252 : vector<1x16xf32> to vector<16xf32>
        %mul3A_254 = arith.mulf %get3A_253, %gather3A_185 : vector<16xf32>
        %swap3A_255 = arith.index_cast %add3A_189 : i32 to index
        %swap3A_256 = arith.constant 96 : index
        %swap3A_257 = tpu.vector_load %arg10[%swap3A_255, %swap3A_256] {strides = array<i32>} : memref<128x128xf32, #tpu.memory_space<vmem>>, vector<1x16xf32>,
        %swap3A_258 = vector.shape_cast %swap3A_257 : vector<1x16xf32> to vector<16xf32>
        %swap3A_259 = vector.shape_cast %mul3A_254 : vector<16xf32> to vector<1x16xf32>
        tpu.vector_store %arg10[%swap3A_255, %swap3A_256], %swap3A_259 {strides = array<i32>} : memref<128x128xf32, #tpu.memory_space<vmem>>, vector<1x16xf32>,
        %get3A_260 = arith.index_cast %add3A_189 : i32 to index
        %get3A_261 = arith.constant 112 : index
        %get3A_262 = tpu.vector_load %arg10[%get3A_260, %get3A_261] {strides = array<i32>} : memref<128x128xf32, #tpu.memory_space<vmem>>, vector<1x16xf32>,
        %get3A_263 = vector.shape_cast %get3A_262 : vector<1x16xf32> to vector<16xf32>
        %mul3A_264 = arith.mulf %get3A_263, %gather3A_185 : vector<16xf32>
        %swap3A_265 = arith.index_cast %add3A_189 : i32 to index
        %swap3A_266 = arith.constant 112 : index
        %swap3A_267 = tpu.vector_load %arg10[%swap3A_265, %swap3A_266] {strides = array<i32>} : memref<128x128xf32, #tpu.memory_space<vmem>>, vector<1x16xf32>,
        %swap3A_268 = vector.shape_cast %swap3A_267 : vector<1x16xf32> to vector<16xf32>
        %swap3A_269 = vector.shape_cast %mul3A_264 : vector<16xf32> to vector<1x16xf32>
        tpu.vector_store %arg10[%swap3A_265, %swap3A_266], %swap3A_269 {strides = array<i32>} : memref<128x128xf32, #tpu.memory_space<vmem>>, vector<1x16xf32>,
        %broadcast_in_dim3A_270 = arith.constant 2 : i32
        %broadcast_in_dim3A_271 = vector.broadcast %broadcast_in_dim3A_270 : i32 to vector<16xi32>
        %broadcast_in_dim3A_272 = vector.shape_cast %broadcast_in_dim3A_271 : vector<16xi32> to vector<16x1xi32>
        %gather3A_273 = vector.shape_cast %broadcast_in_dim3A_272 : vector<16x1xi32> to vector<16xi32>
        %gather3A_274 = tpu.dynamic_gather %get3A_93[%gather3A_273] in [0] : vector<16xf32>, vector<16xi32> -> vector<16xf32>
        %mul3A_275 = arith.constant 16 : i32
        %mul3A_276 = arith.muli %scan3A_88, %mul3A_275 : i32
        %add3A_277 = arith.constant 2 : i32
        %add3A_278 = arith.addi %mul3A_276, %add3A_277 : i32
        %get3A_279 = arith.index_cast %add3A_278 : i32 to index
        %get3A_280 = arith.constant 0 : index
        %get3A_281 = tpu.vector_load %arg10[%get3A_279, %get3A_280] {strides = array<i32>} : memref<128x128xf32, #tpu.memory_space<vmem>>, vector<1x16xf32>,
        %get3A_282 = vector.shape_cast %get3A_281 : vector<1x16xf32> to vector<16xf32>
        %mul3A_283 = arith.mulf %get3A_282, %gather3A_274 : vector<16xf32>
        %swap3A_284 = arith.index_cast %add3A_278 : i32 to index
        %swap3A_285 = arith.constant 0 : index
        %swap3A_286 = tpu.vector_load %arg10[%swap3A_284, %swap3A_285] {strides = array<i32>} : memref<128x128xf32, #tpu.memory_space<vmem>>, vector<1x16xf32>,
        %swap3A_287 = vector.shape_cast %swap3A_286 : vector<1x16xf32> to vector<16xf32>
        %swap3A_288 = vector.shape_cast %mul3A_283 : vector<16xf32> to vector<1x16xf32>
        tpu.vector_store %arg10[%swap3A_284, %swap3A_285], %swap3A_288 {strides = array<i32>} : memref<128x128xf32, #tpu.memory_space<vmem>>, vector<1x16xf32>,
        %get3A_289 = arith.index_cast %add3A_278 : i32 to index
        %get3A_290 = arith.constant 16 : index
        %get3A_291 = tpu.vector_load %arg10[%get3A_289, %get3A_290] {strides = array<i32>} : memref<128x128xf32, #tpu.memory_space<vmem>>, vector<1x16xf32>,
        %get3A_292 = vector.shape_cast %get3A_291 : vector<1x16xf32> to vector<16xf32>
        %mul3A_293 = arith.mulf %get3A_292, %gather3A_274 : vector<16xf32>
        %swap3A_294 = arith.index_cast %add3A_278 : i32 to index
        %swap3A_295 = arith.constant 16 : index
        %swap3A_296 = tpu.vector_load %arg10[%swap3A_294, %swap3A_295] {strides = array<i32>} : memref<128x128xf32, #tpu.memory_space<vmem>>, vector<1x16xf32>,
        %swap3A_297 = vector.shape_cast %swap3A_296 : vector<1x16xf32> to vector<16xf32>
        %swap3A_298 = vector.shape_cast %mul3A_293 : vector<16xf32> to vector<1x16xf32>
        tpu.vector_store %arg10[%swap3A_294, %swap3A_295], %swap3A_298 {strides = array<i32>} : memref<128x128xf32, #tpu.memory_space<vmem>>, vector<1x16xf32>,
        %get3A_299 = arith.index_cast %add3A_278 : i32 to index
        %get3A_300 = arith.constant 32 : index
        %get3A_301 = tpu.vector_load %arg10[%get3A_299, %get3A_300] {strides = array<i32>} : memref<128x128xf32, #tpu.memory_space<vmem>>, vector<1x16xf32>,
        %get3A_302 = vector.shape_cast %get3A_301 : vector<1x16xf32> to vector<16xf32>
        %mul3A_303 = arith.mulf %get3A_302, %gather3A_274 : vector<16xf32>
        %swap3A_304 = arith.index_cast %add3A_278 : i32 to index
        %swap3A_305 = arith.constant 32 : index
        %swap3A_306 = tpu.vector_load %arg10[%swap3A_304, %swap3A_305] {strides = array<i32>} : memref<128x128xf32, #tpu.memory_space<vmem>>, vector<1x16xf32>,
        %swap3A_307 = vector.shape_cast %swap3A_306 : vector<1x16xf32> to vector<16xf32>
        %swap3A_308 = vector.shape_cast %mul3A_303 : vector<16xf32> to vector<1x16xf32>
        tpu.vector_store %arg10[%swap3A_304, %swap3A_305], %swap3A_308 {strides = array<i32>} : memref<128x128xf32, #tpu.memory_space<vmem>>, vector<1x16xf32>,
        %get3A_309 = arith.index_cast %add3A_278 : i32 to index
        %get3A_310 = arith.constant 48 : index
        %get3A_311 = tpu.vector_load %arg10[%get3A_309, %get3A_310] {strides = array<i32>} : memref<128x128xf32, #tpu.memory_space<vmem>>, vector<1x16xf32>,
        %get3A_312 = vector.shape_cast %get3A_311 : vector<1x16xf32> to vector<16xf32>
        %mul3A_313 = arith.mulf %get3A_312, %gather3A_274 : vector<16xf32>
        %swap3A_314 = arith.index_cast %add3A_278 : i32 to index
        %swap3A_315 = arith.constant 48 : index
        %swap3A_316 = tpu.vector_load %arg10[%swap3A_314, %swap3A_315] {strides = array<i32>} : memref<128x128xf32, #tpu.memory_space<vmem>>, vector<1x16xf32>,
        %swap3A_317 = vector.shape_cast %swap3A_316 : vector<1x16xf32> to vector<16xf32>
        %swap3A_318 = vector.shape_cast %mul3A_313 : vector<16xf32> to vector<1x16xf32>
        tpu.vector_store %arg10[%swap3A_314, %swap3A_315], %swap3A_318 {strides = array<i32>} : memref<128x128xf32, #tpu.memory_space<vmem>>, vector<1x16xf32>,
        %get3A_319 = arith.index_cast %add3A_278 : i32 to index
        %get3A_320 = arith.constant 64 : index
        %get3A_321 = tpu.vector_load %arg10[%get3A_319, %get3A_320] {strides = array<i32>} : memref<128x128xf32, #tpu.memory_space<vmem>>, vector<1x16xf32>,
        %get3A_322 = vector.shape_cast %get3A_321 : vector<1x16xf32> to vector<16xf32>
        %mul3A_323 = arith.mulf %get3A_322, %gather3A_274 : vector<16xf32>
        %swap3A_324 = arith.index_cast %add3A_278 : i32 to index
        %swap3A_325 = arith.constant 64 : index
        %swap3A_326 = tpu.vector_load %arg10[%swap3A_324, %swap3A_325] {strides = array<i32>} : memref<128x128xf32, #tpu.memory_space<vmem>>, vector<1x16xf32>,
        %swap3A_327 = vector.shape_cast %swap3A_326 : vector<1x16xf32> to vector<16xf32>
        %swap3A_328 = vector.shape_cast %mul3A_323 : vector<16xf32> to vector<1x16xf32>
        tpu.vector_store %arg10[%swap3A_324, %swap3A_325], %swap3A_328 {strides = array<i32>} : memref<128x128xf32, #tpu.memory_space<vmem>>, vector<1x16xf32>,
        %get3A_329 = arith.index_cast %add3A_278 : i32 to index
        %get3A_330 = arith.constant 80 : index
        %get3A_331 = tpu.vector_load %arg10[%get3A_329, %get3A_330] {strides = array<i32>} : memref<128x128xf32, #tpu.memory_space<vmem>>, vector<1x16xf32>,
        %get3A_332 = vector.shape_cast %get3A_331 : vector<1x16xf32> to vector<16xf32>
        %mul3A_333 = arith.mulf %get3A_332, %gather3A_274 : vector<16xf32>
        %swap3A_334 = arith.index_cast %add3A_278 : i32 to index
        %swap3A_335 = arith.constant 80 : index
        %swap3A_336 = tpu.vector_load %arg10[%swap3A_334, %swap3A_335] {strides = array<i32>} : memref<128x128xf32, #tpu.memory_space<vmem>>, vector<1x16xf32>,
        %swap3A_337 = vector.shape_cast %swap3A_336 : vector<1x16xf32> to vector<16xf32>
        %swap3A_338 = vector.shape_cast %mul3A_333 : vector<16xf32> to vector<1x16xf32>
        tpu.vector_store %arg10[%swap3A_334, %swap3A_335], %swap3A_338 {strides = array<i32>} : memref<128x128xf32, #tpu.memory_space<vmem>>, vector<1x16xf32>,
        %get3A_339 = arith.index_cast %add3A_278 : i32 to index
        %get3A_340 = arith.constant 96 : index
        %get3A_341 = tpu.vector_load %arg10[%get3A_339, %get3A_340] {strides = array<i32>} : memref<128x128xf32, #tpu.memory_space<vmem>>, vector<1x16xf32>,
        %get3A_342 = vector.shape_cast %get3A_341 : vector<1x16xf32> to vector<16xf32>
        %mul3A_343 = arith.mulf %get3A_342, %gather3A_274 : vector<16xf32>
        %swap3A_344 = arith.index_cast %add3A_278 : i32 to index
        %swap3A_345 = arith.constant 96 : index
        %swap3A_346 = tpu.vector_load %arg10[%swap3A_344, %swap3A_345] {strides = array<i32>} : memref<128x128xf32, #tpu.memory_space<vmem>>, vector<1x16xf32>,
        %swap3A_347 = vector.shape_cast %swap3A_346 : vector<1x16xf32> to vector<16xf32>
        %swap3A_348 = vector.shape_cast %mul3A_343 : vector<16xf32> to vector<1x16xf32>
        tpu.vector_store %arg10[%swap3A_344, %swap3A_345], %swap3A_348 {strides = array<i32>} : memref<128x128xf32, #tpu.memory_space<vmem>>, vector<1x16xf32>,
        %get3A_349 = arith.index_cast %add3A_278 : i32 to index
        %get3A_350 = arith.constant 112 : index
        %get3A_351 = tpu.vector_load %arg10[%get3A_349, %get3A_350] {strides = array<i32>} : memref<128x128xf32, #tpu.memory_space<vmem>>, vector<1x16xf32>,
        %get3A_352 = vector.shape_cast %get3A_351 : vector<1x16xf32> to vector<16xf32>
        %mul3A_353 = arith.mulf %get3A_352, %gather3A_274 : vector<16xf32>
        %swap3A_354 = arith.index_cast %add3A_278 : i32 to index
        %swap3A_355 = arith.constant 112 : index
        %swap3A_356 = tpu.vector_load %arg10[%swap3A_354, %swap3A_355] {strides = array<i32>} : memref<128x128xf32, #tpu.memory_space<vmem>>, vector<1x16xf32>,
        %swap3A_357 = vector.shape_cast %swap3A_356 : vector<1x16xf32> to vector<16xf32>
        %swap3A_358 = vector.shape_cast %mul3A_353 : vector<16xf32> to vector<1x16xf32>
        tpu.vector_store %arg10[%swap3A_354, %swap3A_355], %swap3A_358 {strides = array<i32>} : memref<128x128xf32, #tpu.memory_space<vmem>>, vector<1x16xf32>,
        %broadcast_in_dim3A_359 = arith.constant 3 : i32
        %broadcast_in_dim3A_360 = vector.broadcast %broadcast_in_dim3A_359 : i32 to vector<16xi32>
        %broadcast_in_dim3A_361 = vector.shape_cast %broadcast_in_dim3A_360 : vector<16xi32> to vector<16x1xi32>
        %gather3A_362 = vector.shape_cast %broadcast_in_dim3A_361 : vector<16x1xi32> to vector<16xi32>
        %gather3A_363 = tpu.dynamic_gather %get3A_93[%gather3A_362] in [0] : vector<16xf32>, vector<16xi32> -> vector<16xf32>
        %mul3A_364 = arith.constant 16 : i32
        %mul3A_365 = arith.muli %scan3A_88, %mul3A_364 : i32
        %add3A_366 = arith.constant 3 : i32
        %add3A_367 = arith.addi %mul3A_365, %add3A_366 : i32
        %get3A_368 = arith.index_cast %add3A_367 : i32 to index
        %get3A_369 = arith.constant 0 : index
        %get3A_370 = tpu.vector_load %arg10[%get3A_368, %get3A_369] {strides = array<i32>} : memref<128x128xf32, #tpu.memory_space<vmem>>, vector<1x16xf32>,
        %get3A_371 = vector.shape_cast %get3A_370 : vector<1x16xf32> to vector<16xf32>
        %mul3A_372 = arith.mulf %get3A_371, %gather3A_363 : vector<16xf32>
        %swap3A_373 = arith.index_cast %add3A_367 : i32 to index
        %swap3A_374 = arith.constant 0 : index
        %swap3A_375 = tpu.vector_load %arg10[%swap3A_373, %swap3A_374] {strides = array<i32>} : memref<128x128xf32, #tpu.memory_space<vmem>>, vector<1x16xf32>,
        %swap3A_376 = vector.shape_cast %swap3A_375 : vector<1x16xf32> to vector<16xf32>
        %swap3A_377 = vector.shape_cast %mul3A_372 : vector<16xf32> to vector<1x16xf32>
        tpu.vector_store %arg10[%swap3A_373, %swap3A_374], %swap3A_377 {strides = array<i32>} : memref<128x128xf32, #tpu.memory_space<vmem>>, vector<1x16xf32>,
        %get3A_378 = arith.index_cast %add3A_367 : i32 to index
        %get3A_379 = arith.constant 16 : index
        %get3A_380 = tpu.vector_load %arg10[%get3A_378, %get3A_379] {strides = array<i32>} : memref<128x128xf32, #tpu.memory_space<vmem>>, vector<1x16xf32>,
        %get3A_381 = vector.shape_cast %get3A_380 : vector<1x16xf32> to vector<16xf32>
        %mul3A_382 = arith.mulf %get3A_381, %gather3A_363 : vector<16xf32>
        %swap3A_383 = arith.index_cast %add3A_367 : i32 to index
        %swap3A_384 = arith.constant 16 : index
        %swap3A_385 = tpu.vector_load %arg10[%swap3A_383, %swap3A_384] {strides = array<i32>} : memref<128x128xf32, #tpu.memory_space<vmem>>, vector<1x16xf32>,
        %swap3A_386 = vector.shape_cast %swap3A_385 : vector<1x16xf32> to vector<16xf32>
        %swap3A_387 = vector.shape_cast %mul3A_382 : vector<16xf32> to vector<1x16xf32>
        tpu.vector_store %arg10[%swap3A_383, %swap3A_384], %swap3A_387 {strides = array<i32>} : memref<128x128xf32, #tpu.memory_space<vmem>>, vector<1x16xf32>,
        %get3A_388 = arith.index_cast %add3A_367 : i32 to index
        %get3A_389 = arith.constant 32 : index
        %get3A_390 = tpu.vector_load %arg10[%get3A_388, %get3A_389] {strides = array<i32>} : memref<128x128xf32, #tpu.memory_space<vmem>>, vector<1x16xf32>,
        %get3A_391 = vector.shape_cast %get3A_390 : vector<1x16xf32> to vector<16xf32>
        %mul3A_392 = arith.mulf %get3A_391, %gather3A_363 : vector<16xf32>
        %swap3A_393 = arith.index_cast %add3A_367 : i32 to index
        %swap3A_394 = arith.constant 32 : index
        %swap3A_395 = tpu.vector_load %arg10[%swap3A_393, %swap3A_394] {strides = array<i32>} : memref<128x128xf32, #tpu.memory_space<vmem>>, vector<1x16xf32>,
        %swap3A_396 = vector.shape_cast %swap3A_395 : vector<1x16xf32> to vector<16xf32>
        %swap3A_397 = vector.shape_cast %mul3A_392 : vector<16xf32> to vector<1x16xf32>
        tpu.vector_store %arg10[%swap3A_393, %swap3A_394], %swap3A_397 {strides = array<i32>} : memref<128x128xf32, #tpu.memory_space<vmem>>, vector<1x16xf32>,
        %get3A_398 = arith.index_cast %add3A_367 : i32 to index
        %get3A_399 = arith.constant 48 : index
        %get3A_400 = tpu.vector_load %arg10[%get3A_398, %get3A_399] {strides = array<i32>} : memref<128x128xf32, #tpu.memory_space<vmem>>, vector<1x16xf32>,
        %get3A_401 = vector.shape_cast %get3A_400 : vector<1x16xf32> to vector<16xf32>
        %mul3A_402 = arith.mulf %get3A_401, %gather3A_363 : vector<16xf32>
        %swap3A_403 = arith.index_cast %add3A_367 : i32 to index
        %swap3A_404 = arith.constant 48 : index
        %swap3A_405 = tpu.vector_load %arg10[%swap3A_403, %swap3A_404] {strides = array<i32>} : memref<128x128xf32, #tpu.memory_space<vmem>>, vector<1x16xf32>,
        %swap3A_406 = vector.shape_cast %swap3A_405 : vector<1x16xf32> to vector<16xf32>
        %swap3A_407 = vector.shape_cast %mul3A_402 : vector<16xf32> to vector<1x16xf32>
        tpu.vector_store %arg10[%swap3A_403, %swap3A_404], %swap3A_407 {strides = array<i32>} : memref<128x128xf32, #tpu.memory_space<vmem>>, vector<1x16xf32>,
        %get3A_408 = arith.index_cast %add3A_367 : i32 to index
        %get3A_409 = arith.constant 64 : index
        %get3A_410 = tpu.vector_load %arg10[%get3A_408, %get3A_409] {strides = array<i32>} : memref<128x128xf32, #tpu.memory_space<vmem>>, vector<1x16xf32>,
        %get3A_411 = vector.shape_cast %get3A_410 : vector<1x16xf32> to vector<16xf32>
        %mul3A_412 = arith.mulf %get3A_411, %gather3A_363 : vector<16xf32>
        %swap3A_413 = arith.index_cast %add3A_367 : i32 to index
        %swap3A_414 = arith.constant 64 : index
        %swap3A_415 = tpu.vector_load %arg10[%swap3A_413, %swap3A_414] {strides = array<i32>} : memref<128x128xf32, #tpu.memory_space<vmem>>, vector<1x16xf32>,
        %swap3A_416 = vector.shape_cast %swap3A_415 : vector<1x16xf32> to vector<16xf32>
        %swap3A_417 = vector.shape_cast %mul3A_412 : vector<16xf32> to vector<1x16xf32>
        tpu.vector_store %arg10[%swap3A_413, %swap3A_414], %swap3A_417 {strides = array<i32>} : memref<128x128xf32, #tpu.memory_space<vmem>>, vector<1x16xf32>,
        %get3A_418 = arith.index_cast %add3A_367 : i32 to index
        %get3A_419 = arith.constant 80 : index
        %get3A_420 = tpu.vector_load %arg10[%get3A_418, %get3A_419] {strides = array<i32>} : memref<128x128xf32, #tpu.memory_space<vmem>>, vector<1x16xf32>,
        %get3A_421 = vector.shape_cast %get3A_420 : vector<1x16xf32> to vector<16xf32>
        %mul3A_422 = arith.mulf %get3A_421, %gather3A_363 : vector<16xf32>
        %swap3A_423 = arith.index_cast %add3A_367 : i32 to index
        %swap3A_424 = arith.constant 80 : index
        %swap3A_425 = tpu.vector_load %arg10[%swap3A_423, %swap3A_424] {strides = array<i32>} : memref<128x128xf32, #tpu.memory_space<vmem>>, vector<1x16xf32>,
        %swap3A_426 = vector.shape_cast %swap3A_425 : vector<1x16xf32> to vector<16xf32>
        %swap3A_427 = vector.shape_cast %mul3A_422 : vector<16xf32> to vector<1x16xf32>
        tpu.vector_store %arg10[%swap3A_423, %swap3A_424], %swap3A_427 {strides = array<i32>} : memref<128x128xf32, #tpu.memory_space<vmem>>, vector<1x16xf32>,
        %get3A_428 = arith.index_cast %add3A_367 : i32 to index
        %get3A_429 = arith.constant 96 : index
        %get3A_430 = tpu.vector_load %arg10[%get3A_428, %get3A_429] {strides = array<i32>} : memref<128x128xf32, #tpu.memory_space<vmem>>, vector<1x16xf32>,
        %get3A_431 = vector.shape_cast %get3A_430 : vector<1x16xf32> to vector<16xf32>
        %mul3A_432 = arith.mulf %get3A_431, %gather3A_363 : vector<16xf32>
        %swap3A_433 = arith.index_cast %add3A_367 : i32 to index
        %swap3A_434 = arith.constant 96 : index
        %swap3A_435 = tpu.vector_load %arg10[%swap3A_433, %swap3A_434] {strides = array<i32>} : memref<128x128xf32, #tpu.memory_space<vmem>>, vector<1x16xf32>,
        %swap3A_436 = vector.shape_cast %swap3A_435 : vector<1x16xf32> to vector<16xf32>
        %swap3A_437 = vector.shape_cast %mul3A_432 : vector<16xf32> to vector<1x16xf32>
        tpu.vector_store %arg10[%swap3A_433, %swap3A_434], %swap3A_437 {strides = array<i32>} : memref<128x128xf32, #tpu.memory_space<vmem>>, vector<1x16xf32>,
        %get3A_438 = arith.index_cast %add3A_367 : i32 to index
        %get3A_439 = arith.constant 112 : index
        %get3A_440 = tpu.vector_load %arg10[%get3A_438, %get3A_439] {strides = array<i32>} : memref<128x128xf32, #tpu.memory_space<vmem>>, vector<1x16xf32>,
        %get3A_441 = vector.shape_cast %get3A_440 : vector<1x16xf32> to vector<16xf32>
        %mul3A_442 = arith.mulf %get3A_441, %gather3A_363 : vector<16xf32>
        %swap3A_443 = arith.index_cast %add3A_367 : i32 to index
        %swap3A_444 = arith.constant 112 : index
        %swap3A_445 = tpu.vector_load %arg10[%swap3A_443, %swap3A_444] {strides = array<i32>} : memref<128x128xf32, #tpu.memory_space<vmem>>, vector<1x16xf32>,
        %swap3A_446 = vector.shape_cast %swap3A_445 : vector<1x16xf32> to vector<16xf32>
        %swap3A_447 = vector.shape_cast %mul3A_442 : vector<16xf32> to vector<1x16xf32>
        tpu.vector_store %arg10[%swap3A_443, %swap3A_444], %swap3A_447 {strides = array<i32>} : memref<128x128xf32, #tpu.memory_space<vmem>>, vector<1x16xf32>,
        %broadcast_in_dim3A_448 = arith.constant 4 : i32
        %broadcast_in_dim3A_449 = vector.broadcast %broadcast_in_dim3A_448 : i32 to vector<16xi32>
        %broadcast_in_dim3A_450 = vector.shape_cast %broadcast_in_dim3A_449 : vector<16xi32> to vector<16x1xi32>
        %gather3A_451 = vector.shape_cast %broadcast_in_dim3A_450 : vector<16x1xi32> to vector<16xi32>
        %gather3A_452 = tpu.dynamic_gather %get3A_93[%gather3A_451] in [0] : vector<16xf32>, vector<16xi32> -> vector<16xf32>
        %mul3A_453 = arith.constant 16 : i32
        %mul3A_454 = arith.muli %scan3A_88, %mul3A_453 : i32
        %add3A_455 = arith.constant 4 : i32
        %add3A_456 = arith.addi %mul3A_454, %add3A_455 : i32
        %get3A_457 = arith.index_cast %add3A_456 : i32 to index
        %get3A_458 = arith.constant 0 : index
        %get3A_459 = tpu.vector_load %arg10[%get3A_457, %get3A_458] {strides = array<i32>} : memref<128x128xf32, #tpu.memory_space<vmem>>, vector<1x16xf32>,
        %get3A_460 = vector.shape_cast %get3A_459 : vector<1x16xf32> to vector<16xf32>
        %mul3A_461 = arith.mulf %get3A_460, %gather3A_452 : vector<16xf32>
        %swap3A_462 = arith.index_cast %add3A_456 : i32 to index
        %swap3A_463 = arith.constant 0 : index
        %swap3A_464 = tpu.vector_load %arg10[%swap3A_462, %swap3A_463] {strides = array<i32>} : memref<128x128xf32, #tpu.memory_space<vmem>>, vector<1x16xf32>,
        %swap3A_465 = vector.shape_cast %swap3A_464 : vector<1x16xf32> to vector<16xf32>
        %swap3A_466 = vector.shape_cast %mul3A_461 : vector<16xf32> to vector<1x16xf32>
        tpu.vector_store %arg10[%swap3A_462, %swap3A_463], %swap3A_466 {strides = array<i32>} : memref<128x128xf32, #tpu.memory_space<vmem>>, vector<1x16xf32>,
        %get3A_467 = arith.index_cast %add3A_456 : i32 to index
        %get3A_468 = arith.constant 16 : index
        %get3A_469 = tpu.vector_load %arg10[%get3A_467, %get3A_468] {strides = array<i32>} : memref<128x128xf32, #tpu.memory_space<vmem>>, vector<1x16xf32>,
        %get3A_470 = vector.shape_cast %get3A_469 : vector<1x16xf32> to vector<16xf32>
        %mul3A_471 = arith.mulf %get3A_470, %gather3A_452 : vector<16xf32>
        %swap3A_472 = arith.index_cast %add3A_456 : i32 to index
        %swap3A_473 = arith.constant 16 : index
        %swap3A_474 = tpu.vector_load %arg10[%swap3A_472, %swap3A_473] {strides = array<i32>} : memref<128x128xf32, #tpu.memory_space<vmem>>, vector<1x16xf32>,
        %swap3A_475 = vector.shape_cast %swap3A_474 : vector<1x16xf32> to vector<16xf32>
        %swap3A_476 = vector.shape_cast %mul3A_471 : vector<16xf32> to vector<1x16xf32>
        tpu.vector_store %arg10[%swap3A_472, %swap3A_473], %swap3A_476 {strides = array<i32>} : memref<128x128xf32, #tpu.memory_space<vmem>>, vector<1x16xf32>,
        %get3A_477 = arith.index_cast %add3A_456 : i32 to index
        %get3A_478 = arith.constant 32 : index
        %get3A_479 = tpu.vector_load %arg10[%get3A_477, %get3A_478] {strides = array<i32>} : memref<128x128xf32, #tpu.memory_space<vmem>>, vector<1x16xf32>,
        %get3A_480 = vector.shape_cast %get3A_479 : vector<1x16xf32> to vector<16xf32>
        %mul3A_481 = arith.mulf %get3A_480, %gather3A_452 : vector<16xf32>
        %swap3A_482 = arith.index_cast %add3A_456 : i32 to index
        %swap3A_483 = arith.constant 32 : index
        %swap3A_484 = tpu.vector_load %arg10[%swap3A_482, %swap3A_483] {strides = array<i32>} : memref<128x128xf32, #tpu.memory_space<vmem>>, vector<1x16xf32>,
        %swap3A_485 = vector.shape_cast %swap3A_484 : vector<1x16xf32> to vector<16xf32>
        %swap3A_486 = vector.shape_cast %mul3A_481 : vector<16xf32> to vector<1x16xf32>
        tpu.vector_store %arg10[%swap3A_482, %swap3A_483], %swap3A_486 {strides = array<i32>} : memref<128x128xf32, #tpu.memory_space<vmem>>, vector<1x16xf32>,
        %get3A_487 = arith.index_cast %add3A_456 : i32 to index
        %get3A_488 = arith.constant 48 : index
        %get3A_489 = tpu.vector_load %arg10[%get3A_487, %get3A_488] {strides = array<i32>} : memref<128x128xf32, #tpu.memory_space<vmem>>, vector<1x16xf32>,
        %get3A_490 = vector.shape_cast %get3A_489 : vector<1x16xf32> to vector<16xf32>
        %mul3A_491 = arith.mulf %get3A_490, %gather3A_452 : vector<16xf32>
        %swap3A_492 = arith.index_cast %add3A_456 : i32 to index
        %swap3A_493 = arith.constant 48 : index
        %swap3A_494 = tpu.vector_load %arg10[%swap3A_492, %swap3A_493] {strides = array<i32>} : memref<128x128xf32, #tpu.memory_space<vmem>>, vector<1x16xf32>,
        %swap3A_495 = vector.shape_cast %swap3A_494 : vector<1x16xf32> to vector<16xf32>
        %swap3A_496 = vector.shape_cast %mul3A_491 : vector<16xf32> to vector<1x16xf32>
        tpu.vector_store %arg10[%swap3A_492, %swap3A_493], %swap3A_496 {strides = array<i32>} : memref<128x128xf32, #tpu.memory_space<vmem>>, vector<1x16xf32>,
        %get3A_497 = arith.index_cast %add3A_456 : i32 to index
        %get3A_498 = arith.constant 64 : index
        %get3A_499 = tpu.vector_load %arg10[%get3A_497, %get3A_498] {strides = array<i32>} : memref<128x128xf32, #tpu.memory_space<vmem>>, vector<1x16xf32>,
        %get3A_500 = vector.shape_cast %get3A_499 : vector<1x16xf32> to vector<16xf32>
        %mul3A_501 = arith.mulf %get3A_500, %gather3A_452 : vector<16xf32>
        %swap3A_502 = arith.index_cast %add3A_456 : i32 to index
        %swap3A_503 = arith.constant 64 : index
        %swap3A_504 = tpu.vector_load %arg10[%swap3A_502, %swap3A_503] {strides = array<i32>} : memref<128x128xf32, #tpu.memory_space<vmem>>, vector<1x16xf32>,
        %swap3A_505 = vector.shape_cast %swap3A_504 : vector<1x16xf32> to vector<16xf32>
        %swap3A_506 = vector.shape_cast %mul3A_501 : vector<16xf32> to vector<1x16xf32>
        tpu.vector_store %arg10[%swap3A_502, %swap3A_503], %swap3A_506 {strides = array<i32>} : memref<128x128xf32, #tpu.memory_space<vmem>>, vector<1x16xf32>,
        %get3A_507 = arith.index_cast %add3A_456 : i32 to index
        %get3A_508 = arith.constant 80 : index
        %get3A_509 = tpu.vector_load %arg10[%get3A_507, %get3A_508] {strides = array<i32>} : memref<128x128xf32, #tpu.memory_space<vmem>>, vector<1x16xf32>,
        %get3A_510 = vector.shape_cast %get3A_509 : vector<1x16xf32> to vector<16xf32>
        %mul3A_511 = arith.mulf %get3A_510, %gather3A_452 : vector<16xf32>
        %swap3A_512 = arith.index_cast %add3A_456 : i32 to index
        %swap3A_513 = arith.constant 80 : index
        %swap3A_514 = tpu.vector_load %arg10[%swap3A_512, %swap3A_513] {strides = array<i32>} : memref<128x128xf32, #tpu.memory_space<vmem>>, vector<1x16xf32>,
        %swap3A_515 = vector.shape_cast %swap3A_514 : vector<1x16xf32> to vector<16xf32>
        %swap3A_516 = vector.shape_cast %mul3A_511 : vector<16xf32> to vector<1x16xf32>
        tpu.vector_store %arg10[%swap3A_512, %swap3A_513], %swap3A_516 {strides = array<i32>} : memref<128x128xf32, #tpu.memory_space<vmem>>, vector<1x16xf32>,
        %get3A_517 = arith.index_cast %add3A_456 : i32 to index
        %get3A_518 = arith.constant 96 : index
        %get3A_519 = tpu.vector_load %arg10[%get3A_517, %get3A_518] {strides = array<i32>} : memref<128x128xf32, #tpu.memory_space<vmem>>, vector<1x16xf32>,
        %get3A_520 = vector.shape_cast %get3A_519 : vector<1x16xf32> to vector<16xf32>
        %mul3A_521 = arith.mulf %get3A_520, %gather3A_452 : vector<16xf32>
        %swap3A_522 = arith.index_cast %add3A_456 : i32 to index
        %swap3A_523 = arith.constant 96 : index
        %swap3A_524 = tpu.vector_load %arg10[%swap3A_522, %swap3A_523] {strides = array<i32>} : memref<128x128xf32, #tpu.memory_space<vmem>>, vector<1x16xf32>,
        %swap3A_525 = vector.shape_cast %swap3A_524 : vector<1x16xf32> to vector<16xf32>
        %swap3A_526 = vector.shape_cast %mul3A_521 : vector<16xf32> to vector<1x16xf32>
        tpu.vector_store %arg10[%swap3A_522, %swap3A_523], %swap3A_526 {strides = array<i32>} : memref<128x128xf32, #tpu.memory_space<vmem>>, vector<1x16xf32>,
        %get3A_527 = arith.index_cast %add3A_456 : i32 to index
        %get3A_528 = arith.constant 112 : index
        %get3A_529 = tpu.vector_load %arg10[%get3A_527, %get3A_528] {strides = array<i32>} : memref<128x128xf32, #tpu.memory_space<vmem>>, vector<1x16xf32>,
        %get3A_530 = vector.shape_cast %get3A_529 : vector<1x16xf32> to vector<16xf32>
        %mul3A_531 = arith.mulf %get3A_530, %gather3A_452 : vector<16xf32>
        %swap3A_532 = arith.index_cast %add3A_456 : i32 to index
        %swap3A_533 = arith.constant 112 : index
        %swap3A_534 = tpu.vector_load %arg10[%swap3A_532, %swap3A_533] {strides = array<i32>} : memref<128x128xf32, #tpu.memory_space<vmem>>, vector<1x16xf32>,
        %swap3A_535 = vector.shape_cast %swap3A_534 : vector<1x16xf32> to vector<16xf32>
        %swap3A_536 = vector.shape_cast %mul3A_531 : vector<16xf32> to vector<1x16xf32>
        tpu.vector_store %arg10[%swap3A_532, %swap3A_533], %swap3A_536 {strides = array<i32>} : memref<128x128xf32, #tpu.memory_space<vmem>>, vector<1x16xf32>,
        %broadcast_in_dim3A_537 = arith.constant 5 : i32
        %broadcast_in_dim3A_538 = vector.broadcast %broadcast_in_dim3A_537 : i32 to vector<16xi32>
        %broadcast_in_dim3A_539 = vector.shape_cast %broadcast_in_dim3A_538 : vector<16xi32> to vector<16x1xi32>
        %gather3A_540 = vector.shape_cast %broadcast_in_dim3A_539 : vector<16x1xi32> to vector<16xi32>
        %gather3A_541 = tpu.dynamic_gather %get3A_93[%gather3A_540] in [0] : vector<16xf32>, vector<16xi32> -> vector<16xf32>
        %mul3A_542 = arith.constant 16 : i32
        %mul3A_543 = arith.muli %scan3A_88, %mul3A_542 : i32
        %add3A_544 = arith.constant 5 : i32
        %add3A_545 = arith.addi %mul3A_543, %add3A_544 : i32
        %get3A_546 = arith.index_cast %add3A_545 : i32 to index
        %get3A_547 = arith.constant 0 : index
        %get3A_548 = tpu.vector_load %arg10[%get3A_546, %get3A_547] {strides = array<i32>} : memref<128x128xf32, #tpu.memory_space<vmem>>, vector<1x16xf32>,
        %get3A_549 = vector.shape_cast %get3A_548 : vector<1x16xf32> to vector<16xf32>
        %mul3A_550 = arith.mulf %get3A_549, %gather3A_541 : vector<16xf32>
        %swap3A_551 = arith.index_cast %add3A_545 : i32 to index
        %swap3A_552 = arith.constant 0 : index
        %swap3A_553 = tpu.vector_load %arg10[%swap3A_551, %swap3A_552] {strides = array<i32>} : memref<128x128xf32, #tpu.memory_space<vmem>>, vector<1x16xf32>,
        %swap3A_554 = vector.shape_cast %swap3A_553 : vector<1x16xf32> to vector<16xf32>
        %swap3A_555 = vector.shape_cast %mul3A_550 : vector<16xf32> to vector<1x16xf32>
        tpu.vector_store %arg10[%swap3A_551, %swap3A_552], %swap3A_555 {strides = array<i32>} : memref<128x128xf32, #tpu.memory_space<vmem>>, vector<1x16xf32>,
        %get3A_556 = arith.index_cast %add3A_545 : i32 to index
        %get3A_557 = arith.constant 16 : index
        %get3A_558 = tpu.vector_load %arg10[%get3A_556, %get3A_557] {strides = array<i32>} : memref<128x128xf32, #tpu.memory_space<vmem>>, vector<1x16xf32>,
        %get3A_559 = vector.shape_cast %get3A_558 : vector<1x16xf32> to vector<16xf32>
        %mul3A_560 = arith.mulf %get3A_559, %gather3A_541 : vector<16xf32>
        %swap3A_561 = arith.index_cast %add3A_545 : i32 to index
        %swap3A_562 = arith.constant 16 : index
        %swap3A_563 = tpu.vector_load %arg10[%swap3A_561, %swap3A_562] {strides = array<i32>} : memref<128x128xf32, #tpu.memory_space<vmem>>, vector<1x16xf32>,
        %swap3A_564 = vector.shape_cast %swap3A_563 : vector<1x16xf32> to vector<16xf32>
        %swap3A_565 = vector.shape_cast %mul3A_560 : vector<16xf32> to vector<1x16xf32>
        tpu.vector_store %arg10[%swap3A_561, %swap3A_562], %swap3A_565 {strides = array<i32>} : memref<128x128xf32, #tpu.memory_space<vmem>>, vector<1x16xf32>,
        %get3A_566 = arith.index_cast %add3A_545 : i32 to index
        %get3A_567 = arith.constant 32 : index
        %get3A_568 = tpu.vector_load %arg10[%get3A_566, %get3A_567] {strides = array<i32>} : memref<128x128xf32, #tpu.memory_space<vmem>>, vector<1x16xf32>,
        %get3A_569 = vector.shape_cast %get3A_568 : vector<1x16xf32> to vector<16xf32>
        %mul3A_570 = arith.mulf %get3A_569, %gather3A_541 : vector<16xf32>
        %swap3A_571 = arith.index_cast %add3A_545 : i32 to index
        %swap3A_572 = arith.constant 32 : index
        %swap3A_573 = tpu.vector_load %arg10[%swap3A_571, %swap3A_572] {strides = array<i32>} : memref<128x128xf32, #tpu.memory_space<vmem>>, vector<1x16xf32>,
        %swap3A_574 = vector.shape_cast %swap3A_573 : vector<1x16xf32> to vector<16xf32>
        %swap3A_575 = vector.shape_cast %mul3A_570 : vector<16xf32> to vector<1x16xf32>
        tpu.vector_store %arg10[%swap3A_571, %swap3A_572], %swap3A_575 {strides = array<i32>} : memref<128x128xf32, #tpu.memory_space<vmem>>, vector<1x16xf32>,
        %get3A_576 = arith.index_cast %add3A_545 : i32 to index
        %get3A_577 = arith.constant 48 : index
        %get3A_578 = tpu.vector_load %arg10[%get3A_576, %get3A_577] {strides = array<i32>} : memref<128x128xf32, #tpu.memory_space<vmem>>, vector<1x16xf32>,
        %get3A_579 = vector.shape_cast %get3A_578 : vector<1x16xf32> to vector<16xf32>
        %mul3A_580 = arith.mulf %get3A_579, %gather3A_541 : vector<16xf32>
        %swap3A_581 = arith.index_cast %add3A_545 : i32 to index
        %swap3A_582 = arith.constant 48 : index
        %swap3A_583 = tpu.vector_load %arg10[%swap3A_581, %swap3A_582] {strides = array<i32>} : memref<128x128xf32, #tpu.memory_space<vmem>>, vector<1x16xf32>,
        %swap3A_584 = vector.shape_cast %swap3A_583 : vector<1x16xf32> to vector<16xf32>
        %swap3A_585 = vector.shape_cast %mul3A_580 : vector<16xf32> to vector<1x16xf32>
        tpu.vector_store %arg10[%swap3A_581, %swap3A_582], %swap3A_585 {strides = array<i32>} : memref<128x128xf32, #tpu.memory_space<vmem>>, vector<1x16xf32>,
        %get3A_586 = arith.index_cast %add3A_545 : i32 to index
        %get3A_587 = arith.constant 64 : index
        %get3A_588 = tpu.vector_load %arg10[%get3A_586, %get3A_587] {strides = array<i32>} : memref<128x128xf32, #tpu.memory_space<vmem>>, vector<1x16xf32>,
        %get3A_589 = vector.shape_cast %get3A_588 : vector<1x16xf32> to vector<16xf32>
        %mul3A_590 = arith.mulf %get3A_589, %gather3A_541 : vector<16xf32>
        %swap3A_591 = arith.index_cast %add3A_545 : i32 to index
        %swap3A_592 = arith.constant 64 : index
        %swap3A_593 = tpu.vector_load %arg10[%swap3A_591, %swap3A_592] {strides = array<i32>} : memref<128x128xf32, #tpu.memory_space<vmem>>, vector<1x16xf32>,
        %swap3A_594 = vector.shape_cast %swap3A_593 : vector<1x16xf32> to vector<16xf32>
        %swap3A_595 = vector.shape_cast %mul3A_590 : vector<16xf32> to vector<1x16xf32>
        tpu.vector_store %arg10[%swap3A_591, %swap3A_592], %swap3A_595 {strides = array<i32>} : memref<128x128xf32, #tpu.memory_space<vmem>>, vector<1x16xf32>,
        %get3A_596 = arith.index_cast %add3A_545 : i32 to index
        %get3A_597 = arith.constant 80 : index
        %get3A_598 = tpu.vector_load %arg10[%get3A_596, %get3A_597] {strides = array<i32>} : memref<128x128xf32, #tpu.memory_space<vmem>>, vector<1x16xf32>,
        %get3A_599 = vector.shape_cast %get3A_598 : vector<1x16xf32> to vector<16xf32>
        %mul3A_600 = arith.mulf %get3A_599, %gather3A_541 : vector<16xf32>
        %swap3A_601 = arith.index_cast %add3A_545 : i32 to index
        %swap3A_602 = arith.constant 80 : index
        %swap3A_603 = tpu.vector_load %arg10[%swap3A_601, %swap3A_602] {strides = array<i32>} : memref<128x128xf32, #tpu.memory_space<vmem>>, vector<1x16xf32>,
        %swap3A_604 = vector.shape_cast %swap3A_603 : vector<1x16xf32> to vector<16xf32>
        %swap3A_605 = vector.shape_cast %mul3A_600 : vector<16xf32> to vector<1x16xf32>
        tpu.vector_store %arg10[%swap3A_601, %swap3A_602], %swap3A_605 {strides = array<i32>} : memref<128x128xf32, #tpu.memory_space<vmem>>, vector<1x16xf32>,
        %get3A_606 = arith.index_cast %add3A_545 : i32 to index
        %get3A_607 = arith.constant 96 : index
        %get3A_608 = tpu.vector_load %arg10[%get3A_606, %get3A_607] {strides = array<i32>} : memref<128x128xf32, #tpu.memory_space<vmem>>, vector<1x16xf32>,
        %get3A_609 = vector.shape_cast %get3A_608 : vector<1x16xf32> to vector<16xf32>
        %mul3A_610 = arith.mulf %get3A_609, %gather3A_541 : vector<16xf32>
        %swap3A_611 = arith.index_cast %add3A_545 : i32 to index
        %swap3A_612 = arith.constant 96 : index
        %swap3A_613 = tpu.vector_load %arg10[%swap3A_611, %swap3A_612] {strides = array<i32>} : memref<128x128xf32, #tpu.memory_space<vmem>>, vector<1x16xf32>,
        %swap3A_614 = vector.shape_cast %swap3A_613 : vector<1x16xf32> to vector<16xf32>
        %swap3A_615 = vector.shape_cast %mul3A_610 : vector<16xf32> to vector<1x16xf32>
        tpu.vector_store %arg10[%swap3A_611, %swap3A_612], %swap3A_615 {strides = array<i32>} : memref<128x128xf32, #tpu.memory_space<vmem>>, vector<1x16xf32>,
        %get3A_616 = arith.index_cast %add3A_545 : i32 to index
        %get3A_617 = arith.constant 112 : index
        %get3A_618 = tpu.vector_load %arg10[%get3A_616, %get3A_617] {strides = array<i32>} : memref<128x128xf32, #tpu.memory_space<vmem>>, vector<1x16xf32>,
        %get3A_619 = vector.shape_cast %get3A_618 : vector<1x16xf32> to vector<16xf32>
        %mul3A_620 = arith.mulf %get3A_619, %gather3A_541 : vector<16xf32>
        %swap3A_621 = arith.index_cast %add3A_545 : i32 to index
        %swap3A_622 = arith.constant 112 : index
        %swap3A_623 = tpu.vector_load %arg10[%swap3A_621, %swap3A_622] {strides = array<i32>} : memref<128x128xf32, #tpu.memory_space<vmem>>, vector<1x16xf32>,
        %swap3A_624 = vector.shape_cast %swap3A_623 : vector<1x16xf32> to vector<16xf32>
        %swap3A_625 = vector.shape_cast %mul3A_620 : vector<16xf32> to vector<1x16xf32>
        tpu.vector_store %arg10[%swap3A_621, %swap3A_622], %swap3A_625 {strides = array<i32>} : memref<128x128xf32, #tpu.memory_space<vmem>>, vector<1x16xf32>,
        %broadcast_in_dim3A_626 = arith.constant 6 : i32
        %broadcast_in_dim3A_627 = vector.broadcast %broadcast_in_dim3A_626 : i32 to vector<16xi32>
        %broadcast_in_dim3A_628 = vector.shape_cast %broadcast_in_dim3A_627 : vector<16xi32> to vector<16x1xi32>
        %gather3A_629 = vector.shape_cast %broadcast_in_dim3A_628 : vector<16x1xi32> to vector<16xi32>
        %gather3A_630 = tpu.dynamic_gather %get3A_93[%gather3A_629] in [0] : vector<16xf32>, vector<16xi32> -> vector<16xf32>
        %mul3A_631 = arith.constant 16 : i32
        %mul3A_632 = arith.muli %scan3A_88, %mul3A_631 : i32
        %add3A_633 = arith.constant 6 : i32
        %add3A_634 = arith.addi %mul3A_632, %add3A_633 : i32
        %get3A_635 = arith.index_cast %add3A_634 : i32 to index
        %get3A_636 = arith.constant 0 : index
        %get3A_637 = tpu.vector_load %arg10[%get3A_635, %get3A_636] {strides = array<i32>} : memref<128x128xf32, #tpu.memory_space<vmem>>, vector<1x16xf32>,
        %get3A_638 = vector.shape_cast %get3A_637 : vector<1x16xf32> to vector<16xf32>
        %mul3A_639 = arith.mulf %get3A_638, %gather3A_630 : vector<16xf32>
        %swap3A_640 = arith.index_cast %add3A_634 : i32 to index
        %swap3A_641 = arith.constant 0 : index
        %swap3A_642 = tpu.vector_load %arg10[%swap3A_640, %swap3A_641] {strides = array<i32>} : memref<128x128xf32, #tpu.memory_space<vmem>>, vector<1x16xf32>,
        %swap3A_643 = vector.shape_cast %swap3A_642 : vector<1x16xf32> to vector<16xf32>
        %swap3A_644 = vector.shape_cast %mul3A_639 : vector<16xf32> to vector<1x16xf32>
        tpu.vector_store %arg10[%swap3A_640, %swap3A_641], %swap3A_644 {strides = array<i32>} : memref<128x128xf32, #tpu.memory_space<vmem>>, vector<1x16xf32>,
        %get3A_645 = arith.index_cast %add3A_634 : i32 to index
        %get3A_646 = arith.constant 16 : index
        %get3A_647 = tpu.vector_load %arg10[%get3A_645, %get3A_646] {strides = array<i32>} : memref<128x128xf32, #tpu.memory_space<vmem>>, vector<1x16xf32>,
        %get3A_648 = vector.shape_cast %get3A_647 : vector<1x16xf32> to vector<16xf32>
        %mul3A_649 = arith.mulf %get3A_648, %gather3A_630 : vector<16xf32>
        %swap3A_650 = arith.index_cast %add3A_634 : i32 to index
        %swap3A_651 = arith.constant 16 : index
        %swap3A_652 = tpu.vector_load %arg10[%swap3A_650, %swap3A_651] {strides = array<i32>} : memref<128x128xf32, #tpu.memory_space<vmem>>, vector<1x16xf32>,
        %swap3A_653 = vector.shape_cast %swap3A_652 : vector<1x16xf32> to vector<16xf32>
        %swap3A_654 = vector.shape_cast %mul3A_649 : vector<16xf32> to vector<1x16xf32>
        tpu.vector_store %arg10[%swap3A_650, %swap3A_651], %swap3A_654 {strides = array<i32>} : memref<128x128xf32, #tpu.memory_space<vmem>>, vector<1x16xf32>,
        %get3A_655 = arith.index_cast %add3A_634 : i32 to index
        %get3A_656 = arith.constant 32 : index
        %get3A_657 = tpu.vector_load %arg10[%get3A_655, %get3A_656] {strides = array<i32>} : memref<128x128xf32, #tpu.memory_space<vmem>>, vector<1x16xf32>,
        %get3A_658 = vector.shape_cast %get3A_657 : vector<1x16xf32> to vector<16xf32>
        %mul3A_659 = arith.mulf %get3A_658, %gather3A_630 : vector<16xf32>
        %swap3A_660 = arith.index_cast %add3A_634 : i32 to index
        %swap3A_661 = arith.constant 32 : index
        %swap3A_662 = tpu.vector_load %arg10[%swap3A_660, %swap3A_661] {strides = array<i32>} : memref<128x128xf32, #tpu.memory_space<vmem>>, vector<1x16xf32>,
        %swap3A_663 = vector.shape_cast %swap3A_662 : vector<1x16xf32> to vector<16xf32>
        %swap3A_664 = vector.shape_cast %mul3A_659 : vector<16xf32> to vector<1x16xf32>
        tpu.vector_store %arg10[%swap3A_660, %swap3A_661], %swap3A_664 {strides = array<i32>} : memref<128x128xf32, #tpu.memory_space<vmem>>, vector<1x16xf32>,
        %get3A_665 = arith.index_cast %add3A_634 : i32 to index
        %get3A_666 = arith.constant 48 : index
        %get3A_667 = tpu.vector_load %arg10[%get3A_665, %get3A_666] {strides = array<i32>} : memref<128x128xf32, #tpu.memory_space<vmem>>, vector<1x16xf32>,
        %get3A_668 = vector.shape_cast %get3A_667 : vector<1x16xf32> to vector<16xf32>
        %mul3A_669 = arith.mulf %get3A_668, %gather3A_630 : vector<16xf32>
        %swap3A_670 = arith.index_cast %add3A_634 : i32 to index
        %swap3A_671 = arith.constant 48 : index
        %swap3A_672 = tpu.vector_load %arg10[%swap3A_670, %swap3A_671] {strides = array<i32>} : memref<128x128xf32, #tpu.memory_space<vmem>>, vector<1x16xf32>,
        %swap3A_673 = vector.shape_cast %swap3A_672 : vector<1x16xf32> to vector<16xf32>
        %swap3A_674 = vector.shape_cast %mul3A_669 : vector<16xf32> to vector<1x16xf32>
        tpu.vector_store %arg10[%swap3A_670, %swap3A_671], %swap3A_674 {strides = array<i32>} : memref<128x128xf32, #tpu.memory_space<vmem>>, vector<1x16xf32>,
        %get3A_675 = arith.index_cast %add3A_634 : i32 to index
        %get3A_676 = arith.constant 64 : index
        %get3A_677 = tpu.vector_load %arg10[%get3A_675, %get3A_676] {strides = array<i32>} : memref<128x128xf32, #tpu.memory_space<vmem>>, vector<1x16xf32>,
        %get3A_678 = vector.shape_cast %get3A_677 : vector<1x16xf32> to vector<16xf32>
        %mul3A_679 = arith.mulf %get3A_678, %gather3A_630 : vector<16xf32>
        %swap3A_680 = arith.index_cast %add3A_634 : i32 to index
        %swap3A_681 = arith.constant 64 : index
        %swap3A_682 = tpu.vector_load %arg10[%swap3A_680, %swap3A_681] {strides = array<i32>} : memref<128x128xf32, #tpu.memory_space<vmem>>, vector<1x16xf32>,
        %swap3A_683 = vector.shape_cast %swap3A_682 : vector<1x16xf32> to vector<16xf32>
        %swap3A_684 = vector.shape_cast %mul3A_679 : vector<16xf32> to vector<1x16xf32>
        tpu.vector_store %arg10[%swap3A_680, %swap3A_681], %swap3A_684 {strides = array<i32>} : memref<128x128xf32, #tpu.memory_space<vmem>>, vector<1x16xf32>,
        %get3A_685 = arith.index_cast %add3A_634 : i32 to index
        %get3A_686 = arith.constant 80 : index
        %get3A_687 = tpu.vector_load %arg10[%get3A_685, %get3A_686] {strides = array<i32>} : memref<128x128xf32, #tpu.memory_space<vmem>>, vector<1x16xf32>,
        %get3A_688 = vector.shape_cast %get3A_687 : vector<1x16xf32> to vector<16xf32>
        %mul3A_689 = arith.mulf %get3A_688, %gather3A_630 : vector<16xf32>
        %swap3A_690 = arith.index_cast %add3A_634 : i32 to index
        %swap3A_691 = arith.constant 80 : index
        %swap3A_692 = tpu.vector_load %arg10[%swap3A_690, %swap3A_691] {strides = array<i32>} : memref<128x128xf32, #tpu.memory_space<vmem>>, vector<1x16xf32>,
        %swap3A_693 = vector.shape_cast %swap3A_692 : vector<1x16xf32> to vector<16xf32>
        %swap3A_694 = vector.shape_cast %mul3A_689 : vector<16xf32> to vector<1x16xf32>
        tpu.vector_store %arg10[%swap3A_690, %swap3A_691], %swap3A_694 {strides = array<i32>} : memref<128x128xf32, #tpu.memory_space<vmem>>, vector<1x16xf32>,
        %get3A_695 = arith.index_cast %add3A_634 : i32 to index
        %get3A_696 = arith.constant 96 : index
        %get3A_697 = tpu.vector_load %arg10[%get3A_695, %get3A_696] {strides = array<i32>} : memref<128x128xf32, #tpu.memory_space<vmem>>, vector<1x16xf32>,
        %get3A_698 = vector.shape_cast %get3A_697 : vector<1x16xf32> to vector<16xf32>
        %mul3A_699 = arith.mulf %get3A_698, %gather3A_630 : vector<16xf32>
        %swap3A_700 = arith.index_cast %add3A_634 : i32 to index
        %swap3A_701 = arith.constant 96 : index
        %swap3A_702 = tpu.vector_load %arg10[%swap3A_700, %swap3A_701] {strides = array<i32>} : memref<128x128xf32, #tpu.memory_space<vmem>>, vector<1x16xf32>,
        %swap3A_703 = vector.shape_cast %swap3A_702 : vector<1x16xf32> to vector<16xf32>
        %swap3A_704 = vector.shape_cast %mul3A_699 : vector<16xf32> to vector<1x16xf32>
        tpu.vector_store %arg10[%swap3A_700, %swap3A_701], %swap3A_704 {strides = array<i32>} : memref<128x128xf32, #tpu.memory_space<vmem>>, vector<1x16xf32>,
        %get3A_705 = arith.index_cast %add3A_634 : i32 to index
        %get3A_706 = arith.constant 112 : index
        %get3A_707 = tpu.vector_load %arg10[%get3A_705, %get3A_706] {strides = array<i32>} : memref<128x128xf32, #tpu.memory_space<vmem>>, vector<1x16xf32>,
        %get3A_708 = vector.shape_cast %get3A_707 : vector<1x16xf32> to vector<16xf32>
        %mul3A_709 = arith.mulf %get3A_708, %gather3A_630 : vector<16xf32>
        %swap3A_710 = arith.index_cast %add3A_634 : i32 to index
        %swap3A_711 = arith.constant 112 : index
        %swap3A_712 = tpu.vector_load %arg10[%swap3A_710, %swap3A_711] {strides = array<i32>} : memref<128x128xf32, #tpu.memory_space<vmem>>, vector<1x16xf32>,
        %swap3A_713 = vector.shape_cast %swap3A_712 : vector<1x16xf32> to vector<16xf32>
        %swap3A_714 = vector.shape_cast %mul3A_709 : vector<16xf32> to vector<1x16xf32>
        tpu.vector_store %arg10[%swap3A_710, %swap3A_711], %swap3A_714 {strides = array<i32>} : memref<128x128xf32, #tpu.memory_space<vmem>>, vector<1x16xf32>,
        %broadcast_in_dim3A_715 = arith.constant 7 : i32
        %broadcast_in_dim3A_716 = vector.broadcast %broadcast_in_dim3A_715 : i32 to vector<16xi32>
        %broadcast_in_dim3A_717 = vector.shape_cast %broadcast_in_dim3A_716 : vector<16xi32> to vector<16x1xi32>
        %gather3A_718 = vector.shape_cast %broadcast_in_dim3A_717 : vector<16x1xi32> to vector<16xi32>
        %gather3A_719 = tpu.dynamic_gather %get3A_93[%gather3A_718] in [0] : vector<16xf32>, vector<16xi32> -> vector<16xf32>
        %mul3A_720 = arith.constant 16 : i32
        %mul3A_721 = arith.muli %scan3A_88, %mul3A_720 : i32
        %add3A_722 = arith.constant 7 : i32
        %add3A_723 = arith.addi %mul3A_721, %add3A_722 : i32
        %get3A_724 = arith.index_cast %add3A_723 : i32 to index
        %get3A_725 = arith.constant 0 : index
        %get3A_726 = tpu.vector_load %arg10[%get3A_724, %get3A_725] {strides = array<i32>} : memref<128x128xf32, #tpu.memory_space<vmem>>, vector<1x16xf32>,
        %get3A_727 = vector.shape_cast %get3A_726 : vector<1x16xf32> to vector<16xf32>
        %mul3A_728 = arith.mulf %get3A_727, %gather3A_719 : vector<16xf32>
        %swap3A_729 = arith.index_cast %add3A_723 : i32 to index
        %swap3A_730 = arith.constant 0 : index
        %swap3A_731 = tpu.vector_load %arg10[%swap3A_729, %swap3A_730] {strides = array<i32>} : memref<128x128xf32, #tpu.memory_space<vmem>>, vector<1x16xf32>,
        %swap3A_732 = vector.shape_cast %swap3A_731 : vector<1x16xf32> to vector<16xf32>
        %swap3A_733 = vector.shape_cast %mul3A_728 : vector<16xf32> to vector<1x16xf32>
        tpu.vector_store %arg10[%swap3A_729, %swap3A_730], %swap3A_733 {strides = array<i32>} : memref<128x128xf32, #tpu.memory_space<vmem>>, vector<1x16xf32>,
        %get3A_734 = arith.index_cast %add3A_723 : i32 to index
        %get3A_735 = arith.constant 16 : index
        %get3A_736 = tpu.vector_load %arg10[%get3A_734, %get3A_735] {strides = array<i32>} : memref<128x128xf32, #tpu.memory_space<vmem>>, vector<1x16xf32>,
        %get3A_737 = vector.shape_cast %get3A_736 : vector<1x16xf32> to vector<16xf32>
        %mul3A_738 = arith.mulf %get3A_737, %gather3A_719 : vector<16xf32>
        %swap3A_739 = arith.index_cast %add3A_723 : i32 to index
        %swap3A_740 = arith.constant 16 : index
        %swap3A_741 = tpu.vector_load %arg10[%swap3A_739, %swap3A_740] {strides = array<i32>} : memref<128x128xf32, #tpu.memory_space<vmem>>, vector<1x16xf32>,
        %swap3A_742 = vector.shape_cast %swap3A_741 : vector<1x16xf32> to vector<16xf32>
        %swap3A_743 = vector.shape_cast %mul3A_738 : vector<16xf32> to vector<1x16xf32>
        tpu.vector_store %arg10[%swap3A_739, %swap3A_740], %swap3A_743 {strides = array<i32>} : memref<128x128xf32, #tpu.memory_space<vmem>>, vector<1x16xf32>,
        %get3A_744 = arith.index_cast %add3A_723 : i32 to index
        %get3A_745 = arith.constant 32 : index
        %get3A_746 = tpu.vector_load %arg10[%get3A_744, %get3A_745] {strides = array<i32>} : memref<128x128xf32, #tpu.memory_space<vmem>>, vector<1x16xf32>,
        %get3A_747 = vector.shape_cast %get3A_746 : vector<1x16xf32> to vector<16xf32>
        %mul3A_748 = arith.mulf %get3A_747, %gather3A_719 : vector<16xf32>
        %swap3A_749 = arith.index_cast %add3A_723 : i32 to index
        %swap3A_750 = arith.constant 32 : index
        %swap3A_751 = tpu.vector_load %arg10[%swap3A_749, %swap3A_750] {strides = array<i32>} : memref<128x128xf32, #tpu.memory_space<vmem>>, vector<1x16xf32>,
        %swap3A_752 = vector.shape_cast %swap3A_751 : vector<1x16xf32> to vector<16xf32>
        %swap3A_753 = vector.shape_cast %mul3A_748 : vector<16xf32> to vector<1x16xf32>
        tpu.vector_store %arg10[%swap3A_749, %swap3A_750], %swap3A_753 {strides = array<i32>} : memref<128x128xf32, #tpu.memory_space<vmem>>, vector<1x16xf32>,
        %get3A_754 = arith.index_cast %add3A_723 : i32 to index
        %get3A_755 = arith.constant 48 : index
        %get3A_756 = tpu.vector_load %arg10[%get3A_754, %get3A_755] {strides = array<i32>} : memref<128x128xf32, #tpu.memory_space<vmem>>, vector<1x16xf32>,
        %get3A_757 = vector.shape_cast %get3A_756 : vector<1x16xf32> to vector<16xf32>
        %mul3A_758 = arith.mulf %get3A_757, %gather3A_719 : vector<16xf32>
        %swap3A_759 = arith.index_cast %add3A_723 : i32 to index
        %swap3A_760 = arith.constant 48 : index
        %swap3A_761 = tpu.vector_load %arg10[%swap3A_759, %swap3A_760] {strides = array<i32>} : memref<128x128xf32, #tpu.memory_space<vmem>>, vector<1x16xf32>,
        %swap3A_762 = vector.shape_cast %swap3A_761 : vector<1x16xf32> to vector<16xf32>
        %swap3A_763 = vector.shape_cast %mul3A_758 : vector<16xf32> to vector<1x16xf32>
        tpu.vector_store %arg10[%swap3A_759, %swap3A_760], %swap3A_763 {strides = array<i32>} : memref<128x128xf32, #tpu.memory_space<vmem>>, vector<1x16xf32>,
        %get3A_764 = arith.index_cast %add3A_723 : i32 to index
        %get3A_765 = arith.constant 64 : index
        %get3A_766 = tpu.vector_load %arg10[%get3A_764, %get3A_765] {strides = array<i32>} : memref<128x128xf32, #tpu.memory_space<vmem>>, vector<1x16xf32>,
        %get3A_767 = vector.shape_cast %get3A_766 : vector<1x16xf32> to vector<16xf32>
        %mul3A_768 = arith.mulf %get3A_767, %gather3A_719 : vector<16xf32>
        %swap3A_769 = arith.index_cast %add3A_723 : i32 to index
        %swap3A_770 = arith.constant 64 : index
        %swap3A_771 = tpu.vector_load %arg10[%swap3A_769, %swap3A_770] {strides = array<i32>} : memref<128x128xf32, #tpu.memory_space<vmem>>, vector<1x16xf32>,
        %swap3A_772 = vector.shape_cast %swap3A_771 : vector<1x16xf32> to vector<16xf32>
        %swap3A_773 = vector.shape_cast %mul3A_768 : vector<16xf32> to vector<1x16xf32>
        tpu.vector_store %arg10[%swap3A_769, %swap3A_770], %swap3A_773 {strides = array<i32>} : memref<128x128xf32, #tpu.memory_space<vmem>>, vector<1x16xf32>,
        %get3A_774 = arith.index_cast %add3A_723 : i32 to index
        %get3A_775 = arith.constant 80 : index
        %get3A_776 = tpu.vector_load %arg10[%get3A_774, %get3A_775] {strides = array<i32>} : memref<128x128xf32, #tpu.memory_space<vmem>>, vector<1x16xf32>,
        %get3A_777 = vector.shape_cast %get3A_776 : vector<1x16xf32> to vector<16xf32>
        %mul3A_778 = arith.mulf %get3A_777, %gather3A_719 : vector<16xf32>
        %swap3A_779 = arith.index_cast %add3A_723 : i32 to index
        %swap3A_780 = arith.constant 80 : index
        %swap3A_781 = tpu.vector_load %arg10[%swap3A_779, %swap3A_780] {strides = array<i32>} : memref<128x128xf32, #tpu.memory_space<vmem>>, vector<1x16xf32>,
        %swap3A_782 = vector.shape_cast %swap3A_781 : vector<1x16xf32> to vector<16xf32>
        %swap3A_783 = vector.shape_cast %mul3A_778 : vector<16xf32> to vector<1x16xf32>
        tpu.vector_store %arg10[%swap3A_779, %swap3A_780], %swap3A_783 {strides = array<i32>} : memref<128x128xf32, #tpu.memory_space<vmem>>, vector<1x16xf32>,
        %get3A_784 = arith.index_cast %add3A_723 : i32 to index
        %get3A_785 = arith.constant 96 : index
        %get3A_786 = tpu.vector_load %arg10[%get3A_784, %get3A_785] {strides = array<i32>} : memref<128x128xf32, #tpu.memory_space<vmem>>, vector<1x16xf32>,
        %get3A_787 = vector.shape_cast %get3A_786 : vector<1x16xf32> to vector<16xf32>
        %mul3A_788 = arith.mulf %get3A_787, %gather3A_719 : vector<16xf32>
        %swap3A_789 = arith.index_cast %add3A_723 : i32 to index
        %swap3A_790 = arith.constant 96 : index
        %swap3A_791 = tpu.vector_load %arg10[%swap3A_789, %swap3A_790] {strides = array<i32>} : memref<128x128xf32, #tpu.memory_space<vmem>>, vector<1x16xf32>,
        %swap3A_792 = vector.shape_cast %swap3A_791 : vector<1x16xf32> to vector<16xf32>
        %swap3A_793 = vector.shape_cast %mul3A_788 : vector<16xf32> to vector<1x16xf32>
        tpu.vector_store %arg10[%swap3A_789, %swap3A_790], %swap3A_793 {strides = array<i32>} : memref<128x128xf32, #tpu.memory_space<vmem>>, vector<1x16xf32>,
        %get3A_794 = arith.index_cast %add3A_723 : i32 to index
        %get3A_795 = arith.constant 112 : index
        %get3A_796 = tpu.vector_load %arg10[%get3A_794, %get3A_795] {strides = array<i32>} : memref<128x128xf32, #tpu.memory_space<vmem>>, vector<1x16xf32>,
        %get3A_797 = vector.shape_cast %get3A_796 : vector<1x16xf32> to vector<16xf32>
        %mul3A_798 = arith.mulf %get3A_797, %gather3A_719 : vector<16xf32>
        %swap3A_799 = arith.index_cast %add3A_723 : i32 to index
        %swap3A_800 = arith.constant 112 : index
        %swap3A_801 = tpu.vector_load %arg10[%swap3A_799, %swap3A_800] {strides = array<i32>} : memref<128x128xf32, #tpu.memory_space<vmem>>, vector<1x16xf32>,
        %swap3A_802 = vector.shape_cast %swap3A_801 : vector<1x16xf32> to vector<16xf32>
        %swap3A_803 = vector.shape_cast %mul3A_798 : vector<16xf32> to vector<1x16xf32>
        tpu.vector_store %arg10[%swap3A_799, %swap3A_800], %swap3A_803 {strides = array<i32>} : memref<128x128xf32, #tpu.memory_space<vmem>>, vector<1x16xf32>,
        %broadcast_in_dim3A_804 = arith.constant 8 : i32
        %broadcast_in_dim3A_805 = vector.broadcast %broadcast_in_dim3A_804 : i32 to vector<16xi32>
        %broadcast_in_dim3A_806 = vector.shape_cast %broadcast_in_dim3A_805 : vector<16xi32> to vector<16x1xi32>
        %gather3A_807 = vector.shape_cast %broadcast_in_dim3A_806 : vector<16x1xi32> to vector<16xi32>
        %gather3A_808 = tpu.dynamic_gather %get3A_93[%gather3A_807] in [0] : vector<16xf32>, vector<16xi32> -> vector<16xf32>
        %mul3A_809 = arith.constant 16 : i32
        %mul3A_810 = arith.muli %scan3A_88, %mul3A_809 : i32
        %add3A_811 = arith.constant 8 : i32
        %add3A_812 = arith.addi %mul3A_810, %add3A_811 : i32
        %get3A_813 = arith.index_cast %add3A_812 : i32 to index
        %get3A_814 = arith.constant 0 : index
        %get3A_815 = tpu.vector_load %arg10[%get3A_813, %get3A_814] {strides = array<i32>} : memref<128x128xf32, #tpu.memory_space<vmem>>, vector<1x16xf32>,
        %get3A_816 = vector.shape_cast %get3A_815 : vector<1x16xf32> to vector<16xf32>
        %mul3A_817 = arith.mulf %get3A_816, %gather3A_808 : vector<16xf32>
        %swap3A_818 = arith.index_cast %add3A_812 : i32 to index
        %swap3A_819 = arith.constant 0 : index
        %swap3A_820 = tpu.vector_load %arg10[%swap3A_818, %swap3A_819] {strides = array<i32>} : memref<128x128xf32, #tpu.memory_space<vmem>>, vector<1x16xf32>,
        %swap3A_821 = vector.shape_cast %swap3A_820 : vector<1x16xf32> to vector<16xf32>
        %swap3A_822 = vector.shape_cast %mul3A_817 : vector<16xf32> to vector<1x16xf32>
        tpu.vector_store %arg10[%swap3A_818, %swap3A_819], %swap3A_822 {strides = array<i32>} : memref<128x128xf32, #tpu.memory_space<vmem>>, vector<1x16xf32>,
        %get3A_823 = arith.index_cast %add3A_812 : i32 to index
        %get3A_824 = arith.constant 16 : index
        %get3A_825 = tpu.vector_load %arg10[%get3A_823, %get3A_824] {strides = array<i32>} : memref<128x128xf32, #tpu.memory_space<vmem>>, vector<1x16xf32>,
        %get3A_826 = vector.shape_cast %get3A_825 : vector<1x16xf32> to vector<16xf32>
        %mul3A_827 = arith.mulf %get3A_826, %gather3A_808 : vector<16xf32>
        %swap3A_828 = arith.index_cast %add3A_812 : i32 to index
        %swap3A_829 = arith.constant 16 : index
        %swap3A_830 = tpu.vector_load %arg10[%swap3A_828, %swap3A_829] {strides = array<i32>} : memref<128x128xf32, #tpu.memory_space<vmem>>, vector<1x16xf32>,
        %swap3A_831 = vector.shape_cast %swap3A_830 : vector<1x16xf32> to vector<16xf32>
        %swap3A_832 = vector.shape_cast %mul3A_827 : vector<16xf32> to vector<1x16xf32>
        tpu.vector_store %arg10[%swap3A_828, %swap3A_829], %swap3A_832 {strides = array<i32>} : memref<128x128xf32, #tpu.memory_space<vmem>>, vector<1x16xf32>,
        %get3A_833 = arith.index_cast %add3A_812 : i32 to index
        %get3A_834 = arith.constant 32 : index
        %get3A_835 = tpu.vector_load %arg10[%get3A_833, %get3A_834] {strides = array<i32>} : memref<128x128xf32, #tpu.memory_space<vmem>>, vector<1x16xf32>,
        %get3A_836 = vector.shape_cast %get3A_835 : vector<1x16xf32> to vector<16xf32>
        %mul3A_837 = arith.mulf %get3A_836, %gather3A_808 : vector<16xf32>
        %swap3A_838 = arith.index_cast %add3A_812 : i32 to index
        %swap3A_839 = arith.constant 32 : index
        %swap3A_840 = tpu.vector_load %arg10[%swap3A_838, %swap3A_839] {strides = array<i32>} : memref<128x128xf32, #tpu.memory_space<vmem>>, vector<1x16xf32>,
        %swap3A_841 = vector.shape_cast %swap3A_840 : vector<1x16xf32> to vector<16xf32>
        %swap3A_842 = vector.shape_cast %mul3A_837 : vector<16xf32> to vector<1x16xf32>
        tpu.vector_store %arg10[%swap3A_838, %swap3A_839], %swap3A_842 {strides = array<i32>} : memref<128x128xf32, #tpu.memory_space<vmem>>, vector<1x16xf32>,
        %get3A_843 = arith.index_cast %add3A_812 : i32 to index
        %get3A_844 = arith.constant 48 : index
        %get3A_845 = tpu.vector_load %arg10[%get3A_843, %get3A_844] {strides = array<i32>} : memref<128x128xf32, #tpu.memory_space<vmem>>, vector<1x16xf32>,
        %get3A_846 = vector.shape_cast %get3A_845 : vector<1x16xf32> to vector<16xf32>
        %mul3A_847 = arith.mulf %get3A_846, %gather3A_808 : vector<16xf32>
        %swap3A_848 = arith.index_cast %add3A_812 : i32 to index
        %swap3A_849 = arith.constant 48 : index
        %swap3A_850 = tpu.vector_load %arg10[%swap3A_848, %swap3A_849] {strides = array<i32>} : memref<128x128xf32, #tpu.memory_space<vmem>>, vector<1x16xf32>,
        %swap3A_851 = vector.shape_cast %swap3A_850 : vector<1x16xf32> to vector<16xf32>
        %swap3A_852 = vector.shape_cast %mul3A_847 : vector<16xf32> to vector<1x16xf32>
        tpu.vector_store %arg10[%swap3A_848, %swap3A_849], %swap3A_852 {strides = array<i32>} : memref<128x128xf32, #tpu.memory_space<vmem>>, vector<1x16xf32>,
        %get3A_853 = arith.index_cast %add3A_812 : i32 to index
        %get3A_854 = arith.constant 64 : index
        %get3A_855 = tpu.vector_load %arg10[%get3A_853, %get3A_854] {strides = array<i32>} : memref<128x128xf32, #tpu.memory_space<vmem>>, vector<1x16xf32>,
        %get3A_856 = vector.shape_cast %get3A_855 : vector<1x16xf32> to vector<16xf32>
        %mul3A_857 = arith.mulf %get3A_856, %gather3A_808 : vector<16xf32>
        %swap3A_858 = arith.index_cast %add3A_812 : i32 to index
        %swap3A_859 = arith.constant 64 : index
        %swap3A_860 = tpu.vector_load %arg10[%swap3A_858, %swap3A_859] {strides = array<i32>} : memref<128x128xf32, #tpu.memory_space<vmem>>, vector<1x16xf32>,
        %swap3A_861 = vector.shape_cast %swap3A_860 : vector<1x16xf32> to vector<16xf32>
        %swap3A_862 = vector.shape_cast %mul3A_857 : vector<16xf32> to vector<1x16xf32>
        tpu.vector_store %arg10[%swap3A_858, %swap3A_859], %swap3A_862 {strides = array<i32>} : memref<128x128xf32, #tpu.memory_space<vmem>>, vector<1x16xf32>,
        %get3A_863 = arith.index_cast %add3A_812 : i32 to index
        %get3A_864 = arith.constant 80 : index
        %get3A_865 = tpu.vector_load %arg10[%get3A_863, %get3A_864] {strides = array<i32>} : memref<128x128xf32, #tpu.memory_space<vmem>>, vector<1x16xf32>,
        %get3A_866 = vector.shape_cast %get3A_865 : vector<1x16xf32> to vector<16xf32>
        %mul3A_867 = arith.mulf %get3A_866, %gather3A_808 : vector<16xf32>
        %swap3A_868 = arith.index_cast %add3A_812 : i32 to index
        %swap3A_869 = arith.constant 80 : index
        %swap3A_870 = tpu.vector_load %arg10[%swap3A_868, %swap3A_869] {strides = array<i32>} : memref<128x128xf32, #tpu.memory_space<vmem>>, vector<1x16xf32>,
        %swap3A_871 = vector.shape_cast %swap3A_870 : vector<1x16xf32> to vector<16xf32>
        %swap3A_872 = vector.shape_cast %mul3A_867 : vector<16xf32> to vector<1x16xf32>
        tpu.vector_store %arg10[%swap3A_868, %swap3A_869], %swap3A_872 {strides = array<i32>} : memref<128x128xf32, #tpu.memory_space<vmem>>, vector<1x16xf32>,
        %get3A_873 = arith.index_cast %add3A_812 : i32 to index
        %get3A_874 = arith.constant 96 : index
        %get3A_875 = tpu.vector_load %arg10[%get3A_873, %get3A_874] {strides = array<i32>} : memref<128x128xf32, #tpu.memory_space<vmem>>, vector<1x16xf32>,
        %get3A_876 = vector.shape_cast %get3A_875 : vector<1x16xf32> to vector<16xf32>
        %mul3A_877 = arith.mulf %get3A_876, %gather3A_808 : vector<16xf32>
        %swap3A_878 = arith.index_cast %add3A_812 : i32 to index
        %swap3A_879 = arith.constant 96 : index
        %swap3A_880 = tpu.vector_load %arg10[%swap3A_878, %swap3A_879] {strides = array<i32>} : memref<128x128xf32, #tpu.memory_space<vmem>>, vector<1x16xf32>,
        %swap3A_881 = vector.shape_cast %swap3A_880 : vector<1x16xf32> to vector<16xf32>
        %swap3A_882 = vector.shape_cast %mul3A_877 : vector<16xf32> to vector<1x16xf32>
        tpu.vector_store %arg10[%swap3A_878, %swap3A_879], %swap3A_882 {strides = array<i32>} : memref<128x128xf32, #tpu.memory_space<vmem>>, vector<1x16xf32>,
        %get3A_883 = arith.index_cast %add3A_812 : i32 to index
        %get3A_884 = arith.constant 112 : index
        %get3A_885 = tpu.vector_load %arg10[%get3A_883, %get3A_884] {strides = array<i32>} : memref<128x128xf32, #tpu.memory_space<vmem>>, vector<1x16xf32>,
        %get3A_886 = vector.shape_cast %get3A_885 : vector<1x16xf32> to vector<16xf32>
        %mul3A_887 = arith.mulf %get3A_886, %gather3A_808 : vector<16xf32>
        %swap3A_888 = arith.index_cast %add3A_812 : i32 to index
        %swap3A_889 = arith.constant 112 : index
        %swap3A_890 = tpu.vector_load %arg10[%swap3A_888, %swap3A_889] {strides = array<i32>} : memref<128x128xf32, #tpu.memory_space<vmem>>, vector<1x16xf32>,
        %swap3A_891 = vector.shape_cast %swap3A_890 : vector<1x16xf32> to vector<16xf32>
        %swap3A_892 = vector.shape_cast %mul3A_887 : vector<16xf32> to vector<1x16xf32>
        tpu.vector_store %arg10[%swap3A_888, %swap3A_889], %swap3A_892 {strides = array<i32>} : memref<128x128xf32, #tpu.memory_space<vmem>>, vector<1x16xf32>,
        %broadcast_in_dim3A_893 = arith.constant 9 : i32
        %broadcast_in_dim3A_894 = vector.broadcast %broadcast_in_dim3A_893 : i32 to vector<16xi32>
        %broadcast_in_dim3A_895 = vector.shape_cast %broadcast_in_dim3A_894 : vector<16xi32> to vector<16x1xi32>
        %gather3A_896 = vector.shape_cast %broadcast_in_dim3A_895 : vector<16x1xi32> to vector<16xi32>
        %gather3A_897 = tpu.dynamic_gather %get3A_93[%gather3A_896] in [0] : vector<16xf32>, vector<16xi32> -> vector<16xf32>
        %mul3A_898 = arith.constant 16 : i32
        %mul3A_899 = arith.muli %scan3A_88, %mul3A_898 : i32
        %add3A_900 = arith.constant 9 : i32
        %add3A_901 = arith.addi %mul3A_899, %add3A_900 : i32
        %get3A_902 = arith.index_cast %add3A_901 : i32 to index
        %get3A_903 = arith.constant 0 : index
        %get3A_904 = tpu.vector_load %arg10[%get3A_902, %get3A_903] {strides = array<i32>} : memref<128x128xf32, #tpu.memory_space<vmem>>, vector<1x16xf32>,
        %get3A_905 = vector.shape_cast %get3A_904 : vector<1x16xf32> to vector<16xf32>
        %mul3A_906 = arith.mulf %get3A_905, %gather3A_897 : vector<16xf32>
        %swap3A_907 = arith.index_cast %add3A_901 : i32 to index
        %swap3A_908 = arith.constant 0 : index
        %swap3A_909 = tpu.vector_load %arg10[%swap3A_907, %swap3A_908] {strides = array<i32>} : memref<128x128xf32, #tpu.memory_space<vmem>>, vector<1x16xf32>,
        %swap3A_910 = vector.shape_cast %swap3A_909 : vector<1x16xf32> to vector<16xf32>
        %swap3A_911 = vector.shape_cast %mul3A_906 : vector<16xf32> to vector<1x16xf32>
        tpu.vector_store %arg10[%swap3A_907, %swap3A_908], %swap3A_911 {strides = array<i32>} : memref<128x128xf32, #tpu.memory_space<vmem>>, vector<1x16xf32>,
        %get3A_912 = arith.index_cast %add3A_901 : i32 to index
        %get3A_913 = arith.constant 16 : index
        %get3A_914 = tpu.vector_load %arg10[%get3A_912, %get3A_913] {strides = array<i32>} : memref<128x128xf32, #tpu.memory_space<vmem>>, vector<1x16xf32>,
        %get3A_915 = vector.shape_cast %get3A_914 : vector<1x16xf32> to vector<16xf32>
        %mul3A_916 = arith.mulf %get3A_915, %gather3A_897 : vector<16xf32>
        %swap3A_917 = arith.index_cast %add3A_901 : i32 to index
        %swap3A_918 = arith.constant 16 : index
        %swap3A_919 = tpu.vector_load %arg10[%swap3A_917, %swap3A_918] {strides = array<i32>} : memref<128x128xf32, #tpu.memory_space<vmem>>, vector<1x16xf32>,
        %swap3A_920 = vector.shape_cast %swap3A_919 : vector<1x16xf32> to vector<16xf32>
        %swap3A_921 = vector.shape_cast %mul3A_916 : vector<16xf32> to vector<1x16xf32>
        tpu.vector_store %arg10[%swap3A_917, %swap3A_918], %swap3A_921 {strides = array<i32>} : memref<128x128xf32, #tpu.memory_space<vmem>>, vector<1x16xf32>,
        %get3A_922 = arith.index_cast %add3A_901 : i32 to index
        %get3A_923 = arith.constant 32 : index
        %get3A_924 = tpu.vector_load %arg10[%get3A_922, %get3A_923] {strides = array<i32>} : memref<128x128xf32, #tpu.memory_space<vmem>>, vector<1x16xf32>,
        %get3A_925 = vector.shape_cast %get3A_924 : vector<1x16xf32> to vector<16xf32>
        %mul3A_926 = arith.mulf %get3A_925, %gather3A_897 : vector<16xf32>
        %swap3A_927 = arith.index_cast %add3A_901 : i32 to index
        %swap3A_928 = arith.constant 32 : index
        %swap3A_929 = tpu.vector_load %arg10[%swap3A_927, %swap3A_928] {strides = array<i32>} : memref<128x128xf32, #tpu.memory_space<vmem>>, vector<1x16xf32>,
        %swap3A_930 = vector.shape_cast %swap3A_929 : vector<1x16xf32> to vector<16xf32>
        %swap3A_931 = vector.shape_cast %mul3A_926 : vector<16xf32> to vector<1x16xf32>
        tpu.vector_store %arg10[%swap3A_927, %swap3A_928], %swap3A_931 {strides = array<i32>} : memref<128x128xf32, #tpu.memory_space<vmem>>, vector<1x16xf32>,
        %get3A_932 = arith.index_cast %add3A_901 : i32 to index
        %get3A_933 = arith.constant 48 : index
        %get3A_934 = tpu.vector_load %arg10[%get3A_932, %get3A_933] {strides = array<i32>} : memref<128x128xf32, #tpu.memory_space<vmem>>, vector<1x16xf32>,
        %get3A_935 = vector.shape_cast %get3A_934 : vector<1x16xf32> to vector<16xf32>
        %mul3A_936 = arith.mulf %get3A_935, %gather3A_897 : vector<16xf32>
        %swap3A_937 = arith.index_cast %add3A_901 : i32 to index
        %swap3A_938 = arith.constant 48 : index
        %swap3A_939 = tpu.vector_load %arg10[%swap3A_937, %swap3A_938] {strides = array<i32>} : memref<128x128xf32, #tpu.memory_space<vmem>>, vector<1x16xf32>,
        %swap3A_940 = vector.shape_cast %swap3A_939 : vector<1x16xf32> to vector<16xf32>
        %swap3A_941 = vector.shape_cast %mul3A_936 : vector<16xf32> to vector<1x16xf32>
        tpu.vector_store %arg10[%swap3A_937, %swap3A_938], %swap3A_941 {strides = array<i32>} : memref<128x128xf32, #tpu.memory_space<vmem>>, vector<1x16xf32>,
        %get3A_942 = arith.index_cast %add3A_901 : i32 to index
        %get3A_943 = arith.constant 64 : index
        %get3A_944 = tpu.vector_load %arg10[%get3A_942, %get3A_943] {strides = array<i32>} : memref<128x128xf32, #tpu.memory_space<vmem>>, vector<1x16xf32>,
        %get3A_945 = vector.shape_cast %get3A_944 : vector<1x16xf32> to vector<16xf32>
        %mul3A_946 = arith.mulf %get3A_945, %gather3A_897 : vector<16xf32>
        %swap3A_947 = arith.index_cast %add3A_901 : i32 to index
        %swap3A_948 = arith.constant 64 : index
        %swap3A_949 = tpu.vector_load %arg10[%swap3A_947, %swap3A_948] {strides = array<i32>} : memref<128x128xf32, #tpu.memory_space<vmem>>, vector<1x16xf32>,
        %swap3A_950 = vector.shape_cast %swap3A_949 : vector<1x16xf32> to vector<16xf32>
        %swap3A_951 = vector.shape_cast %mul3A_946 : vector<16xf32> to vector<1x16xf32>
        tpu.vector_store %arg10[%swap3A_947, %swap3A_948], %swap3A_951 {strides = array<i32>} : memref<128x128xf32, #tpu.memory_space<vmem>>, vector<1x16xf32>,
        %get3A_952 = arith.index_cast %add3A_901 : i32 to index
        %get3A_953 = arith.constant 80 : index
        %get3A_954 = tpu.vector_load %arg10[%get3A_952, %get3A_953] {strides = array<i32>} : memref<128x128xf32, #tpu.memory_space<vmem>>, vector<1x16xf32>,
        %get3A_955 = vector.shape_cast %get3A_954 : vector<1x16xf32> to vector<16xf32>
        %mul3A_956 = arith.mulf %get3A_955, %gather3A_897 : vector<16xf32>
        %swap3A_957 = arith.index_cast %add3A_901 : i32 to index
        %swap3A_958 = arith.constant 80 : index
        %swap3A_959 = tpu.vector_load %arg10[%swap3A_957, %swap3A_958] {strides = array<i32>} : memref<128x128xf32, #tpu.memory_space<vmem>>, vector<1x16xf32>,
        %swap3A_960 = vector.shape_cast %swap3A_959 : vector<1x16xf32> to vector<16xf32>
        %swap3A_961 = vector.shape_cast %mul3A_956 : vector<16xf32> to vector<1x16xf32>
        tpu.vector_store %arg10[%swap3A_957, %swap3A_958], %swap3A_961 {strides = array<i32>} : memref<128x128xf32, #tpu.memory_space<vmem>>, vector<1x16xf32>,
        %get3A_962 = arith.index_cast %add3A_901 : i32 to index
        %get3A_963 = arith.constant 96 : index
        %get3A_964 = tpu.vector_load %arg10[%get3A_962, %get3A_963] {strides = array<i32>} : memref<128x128xf32, #tpu.memory_space<vmem>>, vector<1x16xf32>,
        %get3A_965 = vector.shape_cast %get3A_964 : vector<1x16xf32> to vector<16xf32>
        %mul3A_966 = arith.mulf %get3A_965, %gather3A_897 : vector<16xf32>
        %swap3A_967 = arith.index_cast %add3A_901 : i32 to index
        %swap3A_968 = arith.constant 96 : index
        %swap3A_969 = tpu.vector_load %arg10[%swap3A_967, %swap3A_968] {strides = array<i32>} : memref<128x128xf32, #tpu.memory_space<vmem>>, vector<1x16xf32>,
        %swap3A_970 = vector.shape_cast %swap3A_969 : vector<1x16xf32> to vector<16xf32>
        %swap3A_971 = vector.shape_cast %mul3A_966 : vector<16xf32> to vector<1x16xf32>
        tpu.vector_store %arg10[%swap3A_967, %swap3A_968], %swap3A_971 {strides = array<i32>} : memref<128x128xf32, #tpu.memory_space<vmem>>, vector<1x16xf32>,
        %get3A_972 = arith.index_cast %add3A_901 : i32 to index
        %get3A_973 = arith.constant 112 : index
        %get3A_974 = tpu.vector_load %arg10[%get3A_972, %get3A_973] {strides = array<i32>} : memref<128x128xf32, #tpu.memory_space<vmem>>, vector<1x16xf32>,
        %get3A_975 = vector.shape_cast %get3A_974 : vector<1x16xf32> to vector<16xf32>
        %mul3A_976 = arith.mulf %get3A_975, %gather3A_897 : vector<16xf32>
        %swap3A_977 = arith.index_cast %add3A_901 : i32 to index
        %swap3A_978 = arith.constant 112 : index
        %swap3A_979 = tpu.vector_load %arg10[%swap3A_977, %swap3A_978] {strides = array<i32>} : memref<128x128xf32, #tpu.memory_space<vmem>>, vector<1x16xf32>,
        %swap3A_980 = vector.shape_cast %swap3A_979 : vector<1x16xf32> to vector<16xf32>
        %swap3A_981 = vector.shape_cast %mul3A_976 : vector<16xf32> to vector<1x16xf32>
        tpu.vector_store %arg10[%swap3A_977, %swap3A_978], %swap3A_981 {strides = array<i32>} : memref<128x128xf32, #tpu.memory_space<vmem>>, vector<1x16xf32>,
        %broadcast_in_dim3A_982 = arith.constant 10 : i32
        %broadcast_in_dim3A_983 = vector.broadcast %broadcast_in_dim3A_982 : i32 to vector<16xi32>
        %broadcast_in_dim3A_984 = vector.shape_cast %broadcast_in_dim3A_983 : vector<16xi32> to vector<16x1xi32>
        %gather3A_985 = vector.shape_cast %broadcast_in_dim3A_984 : vector<16x1xi32> to vector<16xi32>
        %gather3A_986 = tpu.dynamic_gather %get3A_93[%gather3A_985] in [0] : vector<16xf32>, vector<16xi32> -> vector<16xf32>
        %mul3A_987 = arith.constant 16 : i32
        %mul3A_988 = arith.muli %scan3A_88, %mul3A_987 : i32
        %add3A_989 = arith.constant 10 : i32
        %add3A_990 = arith.addi %mul3A_988, %add3A_989 : i32
        %get3A_991 = arith.index_cast %add3A_990 : i32 to index
        %get3A_992 = arith.constant 0 : index
        %get3A_993 = tpu.vector_load %arg10[%get3A_991, %get3A_992] {strides = array<i32>} : memref<128x128xf32, #tpu.memory_space<vmem>>, vector<1x16xf32>,
        %get3A_994 = vector.shape_cast %get3A_993 : vector<1x16xf32> to vector<16xf32>
        %mul3A_995 = arith.mulf %get3A_994, %gather3A_986 : vector<16xf32>
        %swap3A_996 = arith.index_cast %add3A_990 : i32 to index
        %swap3A_997 = arith.constant 0 : index
        %swap3A_998 = tpu.vector_load %arg10[%swap3A_996, %swap3A_997] {strides = array<i32>} : memref<128x128xf32, #tpu.memory_space<vmem>>, vector<1x16xf32>,
        %swap3A_999 = vector.shape_cast %swap3A_998 : vector<1x16xf32> to vector<16xf32>
        %swap3A_1000 = vector.shape_cast %mul3A_995 : vector<16xf32> to vector<1x16xf32>
        tpu.vector_store %arg10[%swap3A_996, %swap3A_997], %swap3A_1000 {strides = array<i32>} : memref<128x128xf32, #tpu.memory_space<vmem>>, vector<1x16xf32>,
        %get3A_1001 = arith.index_cast %add3A_990 : i32 to index
        %get3A_1002 = arith.constant 16 : index
        %get3A_1003 = tpu.vector_load %arg10[%get3A_1001, %get3A_1002] {strides = array<i32>} : memref<128x128xf32, #tpu.memory_space<vmem>>, vector<1x16xf32>,
        %get3A_1004 = vector.shape_cast %get3A_1003 : vector<1x16xf32> to vector<16xf32>
        %mul3A_1005 = arith.mulf %get3A_1004, %gather3A_986 : vector<16xf32>
        %swap3A_1006 = arith.index_cast %add3A_990 : i32 to index
        %swap3A_1007 = arith.constant 16 : index
        %swap3A_1008 = tpu.vector_load %arg10[%swap3A_1006, %swap3A_1007] {strides = array<i32>} : memref<128x128xf32, #tpu.memory_space<vmem>>, vector<1x16xf32>,
        %swap3A_1009 = vector.shape_cast %swap3A_1008 : vector<1x16xf32> to vector<16xf32>
        %swap3A_1010 = vector.shape_cast %mul3A_1005 : vector<16xf32> to vector<1x16xf32>
        tpu.vector_store %arg10[%swap3A_1006, %swap3A_1007], %swap3A_1010 {strides = array<i32>} : memref<128x128xf32, #tpu.memory_space<vmem>>, vector<1x16xf32>,
        %get3A_1011 = arith.index_cast %add3A_990 : i32 to index
        %get3A_1012 = arith.constant 32 : index
        %get3A_1013 = tpu.vector_load %arg10[%get3A_1011, %get3A_1012] {strides = array<i32>} : memref<128x128xf32, #tpu.memory_space<vmem>>, vector<1x16xf32>,
        %get3A_1014 = vector.shape_cast %get3A_1013 : vector<1x16xf32> to vector<16xf32>
        %mul3A_1015 = arith.mulf %get3A_1014, %gather3A_986 : vector<16xf32>
        %swap3A_1016 = arith.index_cast %add3A_990 : i32 to index
        %swap3A_1017 = arith.constant 32 : index
        %swap3A_1018 = tpu.vector_load %arg10[%swap3A_1016, %swap3A_1017] {strides = array<i32>} : memref<128x128xf32, #tpu.memory_space<vmem>>, vector<1x16xf32>,
        %swap3A_1019 = vector.shape_cast %swap3A_1018 : vector<1x16xf32> to vector<16xf32>
        %swap3A_1020 = vector.shape_cast %mul3A_1015 : vector<16xf32> to vector<1x16xf32>
        tpu.vector_store %arg10[%swap3A_1016, %swap3A_1017], %swap3A_1020 {strides = array<i32>} : memref<128x128xf32, #tpu.memory_space<vmem>>, vector<1x16xf32>,
        %get3A_1021 = arith.index_cast %add3A_990 : i32 to index
        %get3A_1022 = arith.constant 48 : index
        %get3A_1023 = tpu.vector_load %arg10[%get3A_1021, %get3A_1022] {strides = array<i32>} : memref<128x128xf32, #tpu.memory_space<vmem>>, vector<1x16xf32>,
        %get3A_1024 = vector.shape_cast %get3A_1023 : vector<1x16xf32> to vector<16xf32>
        %mul3A_1025 = arith.mulf %get3A_1024, %gather3A_986 : vector<16xf32>
        %swap3A_1026 = arith.index_cast %add3A_990 : i32 to index
        %swap3A_1027 = arith.constant 48 : index
        %swap3A_1028 = tpu.vector_load %arg10[%swap3A_1026, %swap3A_1027] {strides = array<i32>} : memref<128x128xf32, #tpu.memory_space<vmem>>, vector<1x16xf32>,
        %swap3A_1029 = vector.shape_cast %swap3A_1028 : vector<1x16xf32> to vector<16xf32>
        %swap3A_1030 = vector.shape_cast %mul3A_1025 : vector<16xf32> to vector<1x16xf32>
        tpu.vector_store %arg10[%swap3A_1026, %swap3A_1027], %swap3A_1030 {strides = array<i32>} : memref<128x128xf32, #tpu.memory_space<vmem>>, vector<1x16xf32>,
        %get3A_1031 = arith.index_cast %add3A_990 : i32 to index
        %get3A_1032 = arith.constant 64 : index
        %get3A_1033 = tpu.vector_load %arg10[%get3A_1031, %get3A_1032] {strides = array<i32>} : memref<128x128xf32, #tpu.memory_space<vmem>>, vector<1x16xf32>,
        %get3A_1034 = vector.shape_cast %get3A_1033 : vector<1x16xf32> to vector<16xf32>
        %mul3A_1035 = arith.mulf %get3A_1034, %gather3A_986 : vector<16xf32>
        %swap3A_1036 = arith.index_cast %add3A_990 : i32 to index
        %swap3A_1037 = arith.constant 64 : index
        %swap3A_1038 = tpu.vector_load %arg10[%swap3A_1036, %swap3A_1037] {strides = array<i32>} : memref<128x128xf32, #tpu.memory_space<vmem>>, vector<1x16xf32>,
        %swap3A_1039 = vector.shape_cast %swap3A_1038 : vector<1x16xf32> to vector<16xf32>
        %swap3A_1040 = vector.shape_cast %mul3A_1035 : vector<16xf32> to vector<1x16xf32>
        tpu.vector_store %arg10[%swap3A_1036, %swap3A_1037], %swap3A_1040 {strides = array<i32>} : memref<128x128xf32, #tpu.memory_space<vmem>>, vector<1x16xf32>,
        %get3A_1041 = arith.index_cast %add3A_990 : i32 to index
        %get3A_1042 = arith.constant 80 : index
        %get3A_1043 = tpu.vector_load %arg10[%get3A_1041, %get3A_1042] {strides = array<i32>} : memref<128x128xf32, #tpu.memory_space<vmem>>, vector<1x16xf32>,
        %get3A_1044 = vector.shape_cast %get3A_1043 : vector<1x16xf32> to vector<16xf32>
        %mul3A_1045 = arith.mulf %get3A_1044, %gather3A_986 : vector<16xf32>
        %swap3A_1046 = arith.index_cast %add3A_990 : i32 to index
        %swap3A_1047 = arith.constant 80 : index
        %swap3A_1048 = tpu.vector_load %arg10[%swap3A_1046, %swap3A_1047] {strides = array<i32>} : memref<128x128xf32, #tpu.memory_space<vmem>>, vector<1x16xf32>,
        %swap3A_1049 = vector.shape_cast %swap3A_1048 : vector<1x16xf32> to vector<16xf32>
        %swap3A_1050 = vector.shape_cast %mul3A_1045 : vector<16xf32> to vector<1x16xf32>
        tpu.vector_store %arg10[%swap3A_1046, %swap3A_1047], %swap3A_1050 {strides = array<i32>} : memref<128x128xf32, #tpu.memory_space<vmem>>, vector<1x16xf32>,
        %get3A_1051 = arith.index_cast %add3A_990 : i32 to index
        %get3A_1052 = arith.constant 96 : index
        %get3A_1053 = tpu.vector_load %arg10[%get3A_1051, %get3A_1052] {strides = array<i32>} : memref<128x128xf32, #tpu.memory_space<vmem>>, vector<1x16xf32>,
        %get3A_1054 = vector.shape_cast %get3A_1053 : vector<1x16xf32> to vector<16xf32>
        %mul3A_1055 = arith.mulf %get3A_1054, %gather3A_986 : vector<16xf32>
        %swap3A_1056 = arith.index_cast %add3A_990 : i32 to index
        %swap3A_1057 = arith.constant 96 : index
        %swap3A_1058 = tpu.vector_load %arg10[%swap3A_1056, %swap3A_1057] {strides = array<i32>} : memref<128x128xf32, #tpu.memory_space<vmem>>, vector<1x16xf32>,
        %swap3A_1059 = vector.shape_cast %swap3A_1058 : vector<1x16xf32> to vector<16xf32>
        %swap3A_1060 = vector.shape_cast %mul3A_1055 : vector<16xf32> to vector<1x16xf32>
        tpu.vector_store %arg10[%swap3A_1056, %swap3A_1057], %swap3A_1060 {strides = array<i32>} : memref<128x128xf32, #tpu.memory_space<vmem>>, vector<1x16xf32>,
        %get3A_1061 = arith.index_cast %add3A_990 : i32 to index
        %get3A_1062 = arith.constant 112 : index
        %get3A_1063 = tpu.vector_load %arg10[%get3A_1061, %get3A_1062] {strides = array<i32>} : memref<128x128xf32, #tpu.memory_space<vmem>>, vector<1x16xf32>,
        %get3A_1064 = vector.shape_cast %get3A_1063 : vector<1x16xf32> to vector<16xf32>
        %mul3A_1065 = arith.mulf %get3A_1064, %gather3A_986 : vector<16xf32>
        %swap3A_1066 = arith.index_cast %add3A_990 : i32 to index
        %swap3A_1067 = arith.constant 112 : index
        %swap3A_1068 = tpu.vector_load %arg10[%swap3A_1066, %swap3A_1067] {strides = array<i32>} : memref<128x128xf32, #tpu.memory_space<vmem>>, vector<1x16xf32>,
        %swap3A_1069 = vector.shape_cast %swap3A_1068 : vector<1x16xf32> to vector<16xf32>
        %swap3A_1070 = vector.shape_cast %mul3A_1065 : vector<16xf32> to vector<1x16xf32>
        tpu.vector_store %arg10[%swap3A_1066, %swap3A_1067], %swap3A_1070 {strides = array<i32>} : memref<128x128xf32, #tpu.memory_space<vmem>>, vector<1x16xf32>,
        %broadcast_in_dim3A_1071 = arith.constant 11 : i32
        %broadcast_in_dim3A_1072 = vector.broadcast %broadcast_in_dim3A_1071 : i32 to vector<16xi32>
        %broadcast_in_dim3A_1073 = vector.shape_cast %broadcast_in_dim3A_1072 : vector<16xi32> to vector<16x1xi32>
        %gather3A_1074 = vector.shape_cast %broadcast_in_dim3A_1073 : vector<16x1xi32> to vector<16xi32>
        %gather3A_1075 = tpu.dynamic_gather %get3A_93[%gather3A_1074] in [0] : vector<16xf32>, vector<16xi32> -> vector<16xf32>
        %mul3A_1076 = arith.constant 16 : i32
        %mul3A_1077 = arith.muli %scan3A_88, %mul3A_1076 : i32
        %add3A_1078 = arith.constant 11 : i32
        %add3A_1079 = arith.addi %mul3A_1077, %add3A_1078 : i32
        %get3A_1080 = arith.index_cast %add3A_1079 : i32 to index
        %get3A_1081 = arith.constant 0 : index
        %get3A_1082 = tpu.vector_load %arg10[%get3A_1080, %get3A_1081] {strides = array<i32>} : memref<128x128xf32, #tpu.memory_space<vmem>>, vector<1x16xf32>,
        %get3A_1083 = vector.shape_cast %get3A_1082 : vector<1x16xf32> to vector<16xf32>
        %mul3A_1084 = arith.mulf %get3A_1083, %gather3A_1075 : vector<16xf32>
        %swap3A_1085 = arith.index_cast %add3A_1079 : i32 to index
        %swap3A_1086 = arith.constant 0 : index
        %swap3A_1087 = tpu.vector_load %arg10[%swap3A_1085, %swap3A_1086] {strides = array<i32>} : memref<128x128xf32, #tpu.memory_space<vmem>>, vector<1x16xf32>,
        %swap3A_1088 = vector.shape_cast %swap3A_1087 : vector<1x16xf32> to vector<16xf32>
        %swap3A_1089 = vector.shape_cast %mul3A_1084 : vector<16xf32> to vector<1x16xf32>
        tpu.vector_store %arg10[%swap3A_1085, %swap3A_1086], %swap3A_1089 {strides = array<i32>} : memref<128x128xf32, #tpu.memory_space<vmem>>, vector<1x16xf32>,
        %get3A_1090 = arith.index_cast %add3A_1079 : i32 to index
        %get3A_1091 = arith.constant 16 : index
        %get3A_1092 = tpu.vector_load %arg10[%get3A_1090, %get3A_1091] {strides = array<i32>} : memref<128x128xf32, #tpu.memory_space<vmem>>, vector<1x16xf32>,
        %get3A_1093 = vector.shape_cast %get3A_1092 : vector<1x16xf32> to vector<16xf32>
        %mul3A_1094 = arith.mulf %get3A_1093, %gather3A_1075 : vector<16xf32>
        %swap3A_1095 = arith.index_cast %add3A_1079 : i32 to index
        %swap3A_1096 = arith.constant 16 : index
        %swap3A_1097 = tpu.vector_load %arg10[%swap3A_1095, %swap3A_1096] {strides = array<i32>} : memref<128x128xf32, #tpu.memory_space<vmem>>, vector<1x16xf32>,
        %swap3A_1098 = vector.shape_cast %swap3A_1097 : vector<1x16xf32> to vector<16xf32>
        %swap3A_1099 = vector.shape_cast %mul3A_1094 : vector<16xf32> to vector<1x16xf32>
        tpu.vector_store %arg10[%swap3A_1095, %swap3A_1096], %swap3A_1099 {strides = array<i32>} : memref<128x128xf32, #tpu.memory_space<vmem>>, vector<1x16xf32>,
        %get3A_1100 = arith.index_cast %add3A_1079 : i32 to index
        %get3A_1101 = arith.constant 32 : index
        %get3A_1102 = tpu.vector_load %arg10[%get3A_1100, %get3A_1101] {strides = array<i32>} : memref<128x128xf32, #tpu.memory_space<vmem>>, vector<1x16xf32>,
        %get3A_1103 = vector.shape_cast %get3A_1102 : vector<1x16xf32> to vector<16xf32>
        %mul3A_1104 = arith.mulf %get3A_1103, %gather3A_1075 : vector<16xf32>
        %swap3A_1105 = arith.index_cast %add3A_1079 : i32 to index
        %swap3A_1106 = arith.constant 32 : index
        %swap3A_1107 = tpu.vector_load %arg10[%swap3A_1105, %swap3A_1106] {strides = array<i32>} : memref<128x128xf32, #tpu.memory_space<vmem>>, vector<1x16xf32>,
        %swap3A_1108 = vector.shape_cast %swap3A_1107 : vector<1x16xf32> to vector<16xf32>
        %swap3A_1109 = vector.shape_cast %mul3A_1104 : vector<16xf32> to vector<1x16xf32>
        tpu.vector_store %arg10[%swap3A_1105, %swap3A_1106], %swap3A_1109 {strides = array<i32>} : memref<128x128xf32, #tpu.memory_space<vmem>>, vector<1x16xf32>,
        %get3A_1110 = arith.index_cast %add3A_1079 : i32 to index
        %get3A_1111 = arith.constant 48 : index
        %get3A_1112 = tpu.vector_load %arg10[%get3A_1110, %get3A_1111] {strides = array<i32>} : memref<128x128xf32, #tpu.memory_space<vmem>>, vector<1x16xf32>,
        %get3A_1113 = vector.shape_cast %get3A_1112 : vector<1x16xf32> to vector<16xf32>
        %mul3A_1114 = arith.mulf %get3A_1113, %gather3A_1075 : vector<16xf32>
        %swap3A_1115 = arith.index_cast %add3A_1079 : i32 to index
        %swap3A_1116 = arith.constant 48 : index
        %swap3A_1117 = tpu.vector_load %arg10[%swap3A_1115, %swap3A_1116] {strides = array<i32>} : memref<128x128xf32, #tpu.memory_space<vmem>>, vector<1x16xf32>,
        %swap3A_1118 = vector.shape_cast %swap3A_1117 : vector<1x16xf32> to vector<16xf32>
        %swap3A_1119 = vector.shape_cast %mul3A_1114 : vector<16xf32> to vector<1x16xf32>
        tpu.vector_store %arg10[%swap3A_1115, %swap3A_1116], %swap3A_1119 {strides = array<i32>} : memref<128x128xf32, #tpu.memory_space<vmem>>, vector<1x16xf32>,
        %get3A_1120 = arith.index_cast %add3A_1079 : i32 to index
        %get3A_1121 = arith.constant 64 : index
        %get3A_1122 = tpu.vector_load %arg10[%get3A_1120, %get3A_1121] {strides = array<i32>} : memref<128x128xf32, #tpu.memory_space<vmem>>, vector<1x16xf32>,
        %get3A_1123 = vector.shape_cast %get3A_1122 : vector<1x16xf32> to vector<16xf32>
        %mul3A_1124 = arith.mulf %get3A_1123, %gather3A_1075 : vector<16xf32>
        %swap3A_1125 = arith.index_cast %add3A_1079 : i32 to index
        %swap3A_1126 = arith.constant 64 : index
        %swap3A_1127 = tpu.vector_load %arg10[%swap3A_1125, %swap3A_1126] {strides = array<i32>} : memref<128x128xf32, #tpu.memory_space<vmem>>, vector<1x16xf32>,
        %swap3A_1128 = vector.shape_cast %swap3A_1127 : vector<1x16xf32> to vector<16xf32>
        %swap3A_1129 = vector.shape_cast %mul3A_1124 : vector<16xf32> to vector<1x16xf32>
        tpu.vector_store %arg10[%swap3A_1125, %swap3A_1126], %swap3A_1129 {strides = array<i32>} : memref<128x128xf32, #tpu.memory_space<vmem>>, vector<1x16xf32>,
        %get3A_1130 = arith.index_cast %add3A_1079 : i32 to index
        %get3A_1131 = arith.constant 80 : index
        %get3A_1132 = tpu.vector_load %arg10[%get3A_1130, %get3A_1131] {strides = array<i32>} : memref<128x128xf32, #tpu.memory_space<vmem>>, vector<1x16xf32>,
        %get3A_1133 = vector.shape_cast %get3A_1132 : vector<1x16xf32> to vector<16xf32>
        %mul3A_1134 = arith.mulf %get3A_1133, %gather3A_1075 : vector<16xf32>
        %swap3A_1135 = arith.index_cast %add3A_1079 : i32 to index
        %swap3A_1136 = arith.constant 80 : index
        %swap3A_1137 = tpu.vector_load %arg10[%swap3A_1135, %swap3A_1136] {strides = array<i32>} : memref<128x128xf32, #tpu.memory_space<vmem>>, vector<1x16xf32>,
        %swap3A_1138 = vector.shape_cast %swap3A_1137 : vector<1x16xf32> to vector<16xf32>
        %swap3A_1139 = vector.shape_cast %mul3A_1134 : vector<16xf32> to vector<1x16xf32>
        tpu.vector_store %arg10[%swap3A_1135, %swap3A_1136], %swap3A_1139 {strides = array<i32>} : memref<128x128xf32, #tpu.memory_space<vmem>>, vector<1x16xf32>,
        %get3A_1140 = arith.index_cast %add3A_1079 : i32 to index
        %get3A_1141 = arith.constant 96 : index
        %get3A_1142 = tpu.vector_load %arg10[%get3A_1140, %get3A_1141] {strides = array<i32>} : memref<128x128xf32, #tpu.memory_space<vmem>>, vector<1x16xf32>,
        %get3A_1143 = vector.shape_cast %get3A_1142 : vector<1x16xf32> to vector<16xf32>
        %mul3A_1144 = arith.mulf %get3A_1143, %gather3A_1075 : vector<16xf32>
        %swap3A_1145 = arith.index_cast %add3A_1079 : i32 to index
        %swap3A_1146 = arith.constant 96 : index
        %swap3A_1147 = tpu.vector_load %arg10[%swap3A_1145, %swap3A_1146] {strides = array<i32>} : memref<128x128xf32, #tpu.memory_space<vmem>>, vector<1x16xf32>,
        %swap3A_1148 = vector.shape_cast %swap3A_1147 : vector<1x16xf32> to vector<16xf32>
        %swap3A_1149 = vector.shape_cast %mul3A_1144 : vector<16xf32> to vector<1x16xf32>
        tpu.vector_store %arg10[%swap3A_1145, %swap3A_1146], %swap3A_1149 {strides = array<i32>} : memref<128x128xf32, #tpu.memory_space<vmem>>, vector<1x16xf32>,
        %get3A_1150 = arith.index_cast %add3A_1079 : i32 to index
        %get3A_1151 = arith.constant 112 : index
        %get3A_1152 = tpu.vector_load %arg10[%get3A_1150, %get3A_1151] {strides = array<i32>} : memref<128x128xf32, #tpu.memory_space<vmem>>, vector<1x16xf32>,
        %get3A_1153 = vector.shape_cast %get3A_1152 : vector<1x16xf32> to vector<16xf32>
        %mul3A_1154 = arith.mulf %get3A_1153, %gather3A_1075 : vector<16xf32>
        %swap3A_1155 = arith.index_cast %add3A_1079 : i32 to index
        %swap3A_1156 = arith.constant 112 : index
        %swap3A_1157 = tpu.vector_load %arg10[%swap3A_1155, %swap3A_1156] {strides = array<i32>} : memref<128x128xf32, #tpu.memory_space<vmem>>, vector<1x16xf32>,
        %swap3A_1158 = vector.shape_cast %swap3A_1157 : vector<1x16xf32> to vector<16xf32>
        %swap3A_1159 = vector.shape_cast %mul3A_1154 : vector<16xf32> to vector<1x16xf32>
        tpu.vector_store %arg10[%swap3A_1155, %swap3A_1156], %swap3A_1159 {strides = array<i32>} : memref<128x128xf32, #tpu.memory_space<vmem>>, vector<1x16xf32>,
        %broadcast_in_dim3A_1160 = arith.constant 12 : i32
        %broadcast_in_dim3A_1161 = vector.broadcast %broadcast_in_dim3A_1160 : i32 to vector<16xi32>
        %broadcast_in_dim3A_1162 = vector.shape_cast %broadcast_in_dim3A_1161 : vector<16xi32> to vector<16x1xi32>
        %gather3A_1163 = vector.shape_cast %broadcast_in_dim3A_1162 : vector<16x1xi32> to vector<16xi32>
        %gather3A_1164 = tpu.dynamic_gather %get3A_93[%gather3A_1163] in [0] : vector<16xf32>, vector<16xi32> -> vector<16xf32>
        %mul3A_1165 = arith.constant 16 : i32
        %mul3A_1166 = arith.muli %scan3A_88, %mul3A_1165 : i32
        %add3A_1167 = arith.constant 12 : i32
        %add3A_1168 = arith.addi %mul3A_1166, %add3A_1167 : i32
        %get3A_1169 = arith.index_cast %add3A_1168 : i32 to index
        %get3A_1170 = arith.constant 0 : index
        %get3A_1171 = tpu.vector_load %arg10[%get3A_1169, %get3A_1170] {strides = array<i32>} : memref<128x128xf32, #tpu.memory_space<vmem>>, vector<1x16xf32>,
        %get3A_1172 = vector.shape_cast %get3A_1171 : vector<1x16xf32> to vector<16xf32>
        %mul3A_1173 = arith.mulf %get3A_1172, %gather3A_1164 : vector<16xf32>
        %swap3A_1174 = arith.index_cast %add3A_1168 : i32 to index
        %swap3A_1175 = arith.constant 0 : index
        %swap3A_1176 = tpu.vector_load %arg10[%swap3A_1174, %swap3A_1175] {strides = array<i32>} : memref<128x128xf32, #tpu.memory_space<vmem>>, vector<1x16xf32>,
        %swap3A_1177 = vector.shape_cast %swap3A_1176 : vector<1x16xf32> to vector<16xf32>
        %swap3A_1178 = vector.shape_cast %mul3A_1173 : vector<16xf32> to vector<1x16xf32>
        tpu.vector_store %arg10[%swap3A_1174, %swap3A_1175], %swap3A_1178 {strides = array<i32>} : memref<128x128xf32, #tpu.memory_space<vmem>>, vector<1x16xf32>,
        %get3A_1179 = arith.index_cast %add3A_1168 : i32 to index
        %get3A_1180 = arith.constant 16 : index
        %get3A_1181 = tpu.vector_load %arg10[%get3A_1179, %get3A_1180] {strides = array<i32>} : memref<128x128xf32, #tpu.memory_space<vmem>>, vector<1x16xf32>,
        %get3A_1182 = vector.shape_cast %get3A_1181 : vector<1x16xf32> to vector<16xf32>
        %mul3A_1183 = arith.mulf %get3A_1182, %gather3A_1164 : vector<16xf32>
        %swap3A_1184 = arith.index_cast %add3A_1168 : i32 to index
        %swap3A_1185 = arith.constant 16 : index
        %swap3A_1186 = tpu.vector_load %arg10[%swap3A_1184, %swap3A_1185] {strides = array<i32>} : memref<128x128xf32, #tpu.memory_space<vmem>>, vector<1x16xf32>,
        %swap3A_1187 = vector.shape_cast %swap3A_1186 : vector<1x16xf32> to vector<16xf32>
        %swap3A_1188 = vector.shape_cast %mul3A_1183 : vector<16xf32> to vector<1x16xf32>
        tpu.vector_store %arg10[%swap3A_1184, %swap3A_1185], %swap3A_1188 {strides = array<i32>} : memref<128x128xf32, #tpu.memory_space<vmem>>, vector<1x16xf32>,
        %get3A_1189 = arith.index_cast %add3A_1168 : i32 to index
        %get3A_1190 = arith.constant 32 : index
        %get3A_1191 = tpu.vector_load %arg10[%get3A_1189, %get3A_1190] {strides = array<i32>} : memref<128x128xf32, #tpu.memory_space<vmem>>, vector<1x16xf32>,
        %get3A_1192 = vector.shape_cast %get3A_1191 : vector<1x16xf32> to vector<16xf32>
        %mul3A_1193 = arith.mulf %get3A_1192, %gather3A_1164 : vector<16xf32>
        %swap3A_1194 = arith.index_cast %add3A_1168 : i32 to index
        %swap3A_1195 = arith.constant 32 : index
        %swap3A_1196 = tpu.vector_load %arg10[%swap3A_1194, %swap3A_1195] {strides = array<i32>} : memref<128x128xf32, #tpu.memory_space<vmem>>, vector<1x16xf32>,
        %swap3A_1197 = vector.shape_cast %swap3A_1196 : vector<1x16xf32> to vector<16xf32>
        %swap3A_1198 = vector.shape_cast %mul3A_1193 : vector<16xf32> to vector<1x16xf32>
        tpu.vector_store %arg10[%swap3A_1194, %swap3A_1195], %swap3A_1198 {strides = array<i32>} : memref<128x128xf32, #tpu.memory_space<vmem>>, vector<1x16xf32>,
        %get3A_1199 = arith.index_cast %add3A_1168 : i32 to index
        %get3A_1200 = arith.constant 48 : index
        %get3A_1201 = tpu.vector_load %arg10[%get3A_1199, %get3A_1200] {strides = array<i32>} : memref<128x128xf32, #tpu.memory_space<vmem>>, vector<1x16xf32>,
        %get3A_1202 = vector.shape_cast %get3A_1201 : vector<1x16xf32> to vector<16xf32>
        %mul3A_1203 = arith.mulf %get3A_1202, %gather3A_1164 : vector<16xf32>
        %swap3A_1204 = arith.index_cast %add3A_1168 : i32 to index
        %swap3A_1205 = arith.constant 48 : index
        %swap3A_1206 = tpu.vector_load %arg10[%swap3A_1204, %swap3A_1205] {strides = array<i32>} : memref<128x128xf32, #tpu.memory_space<vmem>>, vector<1x16xf32>,
        %swap3A_1207 = vector.shape_cast %swap3A_1206 : vector<1x16xf32> to vector<16xf32>
        %swap3A_1208 = vector.shape_cast %mul3A_1203 : vector<16xf32> to vector<1x16xf32>
        tpu.vector_store %arg10[%swap3A_1204, %swap3A_1205], %swap3A_1208 {strides = array<i32>} : memref<128x128xf32, #tpu.memory_space<vmem>>, vector<1x16xf32>,
        %get3A_1209 = arith.index_cast %add3A_1168 : i32 to index
        %get3A_1210 = arith.constant 64 : index
        %get3A_1211 = tpu.vector_load %arg10[%get3A_1209, %get3A_1210] {strides = array<i32>} : memref<128x128xf32, #tpu.memory_space<vmem>>, vector<1x16xf32>,
        %get3A_1212 = vector.shape_cast %get3A_1211 : vector<1x16xf32> to vector<16xf32>
        %mul3A_1213 = arith.mulf %get3A_1212, %gather3A_1164 : vector<16xf32>
        %swap3A_1214 = arith.index_cast %add3A_1168 : i32 to index
        %swap3A_1215 = arith.constant 64 : index
        %swap3A_1216 = tpu.vector_load %arg10[%swap3A_1214, %swap3A_1215] {strides = array<i32>} : memref<128x128xf32, #tpu.memory_space<vmem>>, vector<1x16xf32>,
        %swap3A_1217 = vector.shape_cast %swap3A_1216 : vector<1x16xf32> to vector<16xf32>
        %swap3A_1218 = vector.shape_cast %mul3A_1213 : vector<16xf32> to vector<1x16xf32>
        tpu.vector_store %arg10[%swap3A_1214, %swap3A_1215], %swap3A_1218 {strides = array<i32>} : memref<128x128xf32, #tpu.memory_space<vmem>>, vector<1x16xf32>,
        %get3A_1219 = arith.index_cast %add3A_1168 : i32 to index
        %get3A_1220 = arith.constant 80 : index
        %get3A_1221 = tpu.vector_load %arg10[%get3A_1219, %get3A_1220] {strides = array<i32>} : memref<128x128xf32, #tpu.memory_space<vmem>>, vector<1x16xf32>,
        %get3A_1222 = vector.shape_cast %get3A_1221 : vector<1x16xf32> to vector<16xf32>
        %mul3A_1223 = arith.mulf %get3A_1222, %gather3A_1164 : vector<16xf32>
        %swap3A_1224 = arith.index_cast %add3A_1168 : i32 to index
        %swap3A_1225 = arith.constant 80 : index
        %swap3A_1226 = tpu.vector_load %arg10[%swap3A_1224, %swap3A_1225] {strides = array<i32>} : memref<128x128xf32, #tpu.memory_space<vmem>>, vector<1x16xf32>,
        %swap3A_1227 = vector.shape_cast %swap3A_1226 : vector<1x16xf32> to vector<16xf32>
        %swap3A_1228 = vector.shape_cast %mul3A_1223 : vector<16xf32> to vector<1x16xf32>
        tpu.vector_store %arg10[%swap3A_1224, %swap3A_1225], %swap3A_1228 {strides = array<i32>} : memref<128x128xf32, #tpu.memory_space<vmem>>, vector<1x16xf32>,
        %get3A_1229 = arith.index_cast %add3A_1168 : i32 to index
        %get3A_1230 = arith.constant 96 : index
        %get3A_1231 = tpu.vector_load %arg10[%get3A_1229, %get3A_1230] {strides = array<i32>} : memref<128x128xf32, #tpu.memory_space<vmem>>, vector<1x16xf32>,
        %get3A_1232 = vector.shape_cast %get3A_1231 : vector<1x16xf32> to vector<16xf32>
        %mul3A_1233 = arith.mulf %get3A_1232, %gather3A_1164 : vector<16xf32>
        %swap3A_1234 = arith.index_cast %add3A_1168 : i32 to index
        %swap3A_1235 = arith.constant 96 : index
        %swap3A_1236 = tpu.vector_load %arg10[%swap3A_1234, %swap3A_1235] {strides = array<i32>} : memref<128x128xf32, #tpu.memory_space<vmem>>, vector<1x16xf32>,
        %swap3A_1237 = vector.shape_cast %swap3A_1236 : vector<1x16xf32> to vector<16xf32>
        %swap3A_1238 = vector.shape_cast %mul3A_1233 : vector<16xf32> to vector<1x16xf32>
        tpu.vector_store %arg10[%swap3A_1234, %swap3A_1235], %swap3A_1238 {strides = array<i32>} : memref<128x128xf32, #tpu.memory_space<vmem>>, vector<1x16xf32>,
        %get3A_1239 = arith.index_cast %add3A_1168 : i32 to index
        %get3A_1240 = arith.constant 112 : index
        %get3A_1241 = tpu.vector_load %arg10[%get3A_1239, %get3A_1240] {strides = array<i32>} : memref<128x128xf32, #tpu.memory_space<vmem>>, vector<1x16xf32>,
        %get3A_1242 = vector.shape_cast %get3A_1241 : vector<1x16xf32> to vector<16xf32>
        %mul3A_1243 = arith.mulf %get3A_1242, %gather3A_1164 : vector<16xf32>
        %swap3A_1244 = arith.index_cast %add3A_1168 : i32 to index
        %swap3A_1245 = arith.constant 112 : index
        %swap3A_1246 = tpu.vector_load %arg10[%swap3A_1244, %swap3A_1245] {strides = array<i32>} : memref<128x128xf32, #tpu.memory_space<vmem>>, vector<1x16xf32>,
        %swap3A_1247 = vector.shape_cast %swap3A_1246 : vector<1x16xf32> to vector<16xf32>
        %swap3A_1248 = vector.shape_cast %mul3A_1243 : vector<16xf32> to vector<1x16xf32>
        tpu.vector_store %arg10[%swap3A_1244, %swap3A_1245], %swap3A_1248 {strides = array<i32>} : memref<128x128xf32, #tpu.memory_space<vmem>>, vector<1x16xf32>,
        %broadcast_in_dim3A_1249 = arith.constant 13 : i32
        %broadcast_in_dim3A_1250 = vector.broadcast %broadcast_in_dim3A_1249 : i32 to vector<16xi32>
        %broadcast_in_dim3A_1251 = vector.shape_cast %broadcast_in_dim3A_1250 : vector<16xi32> to vector<16x1xi32>
        %gather3A_1252 = vector.shape_cast %broadcast_in_dim3A_1251 : vector<16x1xi32> to vector<16xi32>
        %gather3A_1253 = tpu.dynamic_gather %get3A_93[%gather3A_1252] in [0] : vector<16xf32>, vector<16xi32> -> vector<16xf32>
        %mul3A_1254 = arith.constant 16 : i32
        %mul3A_1255 = arith.muli %scan3A_88, %mul3A_1254 : i32
        %add3A_1256 = arith.constant 13 : i32
        %add3A_1257 = arith.addi %mul3A_1255, %add3A_1256 : i32
        %get3A_1258 = arith.index_cast %add3A_1257 : i32 to index
        %get3A_1259 = arith.constant 0 : index
        %get3A_1260 = tpu.vector_load %arg10[%get3A_1258, %get3A_1259] {strides = array<i32>} : memref<128x128xf32, #tpu.memory_space<vmem>>, vector<1x16xf32>,
        %get3A_1261 = vector.shape_cast %get3A_1260 : vector<1x16xf32> to vector<16xf32>
        %mul3A_1262 = arith.mulf %get3A_1261, %gather3A_1253 : vector<16xf32>
        %swap3A_1263 = arith.index_cast %add3A_1257 : i32 to index
        %swap3A_1264 = arith.constant 0 : index
        %swap3A_1265 = tpu.vector_load %arg10[%swap3A_1263, %swap3A_1264] {strides = array<i32>} : memref<128x128xf32, #tpu.memory_space<vmem>>, vector<1x16xf32>,
        %swap3A_1266 = vector.shape_cast %swap3A_1265 : vector<1x16xf32> to vector<16xf32>
        %swap3A_1267 = vector.shape_cast %mul3A_1262 : vector<16xf32> to vector<1x16xf32>
        tpu.vector_store %arg10[%swap3A_1263, %swap3A_1264], %swap3A_1267 {strides = array<i32>} : memref<128x128xf32, #tpu.memory_space<vmem>>, vector<1x16xf32>,
        %get3A_1268 = arith.index_cast %add3A_1257 : i32 to index
        %get3A_1269 = arith.constant 16 : index
        %get3A_1270 = tpu.vector_load %arg10[%get3A_1268, %get3A_1269] {strides = array<i32>} : memref<128x128xf32, #tpu.memory_space<vmem>>, vector<1x16xf32>,
        %get3A_1271 = vector.shape_cast %get3A_1270 : vector<1x16xf32> to vector<16xf32>
        %mul3A_1272 = arith.mulf %get3A_1271, %gather3A_1253 : vector<16xf32>
        %swap3A_1273 = arith.index_cast %add3A_1257 : i32 to index
        %swap3A_1274 = arith.constant 16 : index
        %swap3A_1275 = tpu.vector_load %arg10[%swap3A_1273, %swap3A_1274] {strides = array<i32>} : memref<128x128xf32, #tpu.memory_space<vmem>>, vector<1x16xf32>,
        %swap3A_1276 = vector.shape_cast %swap3A_1275 : vector<1x16xf32> to vector<16xf32>
        %swap3A_1277 = vector.shape_cast %mul3A_1272 : vector<16xf32> to vector<1x16xf32>
        tpu.vector_store %arg10[%swap3A_1273, %swap3A_1274], %swap3A_1277 {strides = array<i32>} : memref<128x128xf32, #tpu.memory_space<vmem>>, vector<1x16xf32>,
        %get3A_1278 = arith.index_cast %add3A_1257 : i32 to index
        %get3A_1279 = arith.constant 32 : index
        %get3A_1280 = tpu.vector_load %arg10[%get3A_1278, %get3A_1279] {strides = array<i32>} : memref<128x128xf32, #tpu.memory_space<vmem>>, vector<1x16xf32>,
        %get3A_1281 = vector.shape_cast %get3A_1280 : vector<1x16xf32> to vector<16xf32>
        %mul3A_1282 = arith.mulf %get3A_1281, %gather3A_1253 : vector<16xf32>
        %swap3A_1283 = arith.index_cast %add3A_1257 : i32 to index
        %swap3A_1284 = arith.constant 32 : index
        %swap3A_1285 = tpu.vector_load %arg10[%swap3A_1283, %swap3A_1284] {strides = array<i32>} : memref<128x128xf32, #tpu.memory_space<vmem>>, vector<1x16xf32>,
        %swap3A_1286 = vector.shape_cast %swap3A_1285 : vector<1x16xf32> to vector<16xf32>
        %swap3A_1287 = vector.shape_cast %mul3A_1282 : vector<16xf32> to vector<1x16xf32>
        tpu.vector_store %arg10[%swap3A_1283, %swap3A_1284], %swap3A_1287 {strides = array<i32>} : memref<128x128xf32, #tpu.memory_space<vmem>>, vector<1x16xf32>,
        %get3A_1288 = arith.index_cast %add3A_1257 : i32 to index
        %get3A_1289 = arith.constant 48 : index
        %get3A_1290 = tpu.vector_load %arg10[%get3A_1288, %get3A_1289] {strides = array<i32>} : memref<128x128xf32, #tpu.memory_space<vmem>>, vector<1x16xf32>,
        %get3A_1291 = vector.shape_cast %get3A_1290 : vector<1x16xf32> to vector<16xf32>
        %mul3A_1292 = arith.mulf %get3A_1291, %gather3A_1253 : vector<16xf32>
        %swap3A_1293 = arith.index_cast %add3A_1257 : i32 to index
        %swap3A_1294 = arith.constant 48 : index
        %swap3A_1295 = tpu.vector_load %arg10[%swap3A_1293, %swap3A_1294] {strides = array<i32>} : memref<128x128xf32, #tpu.memory_space<vmem>>, vector<1x16xf32>,
        %swap3A_1296 = vector.shape_cast %swap3A_1295 : vector<1x16xf32> to vector<16xf32>
        %swap3A_1297 = vector.shape_cast %mul3A_1292 : vector<16xf32> to vector<1x16xf32>
        tpu.vector_store %arg10[%swap3A_1293, %swap3A_1294], %swap3A_1297 {strides = array<i32>} : memref<128x128xf32, #tpu.memory_space<vmem>>, vector<1x16xf32>,
        %get3A_1298 = arith.index_cast %add3A_1257 : i32 to index
        %get3A_1299 = arith.constant 64 : index
        %get3A_1300 = tpu.vector_load %arg10[%get3A_1298, %get3A_1299] {strides = array<i32>} : memref<128x128xf32, #tpu.memory_space<vmem>>, vector<1x16xf32>,
        %get3A_1301 = vector.shape_cast %get3A_1300 : vector<1x16xf32> to vector<16xf32>
        %mul3A_1302 = arith.mulf %get3A_1301, %gather3A_1253 : vector<16xf32>
        %swap3A_1303 = arith.index_cast %add3A_1257 : i32 to index
        %swap3A_1304 = arith.constant 64 : index
        %swap3A_1305 = tpu.vector_load %arg10[%swap3A_1303, %swap3A_1304] {strides = array<i32>} : memref<128x128xf32, #tpu.memory_space<vmem>>, vector<1x16xf32>,
        %swap3A_1306 = vector.shape_cast %swap3A_1305 : vector<1x16xf32> to vector<16xf32>
        %swap3A_1307 = vector.shape_cast %mul3A_1302 : vector<16xf32> to vector<1x16xf32>
        tpu.vector_store %arg10[%swap3A_1303, %swap3A_1304], %swap3A_1307 {strides = array<i32>} : memref<128x128xf32, #tpu.memory_space<vmem>>, vector<1x16xf32>,
        %get3A_1308 = arith.index_cast %add3A_1257 : i32 to index
        %get3A_1309 = arith.constant 80 : index
        %get3A_1310 = tpu.vector_load %arg10[%get3A_1308, %get3A_1309] {strides = array<i32>} : memref<128x128xf32, #tpu.memory_space<vmem>>, vector<1x16xf32>,
        %get3A_1311 = vector.shape_cast %get3A_1310 : vector<1x16xf32> to vector<16xf32>
        %mul3A_1312 = arith.mulf %get3A_1311, %gather3A_1253 : vector<16xf32>
        %swap3A_1313 = arith.index_cast %add3A_1257 : i32 to index
        %swap3A_1314 = arith.constant 80 : index
        %swap3A_1315 = tpu.vector_load %arg10[%swap3A_1313, %swap3A_1314] {strides = array<i32>} : memref<128x128xf32, #tpu.memory_space<vmem>>, vector<1x16xf32>,
        %swap3A_1316 = vector.shape_cast %swap3A_1315 : vector<1x16xf32> to vector<16xf32>
        %swap3A_1317 = vector.shape_cast %mul3A_1312 : vector<16xf32> to vector<1x16xf32>
        tpu.vector_store %arg10[%swap3A_1313, %swap3A_1314], %swap3A_1317 {strides = array<i32>} : memref<128x128xf32, #tpu.memory_space<vmem>>, vector<1x16xf32>,
        %get3A_1318 = arith.index_cast %add3A_1257 : i32 to index
        %get3A_1319 = arith.constant 96 : index
        %get3A_1320 = tpu.vector_load %arg10[%get3A_1318, %get3A_1319] {strides = array<i32>} : memref<128x128xf32, #tpu.memory_space<vmem>>, vector<1x16xf32>,
        %get3A_1321 = vector.shape_cast %get3A_1320 : vector<1x16xf32> to vector<16xf32>
        %mul3A_1322 = arith.mulf %get3A_1321, %gather3A_1253 : vector<16xf32>
        %swap3A_1323 = arith.index_cast %add3A_1257 : i32 to index
        %swap3A_1324 = arith.constant 96 : index
        %swap3A_1325 = tpu.vector_load %arg10[%swap3A_1323, %swap3A_1324] {strides = array<i32>} : memref<128x128xf32, #tpu.memory_space<vmem>>, vector<1x16xf32>,
        %swap3A_1326 = vector.shape_cast %swap3A_1325 : vector<1x16xf32> to vector<16xf32>
        %swap3A_1327 = vector.shape_cast %mul3A_1322 : vector<16xf32> to vector<1x16xf32>
        tpu.vector_store %arg10[%swap3A_1323, %swap3A_1324], %swap3A_1327 {strides = array<i32>} : memref<128x128xf32, #tpu.memory_space<vmem>>, vector<1x16xf32>,
        %get3A_1328 = arith.index_cast %add3A_1257 : i32 to index
        %get3A_1329 = arith.constant 112 : index
        %get3A_1330 = tpu.vector_load %arg10[%get3A_1328, %get3A_1329] {strides = array<i32>} : memref<128x128xf32, #tpu.memory_space<vmem>>, vector<1x16xf32>,
        %get3A_1331 = vector.shape_cast %get3A_1330 : vector<1x16xf32> to vector<16xf32>
        %mul3A_1332 = arith.mulf %get3A_1331, %gather3A_1253 : vector<16xf32>
        %swap3A_1333 = arith.index_cast %add3A_1257 : i32 to index
        %swap3A_1334 = arith.constant 112 : index
        %swap3A_1335 = tpu.vector_load %arg10[%swap3A_1333, %swap3A_1334] {strides = array<i32>} : memref<128x128xf32, #tpu.memory_space<vmem>>, vector<1x16xf32>,
        %swap3A_1336 = vector.shape_cast %swap3A_1335 : vector<1x16xf32> to vector<16xf32>
        %swap3A_1337 = vector.shape_cast %mul3A_1332 : vector<16xf32> to vector<1x16xf32>
        tpu.vector_store %arg10[%swap3A_1333, %swap3A_1334], %swap3A_1337 {strides = array<i32>} : memref<128x128xf32, #tpu.memory_space<vmem>>, vector<1x16xf32>,
        %broadcast_in_dim3A_1338 = arith.constant 14 : i32
        %broadcast_in_dim3A_1339 = vector.broadcast %broadcast_in_dim3A_1338 : i32 to vector<16xi32>
        %broadcast_in_dim3A_1340 = vector.shape_cast %broadcast_in_dim3A_1339 : vector<16xi32> to vector<16x1xi32>
        %gather3A_1341 = vector.shape_cast %broadcast_in_dim3A_1340 : vector<16x1xi32> to vector<16xi32>
        %gather3A_1342 = tpu.dynamic_gather %get3A_93[%gather3A_1341] in [0] : vector<16xf32>, vector<16xi32> -> vector<16xf32>
        %mul3A_1343 = arith.constant 16 : i32
        %mul3A_1344 = arith.muli %scan3A_88, %mul3A_1343 : i32
        %add3A_1345 = arith.constant 14 : i32
        %add3A_1346 = arith.addi %mul3A_1344, %add3A_1345 : i32
        %get3A_1347 = arith.index_cast %add3A_1346 : i32 to index
        %get3A_1348 = arith.constant 0 : index
        %get3A_1349 = tpu.vector_load %arg10[%get3A_1347, %get3A_1348] {strides = array<i32>} : memref<128x128xf32, #tpu.memory_space<vmem>>, vector<1x16xf32>,
        %get3A_1350 = vector.shape_cast %get3A_1349 : vector<1x16xf32> to vector<16xf32>
        %mul3A_1351 = arith.mulf %get3A_1350, %gather3A_1342 : vector<16xf32>
        %swap3A_1352 = arith.index_cast %add3A_1346 : i32 to index
        %swap3A_1353 = arith.constant 0 : index
        %swap3A_1354 = tpu.vector_load %arg10[%swap3A_1352, %swap3A_1353] {strides = array<i32>} : memref<128x128xf32, #tpu.memory_space<vmem>>, vector<1x16xf32>,
        %swap3A_1355 = vector.shape_cast %swap3A_1354 : vector<1x16xf32> to vector<16xf32>
        %swap3A_1356 = vector.shape_cast %mul3A_1351 : vector<16xf32> to vector<1x16xf32>
        tpu.vector_store %arg10[%swap3A_1352, %swap3A_1353], %swap3A_1356 {strides = array<i32>} : memref<128x128xf32, #tpu.memory_space<vmem>>, vector<1x16xf32>,
        %get3A_1357 = arith.index_cast %add3A_1346 : i32 to index
        %get3A_1358 = arith.constant 16 : index
        %get3A_1359 = tpu.vector_load %arg10[%get3A_1357, %get3A_1358] {strides = array<i32>} : memref<128x128xf32, #tpu.memory_space<vmem>>, vector<1x16xf32>,
        %get3A_1360 = vector.shape_cast %get3A_1359 : vector<1x16xf32> to vector<16xf32>
        %mul3A_1361 = arith.mulf %get3A_1360, %gather3A_1342 : vector<16xf32>
        %swap3A_1362 = arith.index_cast %add3A_1346 : i32 to index
        %swap3A_1363 = arith.constant 16 : index
        %swap3A_1364 = tpu.vector_load %arg10[%swap3A_1362, %swap3A_1363] {strides = array<i32>} : memref<128x128xf32, #tpu.memory_space<vmem>>, vector<1x16xf32>,
        %swap3A_1365 = vector.shape_cast %swap3A_1364 : vector<1x16xf32> to vector<16xf32>
        %swap3A_1366 = vector.shape_cast %mul3A_1361 : vector<16xf32> to vector<1x16xf32>
        tpu.vector_store %arg10[%swap3A_1362, %swap3A_1363], %swap3A_1366 {strides = array<i32>} : memref<128x128xf32, #tpu.memory_space<vmem>>, vector<1x16xf32>,
        %get3A_1367 = arith.index_cast %add3A_1346 : i32 to index
        %get3A_1368 = arith.constant 32 : index
        %get3A_1369 = tpu.vector_load %arg10[%get3A_1367, %get3A_1368] {strides = array<i32>} : memref<128x128xf32, #tpu.memory_space<vmem>>, vector<1x16xf32>,
        %get3A_1370 = vector.shape_cast %get3A_1369 : vector<1x16xf32> to vector<16xf32>
        %mul3A_1371 = arith.mulf %get3A_1370, %gather3A_1342 : vector<16xf32>
        %swap3A_1372 = arith.index_cast %add3A_1346 : i32 to index
        %swap3A_1373 = arith.constant 32 : index
        %swap3A_1374 = tpu.vector_load %arg10[%swap3A_1372, %swap3A_1373] {strides = array<i32>} : memref<128x128xf32, #tpu.memory_space<vmem>>, vector<1x16xf32>,
        %swap3A_1375 = vector.shape_cast %swap3A_1374 : vector<1x16xf32> to vector<16xf32>
        %swap3A_1376 = vector.shape_cast %mul3A_1371 : vector<16xf32> to vector<1x16xf32>
        tpu.vector_store %arg10[%swap3A_1372, %swap3A_1373], %swap3A_1376 {strides = array<i32>} : memref<128x128xf32, #tpu.memory_space<vmem>>, vector<1x16xf32>,
        %get3A_1377 = arith.index_cast %add3A_1346 : i32 to index
        %get3A_1378 = arith.constant 48 : index
        %get3A_1379 = tpu.vector_load %arg10[%get3A_1377, %get3A_1378] {strides = array<i32>} : memref<128x128xf32, #tpu.memory_space<vmem>>, vector<1x16xf32>,
        %get3A_1380 = vector.shape_cast %get3A_1379 : vector<1x16xf32> to vector<16xf32>
        %mul3A_1381 = arith.mulf %get3A_1380, %gather3A_1342 : vector<16xf32>
        %swap3A_1382 = arith.index_cast %add3A_1346 : i32 to index
        %swap3A_1383 = arith.constant 48 : index
        %swap3A_1384 = tpu.vector_load %arg10[%swap3A_1382, %swap3A_1383] {strides = array<i32>} : memref<128x128xf32, #tpu.memory_space<vmem>>, vector<1x16xf32>,
        %swap3A_1385 = vector.shape_cast %swap3A_1384 : vector<1x16xf32> to vector<16xf32>
        %swap3A_1386 = vector.shape_cast %mul3A_1381 : vector<16xf32> to vector<1x16xf32>
        tpu.vector_store %arg10[%swap3A_1382, %swap3A_1383], %swap3A_1386 {strides = array<i32>} : memref<128x128xf32, #tpu.memory_space<vmem>>, vector<1x16xf32>,
        %get3A_1387 = arith.index_cast %add3A_1346 : i32 to index
        %get3A_1388 = arith.constant 64 : index
        %get3A_1389 = tpu.vector_load %arg10[%get3A_1387, %get3A_1388] {strides = array<i32>} : memref<128x128xf32, #tpu.memory_space<vmem>>, vector<1x16xf32>,
        %get3A_1390 = vector.shape_cast %get3A_1389 : vector<1x16xf32> to vector<16xf32>
        %mul3A_1391 = arith.mulf %get3A_1390, %gather3A_1342 : vector<16xf32>
        %swap3A_1392 = arith.index_cast %add3A_1346 : i32 to index
        %swap3A_1393 = arith.constant 64 : index
        %swap3A_1394 = tpu.vector_load %arg10[%swap3A_1392, %swap3A_1393] {strides = array<i32>} : memref<128x128xf32, #tpu.memory_space<vmem>>, vector<1x16xf32>,
        %swap3A_1395 = vector.shape_cast %swap3A_1394 : vector<1x16xf32> to vector<16xf32>
        %swap3A_1396 = vector.shape_cast %mul3A_1391 : vector<16xf32> to vector<1x16xf32>
        tpu.vector_store %arg10[%swap3A_1392, %swap3A_1393], %swap3A_1396 {strides = array<i32>} : memref<128x128xf32, #tpu.memory_space<vmem>>, vector<1x16xf32>,
        %get3A_1397 = arith.index_cast %add3A_1346 : i32 to index
        %get3A_1398 = arith.constant 80 : index
        %get3A_1399 = tpu.vector_load %arg10[%get3A_1397, %get3A_1398] {strides = array<i32>} : memref<128x128xf32, #tpu.memory_space<vmem>>, vector<1x16xf32>,
        %get3A_1400 = vector.shape_cast %get3A_1399 : vector<1x16xf32> to vector<16xf32>
        %mul3A_1401 = arith.mulf %get3A_1400, %gather3A_1342 : vector<16xf32>
        %swap3A_1402 = arith.index_cast %add3A_1346 : i32 to index
        %swap3A_1403 = arith.constant 80 : index
        %swap3A_1404 = tpu.vector_load %arg10[%swap3A_1402, %swap3A_1403] {strides = array<i32>} : memref<128x128xf32, #tpu.memory_space<vmem>>, vector<1x16xf32>,
        %swap3A_1405 = vector.shape_cast %swap3A_1404 : vector<1x16xf32> to vector<16xf32>
        %swap3A_1406 = vector.shape_cast %mul3A_1401 : vector<16xf32> to vector<1x16xf32>
        tpu.vector_store %arg10[%swap3A_1402, %swap3A_1403], %swap3A_1406 {strides = array<i32>} : memref<128x128xf32, #tpu.memory_space<vmem>>, vector<1x16xf32>,
        %get3A_1407 = arith.index_cast %add3A_1346 : i32 to index
        %get3A_1408 = arith.constant 96 : index
        %get3A_1409 = tpu.vector_load %arg10[%get3A_1407, %get3A_1408] {strides = array<i32>} : memref<128x128xf32, #tpu.memory_space<vmem>>, vector<1x16xf32>,
        %get3A_1410 = vector.shape_cast %get3A_1409 : vector<1x16xf32> to vector<16xf32>
        %mul3A_1411 = arith.mulf %get3A_1410, %gather3A_1342 : vector<16xf32>
        %swap3A_1412 = arith.index_cast %add3A_1346 : i32 to index
        %swap3A_1413 = arith.constant 96 : index
        %swap3A_1414 = tpu.vector_load %arg10[%swap3A_1412, %swap3A_1413] {strides = array<i32>} : memref<128x128xf32, #tpu.memory_space<vmem>>, vector<1x16xf32>,
        %swap3A_1415 = vector.shape_cast %swap3A_1414 : vector<1x16xf32> to vector<16xf32>
        %swap3A_1416 = vector.shape_cast %mul3A_1411 : vector<16xf32> to vector<1x16xf32>
        tpu.vector_store %arg10[%swap3A_1412, %swap3A_1413], %swap3A_1416 {strides = array<i32>} : memref<128x128xf32, #tpu.memory_space<vmem>>, vector<1x16xf32>,
        %get3A_1417 = arith.index_cast %add3A_1346 : i32 to index
        %get3A_1418 = arith.constant 112 : index
        %get3A_1419 = tpu.vector_load %arg10[%get3A_1417, %get3A_1418] {strides = array<i32>} : memref<128x128xf32, #tpu.memory_space<vmem>>, vector<1x16xf32>,
        %get3A_1420 = vector.shape_cast %get3A_1419 : vector<1x16xf32> to vector<16xf32>
        %mul3A_1421 = arith.mulf %get3A_1420, %gather3A_1342 : vector<16xf32>
        %swap3A_1422 = arith.index_cast %add3A_1346 : i32 to index
        %swap3A_1423 = arith.constant 112 : index
        %swap3A_1424 = tpu.vector_load %arg10[%swap3A_1422, %swap3A_1423] {strides = array<i32>} : memref<128x128xf32, #tpu.memory_space<vmem>>, vector<1x16xf32>,
        %swap3A_1425 = vector.shape_cast %swap3A_1424 : vector<1x16xf32> to vector<16xf32>
        %swap3A_1426 = vector.shape_cast %mul3A_1421 : vector<16xf32> to vector<1x16xf32>
        tpu.vector_store %arg10[%swap3A_1422, %swap3A_1423], %swap3A_1426 {strides = array<i32>} : memref<128x128xf32, #tpu.memory_space<vmem>>, vector<1x16xf32>,
        %broadcast_in_dim3A_1427 = arith.constant 15 : i32
        %broadcast_in_dim3A_1428 = vector.broadcast %broadcast_in_dim3A_1427 : i32 to vector<16xi32>
        %broadcast_in_dim3A_1429 = vector.shape_cast %broadcast_in_dim3A_1428 : vector<16xi32> to vector<16x1xi32>
        %gather3A_1430 = vector.shape_cast %broadcast_in_dim3A_1429 : vector<16x1xi32> to vector<16xi32>
        %gather3A_1431 = tpu.dynamic_gather %get3A_93[%gather3A_1430] in [0] : vector<16xf32>, vector<16xi32> -> vector<16xf32>
        %mul3A_1432 = arith.constant 16 : i32
        %mul3A_1433 = arith.muli %scan3A_88, %mul3A_1432 : i32
        %add3A_1434 = arith.constant 15 : i32
        %add3A_1435 = arith.addi %mul3A_1433, %add3A_1434 : i32
        %get3A_1436 = arith.index_cast %add3A_1435 : i32 to index
        %get3A_1437 = arith.constant 0 : index
        %get3A_1438 = tpu.vector_load %arg10[%get3A_1436, %get3A_1437] {strides = array<i32>} : memref<128x128xf32, #tpu.memory_space<vmem>>, vector<1x16xf32>,
        %get3A_1439 = vector.shape_cast %get3A_1438 : vector<1x16xf32> to vector<16xf32>
        %mul3A_1440 = arith.mulf %get3A_1439, %gather3A_1431 : vector<16xf32>
        %swap3A_1441 = arith.index_cast %add3A_1435 : i32 to index
        %swap3A_1442 = arith.constant 0 : index
        %swap3A_1443 = tpu.vector_load %arg10[%swap3A_1441, %swap3A_1442] {strides = array<i32>} : memref<128x128xf32, #tpu.memory_space<vmem>>, vector<1x16xf32>,
        %swap3A_1444 = vector.shape_cast %swap3A_1443 : vector<1x16xf32> to vector<16xf32>
        %swap3A_1445 = vector.shape_cast %mul3A_1440 : vector<16xf32> to vector<1x16xf32>
        tpu.vector_store %arg10[%swap3A_1441, %swap3A_1442], %swap3A_1445 {strides = array<i32>} : memref<128x128xf32, #tpu.memory_space<vmem>>, vector<1x16xf32>,
        %get3A_1446 = arith.index_cast %add3A_1435 : i32 to index
        %get3A_1447 = arith.constant 16 : index
        %get3A_1448 = tpu.vector_load %arg10[%get3A_1446, %get3A_1447] {strides = array<i32>} : memref<128x128xf32, #tpu.memory_space<vmem>>, vector<1x16xf32>,
        %get3A_1449 = vector.shape_cast %get3A_1448 : vector<1x16xf32> to vector<16xf32>
        %mul3A_1450 = arith.mulf %get3A_1449, %gather3A_1431 : vector<16xf32>
        %swap3A_1451 = arith.index_cast %add3A_1435 : i32 to index
        %swap3A_1452 = arith.constant 16 : index
        %swap3A_1453 = tpu.vector_load %arg10[%swap3A_1451, %swap3A_1452] {strides = array<i32>} : memref<128x128xf32, #tpu.memory_space<vmem>>, vector<1x16xf32>,
        %swap3A_1454 = vector.shape_cast %swap3A_1453 : vector<1x16xf32> to vector<16xf32>
        %swap3A_1455 = vector.shape_cast %mul3A_1450 : vector<16xf32> to vector<1x16xf32>
        tpu.vector_store %arg10[%swap3A_1451, %swap3A_1452], %swap3A_1455 {strides = array<i32>} : memref<128x128xf32, #tpu.memory_space<vmem>>, vector<1x16xf32>,
        %get3A_1456 = arith.index_cast %add3A_1435 : i32 to index
        %get3A_1457 = arith.constant 32 : index
        %get3A_1458 = tpu.vector_load %arg10[%get3A_1456, %get3A_1457] {strides = array<i32>} : memref<128x128xf32, #tpu.memory_space<vmem>>, vector<1x16xf32>,
        %get3A_1459 = vector.shape_cast %get3A_1458 : vector<1x16xf32> to vector<16xf32>
        %mul3A_1460 = arith.mulf %get3A_1459, %gather3A_1431 : vector<16xf32>
        %swap3A_1461 = arith.index_cast %add3A_1435 : i32 to index
        %swap3A_1462 = arith.constant 32 : index
        %swap3A_1463 = tpu.vector_load %arg10[%swap3A_1461, %swap3A_1462] {strides = array<i32>} : memref<128x128xf32, #tpu.memory_space<vmem>>, vector<1x16xf32>,
        %swap3A_1464 = vector.shape_cast %swap3A_1463 : vector<1x16xf32> to vector<16xf32>
        %swap3A_1465 = vector.shape_cast %mul3A_1460 : vector<16xf32> to vector<1x16xf32>
        tpu.vector_store %arg10[%swap3A_1461, %swap3A_1462], %swap3A_1465 {strides = array<i32>} : memref<128x128xf32, #tpu.memory_space<vmem>>, vector<1x16xf32>,
        %get3A_1466 = arith.index_cast %add3A_1435 : i32 to index
        %get3A_1467 = arith.constant 48 : index
        %get3A_1468 = tpu.vector_load %arg10[%get3A_1466, %get3A_1467] {strides = array<i32>} : memref<128x128xf32, #tpu.memory_space<vmem>>, vector<1x16xf32>,
        %get3A_1469 = vector.shape_cast %get3A_1468 : vector<1x16xf32> to vector<16xf32>
        %mul3A_1470 = arith.mulf %get3A_1469, %gather3A_1431 : vector<16xf32>
        %swap3A_1471 = arith.index_cast %add3A_1435 : i32 to index
        %swap3A_1472 = arith.constant 48 : index
        %swap3A_1473 = tpu.vector_load %arg10[%swap3A_1471, %swap3A_1472] {strides = array<i32>} : memref<128x128xf32, #tpu.memory_space<vmem>>, vector<1x16xf32>,
        %swap3A_1474 = vector.shape_cast %swap3A_1473 : vector<1x16xf32> to vector<16xf32>
        %swap3A_1475 = vector.shape_cast %mul3A_1470 : vector<16xf32> to vector<1x16xf32>
        tpu.vector_store %arg10[%swap3A_1471, %swap3A_1472], %swap3A_1475 {strides = array<i32>} : memref<128x128xf32, #tpu.memory_space<vmem>>, vector<1x16xf32>,
        %get3A_1476 = arith.index_cast %add3A_1435 : i32 to index
        %get3A_1477 = arith.constant 64 : index
        %get3A_1478 = tpu.vector_load %arg10[%get3A_1476, %get3A_1477] {strides = array<i32>} : memref<128x128xf32, #tpu.memory_space<vmem>>, vector<1x16xf32>,
        %get3A_1479 = vector.shape_cast %get3A_1478 : vector<1x16xf32> to vector<16xf32>
        %mul3A_1480 = arith.mulf %get3A_1479, %gather3A_1431 : vector<16xf32>
        %swap3A_1481 = arith.index_cast %add3A_1435 : i32 to index
        %swap3A_1482 = arith.constant 64 : index
        %swap3A_1483 = tpu.vector_load %arg10[%swap3A_1481, %swap3A_1482] {strides = array<i32>} : memref<128x128xf32, #tpu.memory_space<vmem>>, vector<1x16xf32>,
        %swap3A_1484 = vector.shape_cast %swap3A_1483 : vector<1x16xf32> to vector<16xf32>
        %swap3A_1485 = vector.shape_cast %mul3A_1480 : vector<16xf32> to vector<1x16xf32>
        tpu.vector_store %arg10[%swap3A_1481, %swap3A_1482], %swap3A_1485 {strides = array<i32>} : memref<128x128xf32, #tpu.memory_space<vmem>>, vector<1x16xf32>,
        %get3A_1486 = arith.index_cast %add3A_1435 : i32 to index
        %get3A_1487 = arith.constant 80 : index
        %get3A_1488 = tpu.vector_load %arg10[%get3A_1486, %get3A_1487] {strides = array<i32>} : memref<128x128xf32, #tpu.memory_space<vmem>>, vector<1x16xf32>,
        %get3A_1489 = vector.shape_cast %get3A_1488 : vector<1x16xf32> to vector<16xf32>
        %mul3A_1490 = arith.mulf %get3A_1489, %gather3A_1431 : vector<16xf32>
        %swap3A_1491 = arith.index_cast %add3A_1435 : i32 to index
        %swap3A_1492 = arith.constant 80 : index
        %swap3A_1493 = tpu.vector_load %arg10[%swap3A_1491, %swap3A_1492] {strides = array<i32>} : memref<128x128xf32, #tpu.memory_space<vmem>>, vector<1x16xf32>,
        %swap3A_1494 = vector.shape_cast %swap3A_1493 : vector<1x16xf32> to vector<16xf32>
        %swap3A_1495 = vector.shape_cast %mul3A_1490 : vector<16xf32> to vector<1x16xf32>
        tpu.vector_store %arg10[%swap3A_1491, %swap3A_1492], %swap3A_1495 {strides = array<i32>} : memref<128x128xf32, #tpu.memory_space<vmem>>, vector<1x16xf32>,
        %get3A_1496 = arith.index_cast %add3A_1435 : i32 to index
        %get3A_1497 = arith.constant 96 : index
        %get3A_1498 = tpu.vector_load %arg10[%get3A_1496, %get3A_1497] {strides = array<i32>} : memref<128x128xf32, #tpu.memory_space<vmem>>, vector<1x16xf32>,
        %get3A_1499 = vector.shape_cast %get3A_1498 : vector<1x16xf32> to vector<16xf32>
        %mul3A_1500 = arith.mulf %get3A_1499, %gather3A_1431 : vector<16xf32>
        %swap3A_1501 = arith.index_cast %add3A_1435 : i32 to index
        %swap3A_1502 = arith.constant 96 : index
        %swap3A_1503 = tpu.vector_load %arg10[%swap3A_1501, %swap3A_1502] {strides = array<i32>} : memref<128x128xf32, #tpu.memory_space<vmem>>, vector<1x16xf32>,
        %swap3A_1504 = vector.shape_cast %swap3A_1503 : vector<1x16xf32> to vector<16xf32>
        %swap3A_1505 = vector.shape_cast %mul3A_1500 : vector<16xf32> to vector<1x16xf32>
        tpu.vector_store %arg10[%swap3A_1501, %swap3A_1502], %swap3A_1505 {strides = array<i32>} : memref<128x128xf32, #tpu.memory_space<vmem>>, vector<1x16xf32>,
        %get3A_1506 = arith.index_cast %add3A_1435 : i32 to index
        %get3A_1507 = arith.constant 112 : index
        %get3A_1508 = tpu.vector_load %arg10[%get3A_1506, %get3A_1507] {strides = array<i32>} : memref<128x128xf32, #tpu.memory_space<vmem>>, vector<1x16xf32>,
        %get3A_1509 = vector.shape_cast %get3A_1508 : vector<1x16xf32> to vector<16xf32>
        %mul3A_1510 = arith.mulf %get3A_1509, %gather3A_1431 : vector<16xf32>
        %swap3A_1511 = arith.index_cast %add3A_1435 : i32 to index
        %swap3A_1512 = arith.constant 112 : index
        %swap3A_1513 = tpu.vector_load %arg10[%swap3A_1511, %swap3A_1512] {strides = array<i32>} : memref<128x128xf32, #tpu.memory_space<vmem>>, vector<1x16xf32>,
        %swap3A_1514 = vector.shape_cast %swap3A_1513 : vector<1x16xf32> to vector<16xf32>
        %swap3A_1515 = vector.shape_cast %mul3A_1510 : vector<16xf32> to vector<1x16xf32>
        tpu.vector_store %arg10[%swap3A_1511, %swap3A_1512], %swap3A_1515 {strides = array<i32>} : memref<128x128xf32, #tpu.memory_space<vmem>>, vector<1x16xf32>,
      }
      %scan3A_87 = arith.constant 8 : i32
      "tpu.region"() ({
        %run_scoped3A = tpu.sem_alloc : memref<!tpu.dma_semaphore, #tpu.memory_space<semaphore_mem>>
        %dma_start3A_88 = arith.constant 0 : i32
        %dma_start3A_89 = tpu.memref_slice %arg8[%scan3A_71, %dma_start3A_88] : memref<79x128xi32, #tpu.memory_space<vmem>> -> memref<1x128xi32, #tpu.memory_space<vmem>>
        %dma_start3A_90 = tpu.memref_squeeze %dma_start3A_89 : memref<1x128xi32, #tpu.memory_space<vmem>> -> memref<128xi32, #tpu.memory_space<vmem>>
        %dma_start3A_91 = arith.constant 0 : i32
        %dma_start3A_92 = arith.constant 0 : i32
        %dma_start3A_93 = tpu.memref_slice %arg11[%dma_start3A_91, %dma_start3A_92] : memref<10240x128xf32, #tpu.memory_space<vmem_shared>> -> memref<10240x128xf32, #tpu.memory_space<vmem_shared>>
        tpu.enqueue_indirect_dma source(%arg10 : memref<128x128xf32, #tpu.memory_space<vmem>>) target(%dma_start3A_93 : memref<10240x128xf32, #tpu.memory_space<vmem_shared>>) offsets(%dma_start3A_90 : memref<128xi32, #tpu.memory_space<vmem>>) semaphore(%run_scoped3A : memref<!tpu.dma_semaphore, #tpu.memory_space<semaphore_mem>>) {add = true}
        %dma_wait3A_94 = arith.constant 0 : i32
        %dma_wait3A_95 = tpu.memref_slice %arg8[%scan3A_71, %dma_wait3A_94] : memref<79x128xi32, #tpu.memory_space<vmem>> -> memref<1x128xi32, #tpu.memory_space<vmem>>
        %dma_wait3A_96 = tpu.memref_squeeze %dma_wait3A_95 : memref<1x128xi32, #tpu.memory_space<vmem>> -> memref<128xi32, #tpu.memory_space<vmem>>
        %dma_wait3A_97 = arith.constant 0 : i32
        %dma_wait3A_98 = arith.constant 0 : i32
        %dma_wait3A_99 = tpu.memref_slice %arg11[%dma_wait3A_97, %dma_wait3A_98] : memref<10240x128xf32, #tpu.memory_space<vmem_shared>> -> memref<10240x128xf32, #tpu.memory_space<vmem_shared>>
        tpu.wait_indirect_dma semaphore(%run_scoped3A : memref<!tpu.dma_semaphore, #tpu.memory_space<semaphore_mem>>) src(%arg10 : memref<128x128xf32, #tpu.memory_space<vmem>>) dst(%dma_wait3A_99 : memref<10240x128xf32, #tpu.memory_space<vmem_shared>>)
        tpu.yield
      }) : () -> ()
    }
    %scan3A_29 = arith.constant 79 : i32
    %barrier3A_30 = arith.constant 0 : index
    tpu.barrier barrier_id(%barrier3A_30)
    %mul3A_31 = arith.constant 640 : i32
    %mul3A_32 = arith.muli %arg1, %mul3A_31 : i32
    %add3A_33 = arith.constant 0 : i32
    %add3A_34 = arith.addi %mul3A_32, %add3A_33 : i32
    %mul3A_35 = arith.constant 640 : i32
    %mul3A_36 = arith.muli %arg1, %mul3A_35 : i32
    %add3A_37 = arith.constant 0 : i32
    %add3A_38 = arith.addi %mul3A_36, %add3A_37 : i32
    "tpu.region"() ({
      %run_scoped3A = tpu.sem_alloc : memref<!tpu.dma_semaphore, #tpu.memory_space<semaphore_mem>>
      %dma_start3A = arith.constant 0 : i32
      %dma_start3A_71 = tpu.memref_slice %arg6[%arg0, %add3A_38, %dma_start3A] : memref<2x10240x128xf32, #tpu.memory_space<hbm>> -> memref<1x128x128xf32, #tpu.memory_space<hbm>>
      %dma_start3A_72 = tpu.memref_squeeze %dma_start3A_71 : memref<1x128x128xf32, #tpu.memory_space<hbm>> -> memref<128x128xf32, #tpu.memory_space<hbm>>
      %dma_start3A_73 = arith.constant 0 : i32
      %dma_start3A_74 = tpu.memref_slice %arg11[%add3A_34, %dma_start3A_73] : memref<10240x128xf32, #tpu.memory_space<vmem_shared>> -> memref<128x128xf32, #tpu.memory_space<vmem_shared>>
      tpu.enqueue_dma source(%dma_start3A_74 : memref<128x128xf32, #tpu.memory_space<vmem_shared>>) target(%dma_start3A_72 : memref<128x128xf32, #tpu.memory_space<hbm>>) target_semaphore(%run_scoped3A : memref<!tpu.dma_semaphore, #tpu.memory_space<semaphore_mem>>)
      %dma_wait3A = arith.constant 0 : i32
      %dma_wait3A_75 = tpu.memref_slice %arg6[%arg0, %add3A_38, %dma_wait3A] : memref<2x10240x128xf32, #tpu.memory_space<hbm>> -> memref<1x128x128xf32, #tpu.memory_space<hbm>>
      %dma_wait3A_76 = tpu.memref_squeeze %dma_wait3A_75 : memref<1x128x128xf32, #tpu.memory_space<hbm>> -> memref<128x128xf32, #tpu.memory_space<hbm>>
      %dma_wait3A_77 = arith.constant 0 : i32
      %dma_wait3A_78 = tpu.memref_slice %arg11[%add3A_34, %dma_wait3A_77] : memref<10240x128xf32, #tpu.memory_space<vmem_shared>> -> memref<128x128xf32, #tpu.memory_space<vmem_shared>>
      tpu.wait_dma2 semaphore(%run_scoped3A : memref<!tpu.dma_semaphore, #tpu.memory_space<semaphore_mem>>) src(%dma_wait3A_78 : memref<128x128xf32, #tpu.memory_space<vmem_shared>>) dst(%dma_wait3A_76 : memref<128x128xf32, #tpu.memory_space<hbm>>)
      tpu.yield
    }) : () -> ()
    %mul3A_39 = arith.constant 640 : i32
    %mul3A_40 = arith.muli %arg1, %mul3A_39 : i32
    %add3A_41 = arith.constant 128 : i32
    %add3A_42 = arith.addi %mul3A_40, %add3A_41 : i32
    %mul3A_43 = arith.constant 640 : i32
    %mul3A_44 = arith.muli %arg1, %mul3A_43 : i32
    %add3A_45 = arith.constant 128 : i32
    %add3A_46 = arith.addi %mul3A_44, %add3A_45 : i32
    "tpu.region"() ({
      %run_scoped3A = tpu.sem_alloc : memref<!tpu.dma_semaphore, #tpu.memory_space<semaphore_mem>>
      %dma_start3A = arith.constant 0 : i32
      %dma_start3A_71 = tpu.memref_slice %arg6[%arg0, %add3A_46, %dma_start3A] : memref<2x10240x128xf32, #tpu.memory_space<hbm>> -> memref<1x128x128xf32, #tpu.memory_space<hbm>>
      %dma_start3A_72 = tpu.memref_squeeze %dma_start3A_71 : memref<1x128x128xf32, #tpu.memory_space<hbm>> -> memref<128x128xf32, #tpu.memory_space<hbm>>
      %dma_start3A_73 = arith.constant 0 : i32
      %dma_start3A_74 = tpu.memref_slice %arg11[%add3A_42, %dma_start3A_73] : memref<10240x128xf32, #tpu.memory_space<vmem_shared>> -> memref<128x128xf32, #tpu.memory_space<vmem_shared>>
      tpu.enqueue_dma source(%dma_start3A_74 : memref<128x128xf32, #tpu.memory_space<vmem_shared>>) target(%dma_start3A_72 : memref<128x128xf32, #tpu.memory_space<hbm>>) target_semaphore(%run_scoped3A : memref<!tpu.dma_semaphore, #tpu.memory_space<semaphore_mem>>)
      %dma_wait3A = arith.constant 0 : i32
      %dma_wait3A_75 = tpu.memref_slice %arg6[%arg0, %add3A_46, %dma_wait3A] : memref<2x10240x128xf32, #tpu.memory_space<hbm>> -> memref<1x128x128xf32, #tpu.memory_space<hbm>>
      %dma_wait3A_76 = tpu.memref_squeeze %dma_wait3A_75 : memref<1x128x128xf32, #tpu.memory_space<hbm>> -> memref<128x128xf32, #tpu.memory_space<hbm>>
      %dma_wait3A_77 = arith.constant 0 : i32
      %dma_wait3A_78 = tpu.memref_slice %arg11[%add3A_42, %dma_wait3A_77] : memref<10240x128xf32, #tpu.memory_space<vmem_shared>> -> memref<128x128xf32, #tpu.memory_space<vmem_shared>>
      tpu.wait_dma2 semaphore(%run_scoped3A : memref<!tpu.dma_semaphore, #tpu.memory_space<semaphore_mem>>) src(%dma_wait3A_78 : memref<128x128xf32, #tpu.memory_space<vmem_shared>>) dst(%dma_wait3A_76 : memref<128x128xf32, #tpu.memory_space<hbm>>)
      tpu.yield
    }) : () -> ()
    %mul3A_47 = arith.constant 640 : i32
    %mul3A_48 = arith.muli %arg1, %mul3A_47 : i32
    %add3A_49 = arith.constant 256 : i32
    %add3A_50 = arith.addi %mul3A_48, %add3A_49 : i32
    %mul3A_51 = arith.constant 640 : i32
    %mul3A_52 = arith.muli %arg1, %mul3A_51 : i32
    %add3A_53 = arith.constant 256 : i32
    %add3A_54 = arith.addi %mul3A_52, %add3A_53 : i32
    "tpu.region"() ({
      %run_scoped3A = tpu.sem_alloc : memref<!tpu.dma_semaphore, #tpu.memory_space<semaphore_mem>>
      %dma_start3A = arith.constant 0 : i32
      %dma_start3A_71 = tpu.memref_slice %arg6[%arg0, %add3A_54, %dma_start3A] : memref<2x10240x128xf32, #tpu.memory_space<hbm>> -> memref<1x128x128xf32, #tpu.memory_space<hbm>>
      %dma_start3A_72 = tpu.memref_squeeze %dma_start3A_71 : memref<1x128x128xf32, #tpu.memory_space<hbm>> -> memref<128x128xf32, #tpu.memory_space<hbm>>
      %dma_start3A_73 = arith.constant 0 : i32
      %dma_start3A_74 = tpu.memref_slice %arg11[%add3A_50, %dma_start3A_73] : memref<10240x128xf32, #tpu.memory_space<vmem_shared>> -> memref<128x128xf32, #tpu.memory_space<vmem_shared>>
      tpu.enqueue_dma source(%dma_start3A_74 : memref<128x128xf32, #tpu.memory_space<vmem_shared>>) target(%dma_start3A_72 : memref<128x128xf32, #tpu.memory_space<hbm>>) target_semaphore(%run_scoped3A : memref<!tpu.dma_semaphore, #tpu.memory_space<semaphore_mem>>)
      %dma_wait3A = arith.constant 0 : i32
      %dma_wait3A_75 = tpu.memref_slice %arg6[%arg0, %add3A_54, %dma_wait3A] : memref<2x10240x128xf32, #tpu.memory_space<hbm>> -> memref<1x128x128xf32, #tpu.memory_space<hbm>>
      %dma_wait3A_76 = tpu.memref_squeeze %dma_wait3A_75 : memref<1x128x128xf32, #tpu.memory_space<hbm>> -> memref<128x128xf32, #tpu.memory_space<hbm>>
      %dma_wait3A_77 = arith.constant 0 : i32
      %dma_wait3A_78 = tpu.memref_slice %arg11[%add3A_50, %dma_wait3A_77] : memref<10240x128xf32, #tpu.memory_space<vmem_shared>> -> memref<128x128xf32, #tpu.memory_space<vmem_shared>>
      tpu.wait_dma2 semaphore(%run_scoped3A : memref<!tpu.dma_semaphore, #tpu.memory_space<semaphore_mem>>) src(%dma_wait3A_78 : memref<128x128xf32, #tpu.memory_space<vmem_shared>>) dst(%dma_wait3A_76 : memref<128x128xf32, #tpu.memory_space<hbm>>)
      tpu.yield
    }) : () -> ()
    %mul3A_55 = arith.constant 640 : i32
    %mul3A_56 = arith.muli %arg1, %mul3A_55 : i32
    %add3A_57 = arith.constant 384 : i32
    %add3A_58 = arith.addi %mul3A_56, %add3A_57 : i32
    %mul3A_59 = arith.constant 640 : i32
    %mul3A_60 = arith.muli %arg1, %mul3A_59 : i32
    %add3A_61 = arith.constant 384 : i32
    %add3A_62 = arith.addi %mul3A_60, %add3A_61 : i32
    "tpu.region"() ({
      %run_scoped3A = tpu.sem_alloc : memref<!tpu.dma_semaphore, #tpu.memory_space<semaphore_mem>>
      %dma_start3A = arith.constant 0 : i32
      %dma_start3A_71 = tpu.memref_slice %arg6[%arg0, %add3A_62, %dma_start3A] : memref<2x10240x128xf32, #tpu.memory_space<hbm>> -> memref<1x128x128xf32, #tpu.memory_space<hbm>>
      %dma_start3A_72 = tpu.memref_squeeze %dma_start3A_71 : memref<1x128x128xf32, #tpu.memory_space<hbm>> -> memref<128x128xf32, #tpu.memory_space<hbm>>
      %dma_start3A_73 = arith.constant 0 : i32
      %dma_start3A_74 = tpu.memref_slice %arg11[%add3A_58, %dma_start3A_73] : memref<10240x128xf32, #tpu.memory_space<vmem_shared>> -> memref<128x128xf32, #tpu.memory_space<vmem_shared>>
      tpu.enqueue_dma source(%dma_start3A_74 : memref<128x128xf32, #tpu.memory_space<vmem_shared>>) target(%dma_start3A_72 : memref<128x128xf32, #tpu.memory_space<hbm>>) target_semaphore(%run_scoped3A : memref<!tpu.dma_semaphore, #tpu.memory_space<semaphore_mem>>)
      %dma_wait3A = arith.constant 0 : i32
      %dma_wait3A_75 = tpu.memref_slice %arg6[%arg0, %add3A_62, %dma_wait3A] : memref<2x10240x128xf32, #tpu.memory_space<hbm>> -> memref<1x128x128xf32, #tpu.memory_space<hbm>>
      %dma_wait3A_76 = tpu.memref_squeeze %dma_wait3A_75 : memref<1x128x128xf32, #tpu.memory_space<hbm>> -> memref<128x128xf32, #tpu.memory_space<hbm>>
      %dma_wait3A_77 = arith.constant 0 : i32
      %dma_wait3A_78 = tpu.memref_slice %arg11[%add3A_58, %dma_wait3A_77] : memref<10240x128xf32, #tpu.memory_space<vmem_shared>> -> memref<128x128xf32, #tpu.memory_space<vmem_shared>>
      tpu.wait_dma2 semaphore(%run_scoped3A : memref<!tpu.dma_semaphore, #tpu.memory_space<semaphore_mem>>) src(%dma_wait3A_78 : memref<128x128xf32, #tpu.memory_space<vmem_shared>>) dst(%dma_wait3A_76 : memref<128x128xf32, #tpu.memory_space<hbm>>)
      tpu.yield
    }) : () -> ()
    %mul3A_63 = arith.constant 640 : i32
    %mul3A_64 = arith.muli %arg1, %mul3A_63 : i32
    %add3A_65 = arith.constant 512 : i32
    %add3A_66 = arith.addi %mul3A_64, %add3A_65 : i32
    %mul3A_67 = arith.constant 640 : i32
    %mul3A_68 = arith.muli %arg1, %mul3A_67 : i32
    %add3A_69 = arith.constant 512 : i32
    %add3A_70 = arith.addi %mul3A_68, %add3A_69 : i32
    "tpu.region"() ({
      %run_scoped3A = tpu.sem_alloc : memref<!tpu.dma_semaphore, #tpu.memory_space<semaphore_mem>>
      %dma_start3A = arith.constant 0 : i32
      %dma_start3A_71 = tpu.memref_slice %arg6[%arg0, %add3A_70, %dma_start3A] : memref<2x10240x128xf32, #tpu.memory_space<hbm>> -> memref<1x128x128xf32, #tpu.memory_space<hbm>>
      %dma_start3A_72 = tpu.memref_squeeze %dma_start3A_71 : memref<1x128x128xf32, #tpu.memory_space<hbm>> -> memref<128x128xf32, #tpu.memory_space<hbm>>
      %dma_start3A_73 = arith.constant 0 : i32
      %dma_start3A_74 = tpu.memref_slice %arg11[%add3A_66, %dma_start3A_73] : memref<10240x128xf32, #tpu.memory_space<vmem_shared>> -> memref<128x128xf32, #tpu.memory_space<vmem_shared>>
      tpu.enqueue_dma source(%dma_start3A_74 : memref<128x128xf32, #tpu.memory_space<vmem_shared>>) target(%dma_start3A_72 : memref<128x128xf32, #tpu.memory_space<hbm>>) target_semaphore(%run_scoped3A : memref<!tpu.dma_semaphore, #tpu.memory_space<semaphore_mem>>)
      %dma_wait3A = arith.constant 0 : i32
      %dma_wait3A_75 = tpu.memref_slice %arg6[%arg0, %add3A_70, %dma_wait3A] : memref<2x10240x128xf32, #tpu.memory_space<hbm>> -> memref<1x128x128xf32, #tpu.memory_space<hbm>>
      %dma_wait3A_76 = tpu.memref_squeeze %dma_wait3A_75 : memref<1x128x128xf32, #tpu.memory_space<hbm>> -> memref<128x128xf32, #tpu.memory_space<hbm>>
      %dma_wait3A_77 = arith.constant 0 : i32
      %dma_wait3A_78 = tpu.memref_slice %arg11[%add3A_66, %dma_wait3A_77] : memref<10240x128xf32, #tpu.memory_space<vmem_shared>> -> memref<128x128xf32, #tpu.memory_space<vmem_shared>>
      tpu.wait_dma2 semaphore(%run_scoped3A : memref<!tpu.dma_semaphore, #tpu.memory_space<semaphore_mem>>) src(%dma_wait3A_78 : memref<128x128xf32, #tpu.memory_space<vmem_shared>>) dst(%dma_wait3A_76 : memref<128x128xf32, #tpu.memory_space<hbm>>)
      tpu.yield
    }) : () -> ()
    return
  }
}

module attributes {stable_mosaic.version = 14 : i64} {
  func.func @_combine_body(%arg0: i32, %arg1: memref<2x400x128xf32, #tpu.memory_space<vmem>>, %arg2: memref<400x128xf32, #tpu.memory_space<vmem>>, %arg3: memref<1x128xf32, #tpu.memory_space<vmem>>, %arg4: memref<400x128xf32, #tpu.memory_space<vmem>>, %arg5: memref<400x128xf32, #tpu.memory_space<vmem>>) attributes {dimension_semantics = [#tpu.dimension_semantics<arbitrary>], iteration_bounds = array<i64: 25>, scalar_prefetch = 0 : i64, scratch_operands = 0 : i64, tpu.core_type = #tpu.core_type<tc>, window_params = [{transform_indices = @transform_0, window_bounds = array<i64: 2, 400, 128>}, {transform_indices = @transform_1, window_bounds = array<i64: 400, 128>}, {pipeline_mode = #tpu.pipeline_mode<synchronous>, transform_indices = @transform_2, window_bounds = array<i64: 1, 128>}, {transform_indices = @transform_3, window_bounds = array<i64: 400, 128>}, {transform_indices = @transform_4, window_bounds = array<i64: 400, 128>}]} {
    %get3A = arith.constant 0 : index
    %get3A_0 = arith.constant 0 : index
    %get3A_1 = arith.constant 0 : index
    %get3A_2 = vector.load %arg1[%get3A, %get3A_0, %get3A_1] : memref<2x400x128xf32, #tpu.memory_space<vmem>>, vector<1x400x128xf32>
    %get3A_3 = vector.shape_cast %get3A_2 : vector<1x400x128xf32> to vector<400x128xf32>
    %get3A_4 = arith.constant 1 : index
    %get3A_5 = arith.constant 0 : index
    %get3A_6 = arith.constant 0 : index
    %get3A_7 = vector.load %arg1[%get3A_4, %get3A_5, %get3A_6] : memref<2x400x128xf32, #tpu.memory_space<vmem>>, vector<1x400x128xf32>
    %get3A_8 = vector.shape_cast %get3A_7 : vector<1x400x128xf32> to vector<400x128xf32>
    %add3A = arith.addf %get3A_3, %get3A_8 : vector<400x128xf32>
    %mul3A = arith.constant 2.000000e+00 : f32
    %mul3A_9 = vector.broadcast %mul3A : f32 to vector<400x128xf32>
    %mul3A_10 = arith.mulf %mul3A_9, %add3A : vector<400x128xf32>
    %get3A_11 = arith.constant 0 : index
    %get3A_12 = arith.constant 0 : index
    %get3A_13 = vector.load %arg2[%get3A_11, %get3A_12] : memref<400x128xf32, #tpu.memory_space<vmem>>, vector<400x128xf32>
    %sub3A = arith.subf %mul3A_10, %get3A_13 : vector<400x128xf32>
    %swap3A = arith.constant 0 : index
    %swap3A_14 = arith.constant 0 : index
    %swap3A_15 = vector.load %arg4[%swap3A, %swap3A_14] : memref<400x128xf32, #tpu.memory_space<vmem>>, vector<400x128xf32>
    tpu.vector_store %arg4[%swap3A, %swap3A_14], %sub3A {strides = array<i32>} : memref<400x128xf32, #tpu.memory_space<vmem>>, vector<400x128xf32>,
    %get3A_16 = arith.constant 0 : index
    %get3A_17 = arith.constant 0 : index
    %get3A_18 = vector.load %arg3[%get3A_16, %get3A_17] : memref<1x128xf32, #tpu.memory_space<vmem>>, vector<1x128xf32>
    %mul3A_19 = vector.broadcast %get3A_18 : vector<1x128xf32> to vector<400x128xf32>
    %mul3A_20 = arith.mulf %sub3A, %mul3A_19 : vector<400x128xf32>
    %swap3A_21 = arith.constant 0 : index
    %swap3A_22 = arith.constant 0 : index
    %swap3A_23 = vector.load %arg5[%swap3A_21, %swap3A_22] : memref<400x128xf32, #tpu.memory_space<vmem>>, vector<400x128xf32>
    tpu.vector_store %arg5[%swap3A_21, %swap3A_22], %mul3A_20 {strides = array<i32>} : memref<400x128xf32, #tpu.memory_space<vmem>>, vector<400x128xf32>,
    return
  }
  func.func @transform_0(%arg0: i32) -> (i32, i32, i32) {
    %c0_i32 = arith.constant 0 : i32
    %c0_i32_0 = arith.constant 0 : i32
    %c0_i32_1 = arith.constant 0 : i32
    return %c0_i32, %arg0, %c0_i32_0 : i32, i32, i32
  }
  func.func @transform_1(%arg0: i32) -> (i32, i32) {
    %c0_i32 = arith.constant 0 : i32
    %c0_i32_0 = arith.constant 0 : i32
    return %arg0, %c0_i32 : i32, i32
  }
  func.func @transform_2(%arg0: i32) -> (i32, i32) {
    %c0_i32 = arith.constant 0 : i32
    %c0_i32_0 = arith.constant 0 : i32
    %c0_i32_1 = arith.constant 0 : i32
    return %c0_i32, %c0_i32_0 : i32, i32
  }
  func.func @transform_3(%arg0: i32) -> (i32, i32) {
    %c0_i32 = arith.constant 0 : i32
    %c0_i32_0 = arith.constant 0 : i32
    return %arg0, %c0_i32 : i32, i32
  }
  func.func @transform_4(%arg0: i32) -> (i32, i32) {
    %c0_i32 = arith.constant 0 : i32
    %c0_i32_0 = arith.constant 0 : i32
    return %arg0, %c0_i32 : i32, i32
  }
}

</mosaic_0001>

<sc_bundles>
// kernel: kernel.4.cloned.1.call-start
scs
__scs_entry_jumppad:
0x0: {  	(pc) =	sbr.rel $0x88, $3  }
0x1: {  	(tag) =	ssettag $0x0;
	lr =	simm.s32 $0x1  }
0x2: {  	[smem:$0x3F9C] =	sst lr;
	_ =	strace $0xD0000000  }
0x3: {  	_ = 	snop  }
0x4: {  	_ = 	snop  }
0x5: {  	_ = 	snop  }
0x6: {  	_ = 	snop  }
0x7: {  	_ = 	snop  }
__scs_overlays_trampoline_lowered:
0x8: {  	[smem:$0x3FAB] =	sst s0  }
0x9: {  	[smem:$0x3FAC] =	sst s1  }
0xa: {  	[smem:$0x3FAD] =	sst s2  }
0xb: {  	[smem:$0x3FAE] =	sst s3  }
0xc: {  	[smem:$0x3FAF] =	sst s4  }
0xd: {  	[smem:$0x3FB0] =	sst s5  }
0xe: {  	[smem:$0x3FB1] =	sst s6  }
0xf: {  	[smem:$0x3FB2] =	sst s7  }
0x10: {  	[smem:$0x3FB3] =	sst s8  }
0x11: {  	[smem:$0x3FB4] =	sst s9;
	s0 =	simm.s32 @!p0 $0x0  }
0x12: {  	s1 =	sld [smem:$0x3F9A];
	s0 =	simm.s32 @p0 $0x1  }
0x13: {  	[smem:$0x3FB5] =	sst s0;
	s0 =	simm.s32 @!p1 $0x0  }
0x14: {  	s2 =	sld [smem:$0x3F99];
	s0 =	simm.s32 @p1 $0x1  }
0x15: {  	[smem:$0x3FB6] =	sst s0;
	s0 =	simm.s32 @!p2 $0x0  }
0x16: {  	s3 =	sld [smem:$0x3FDB];
	s0 =	simm.s32 @p2 $0x1  }
0x17: {  	s4 =	simm.s32 $0x1BF5;
	[smem:$0x3FB8] =	sst s0  }
0x18: {  	s0 =	sld [smem:$0x3F9B];
	_ =	swait.ge [sflag:s4], $0x0  }
0x19: {  	s7 =	sld [smem:$0x3F9C]  }
0x1a: {  	s8 =	sadd.s32 $0xFFFFE003, lr  }
0x1b: {  	s9 =	sadd.s32 $0xFFFFFEF7, lr;
	s5 =	simm.s32 $0xFFFFFFFF;
	p2 =	slt.u32 s8, $0xFFFFF086  }
0x1c: {  	p1 =	slt.u32 s9, $0xF7A;
	s5 =	simm.s32 @!p2 $0x0  }
0x1d: {  	s5 =	simm.s32 @p1 $0x1;
	p0 =	seq.s32 s7, s2  }
0x1e: {  	s7 =	smul.u32 @!p0 $0xF7A, s2;
	p2 =	seq.s32 @!p0 s5, $0x0  }
0x1f: {  	s9 =	smul.u32 $0xF7A, s1;
	s8 =	simm.s32 @!p0 $0x1BF5;
	p2 =	por !p2, p0  }
0x20: {  	[sflag:s8] =	ssyncset.s32 @!p0 $0xFFFFF086;
	s6 =	sadd.s32 @!p0 s3, s7;
	s7 =	simm.s32 @!p0 $0x108  }
0x21: {  	s3 =	sadd.s32 s3, s9;
	s6 =	sadd.s32 @!p0 $0x88, s6;
	s7 =	simm.s32 @p2 $0x1082  }
0x22: {  	[simem:s7], [sflag:s8] =	dma.local @!p0 [hbm:s6], $0xF7A  }
0x23: {  	s9 =	sor.u32 $0xD0000000, s2;
	s6 =	simm.s32 $0x108;
	_ =	swait.ge @!p0 [sflag:s8], $0x0  }
0x24: {  	s3 =	sadd.s32 $0x88, s3;
	s6 =	simm.s32 @!p1 $0x1082;
	[sflag:s4] =	ssyncset.s32 $0xFFFFF086  }
0x25: {  	[simem:s6], [sflag:s4] =	dma.local [hbm:s3], $0xF7A  }
0x26: {  	[smem:$0x3F9C] =	sst s1;
	(tag) =	ssettag s2;
	_ =	strace s9  }
0x27: {  	s1 =	sld [smem:$0x3FAC]  }
0x28: {  	s2 =	sld [smem:$0x3FAD]  }
0x29: {  	s4 =	sld [smem:$0x3FAF]  }
0x2a: {  	p0 =	seq.s32 s5, $0x0;
	s5 =	sld [smem:$0x3FB0]  }
0x2b: {  	s6 =	sld [smem:$0x3FB1]  }
0x2c: {  	s7 =	sld [smem:$0x3FB2]  }
0x2d: {  	s3 =	simm.s32 $0x108;
	s8 =	sld [smem:$0x3FB3]  }
0x2e: {  	s3 =	simm.s32 @!p0 $0x1082;
	s9 =	sld [smem:$0x3FB4]  }
0x2f: {  	lr =	sadd.s32 s0, s3;
	s0 =	sld [smem:$0x3FAB]  }
0x30: {  	s3 =	sld [smem:$0x3FAE]  }
0x31: {  	[smem:$0x3FB7] =	sst s10  }
0x32: {  	s10 =	sld [smem:$0x3FB5];
	_ =	sdelay $0x3  }
0x33: {  	p0 =	seq.s32 s10, $0x1;
	s10 =	sld [smem:$0x3FB7];
	_ =	sdelay $0x3  }
0x34: {  	[smem:$0x3FB7] =	sst s10  }
0x35: {  	s10 =	sld [smem:$0x3FB6];
	_ =	sdelay $0x3  }
0x36: {  	p1 =	seq.s32 s10, $0x1;
	s10 =	sld [smem:$0x3FB7];
	_ =	sdelay $0x3  }
0x37: {  	[smem:$0x3FB7] =	sst s10  }
0x38: {  	s10 =	sld [smem:$0x3FB8]  }
0x39: {  	_ = 	snop;
	(pc) =	sbr.ind lr, $3  }
0x3a: {  	_ = 	snop  }
0x3b: {  	_ = 	snop  }
0x3c: {  	p2 =	seq.s32 s10, $0x1;
	s10 =	sld [smem:$0x3FB7]  }
0x3d: {  	_ =	shalt  }
0x3e: {  	_ =	shalt  }
0x3f: {  	_ =	shalt  }
0x40: {  	_ =	shalt  }
0x41: {  	_ =	shalt  }
0x42: {  	_ =	shalt  }
0x43: {  	_ =	shalt  }
0x44: {  	_ =	shalt  }
0x45: {  	_ =	shalt  }
0x46: {  	_ =	shalt  }
0x47: {  	_ =	shalt  }
0x48: {  	_ =	shalt  }
0x49: {  	_ =	shalt  }
0x4a: {  	_ =	shalt  }
0x4b: {  	_ =	shalt  }
0x4c: {  	_ =	shalt  }
0x4d: {  	_ =	shalt  }
0x4e: {  	_ =	shalt  }
0x4f: {  	_ =	shalt  }
0x50: {  	_ =	shalt  }
0x51: {  	_ =	shalt  }
0x52: {  	_ =	shalt  }
0x53: {  	_ =	shalt  }
0x54: {  	_ =	shalt  }
0x55: {  	_ =	shalt  }
0x56: {  	_ =	shalt  }
0x57: {  	_ =	shalt  }
0x58: {  	_ =	shalt  }
0x59: {  	_ =	shalt  }
0x5a: {  	_ =	shalt  }
0x5b: {  	_ =	shalt  }
0x5c: {  	_ =	shalt  }
0x5d: {  	_ =	shalt  }
0x5e: {  	_ =	shalt  }
0x5f: {  	_ =	shalt  }
0x60: {  	_ =	shalt  }
0x61: {  	_ =	shalt  }
0x62: {  	_ =	shalt  }
0x63: {  	_ =	shalt  }
0x64: {  	_ =	shalt  }
0x65: {  	_ =	shalt  }
0x66: {  	_ =	shalt  }
0x67: {  	_ =	shalt  }
0x68: {  	_ =	shalt  }
0x69: {  	_ =	shalt  }
0x6a: {  	_ =	shalt  }
0x6b: {  	_ =	shalt  }
0x6c: {  	_ =	shalt  }
0x6d: {  	_ =	shalt  }
0x6e: {  	_ =	shalt  }
0x6f: {  	_ =	shalt  }
0x70: {  	_ =	shalt  }
0x71: {  	_ =	shalt  }
0x72: {  	_ =	shalt  }
0x73: {  	_ =	shalt  }
0x74: {  	_ =	shalt  }
0x75: {  	_ =	shalt  }
0x76: {  	_ =	shalt  }
0x77: {  	_ =	shalt  }
0x78: {  	_ =	shalt  }
0x79: {  	_ =	shalt  }
0x7a: {  	_ =	shalt  }
0x7b: {  	_ =	shalt  }
0x7c: {  	_ =	shalt  }
0x7d: {  	_ =	shalt  }
0x7e: {  	_ =	shalt  }
0x7f: {  	_ =	shalt  }
0x80: {  	_ =	shalt  }
0x81: {  	_ =	shalt  }
0x82: {  	_ =	shalt  }
0x83: {  	_ =	shalt  }
0x84: {  	_ =	shalt  }
0x85: {  	_ =	shalt  }
0x86: {  	_ =	shalt  }
0x87: {  	_ =	shalt  }
.Lfunc_end0:
.L_simem_size_0:
called_computation_lowered:
.L_overlay_start_0:
0x88: {  	s2 =	sld [smem:$0x3FD9]  }
0x89: {  	s3 =	sld [smem:$0x3FFE];
	_ =	sdelay $0x1  }
0x8a: {  	s1 =	srdreg.scid  }
0x8b: {  	s0 =	sand.u32 $0x1, s1  }
0x8c: {  	s14 =	sshll.u32 s0, $0xA;
	s2 =	sadd.s32 s3, s2  }
0x8d: {  	s2 =	sadd.s32 s2, s14  }
0x8e: {  	[smem:$0x3FC3] =	sst s2  }
0x8f: {  	_ = 	snop  }
0x90: {  	s2 =	sld [smem:$0x3FD0];
	_ =	sdelay $0x2  }
0x91: {  	s4 =	simm.s32 $0xA;
	s5 =	simm.s32 $0x10;
	s15 =	sld [smem:$0x3FC9]  }
0x92: {  	[smem:s5], [sflag:s4] =	dma.local [hbm:s2], $0x1  }
0x93: {  	_ =	swait.eq [sflag:s4], $0x1  }
0x94: {  	[sflag:s4] =	ssyncset.done $0x0  }
0x95: {  	s16 =	sld [smem:$0x10];
	[sflag:s4] =	ssyncadd.s32 $0xFFFFFFFF  }
0x96: {  	s17 =	sld [smem:$0x11];
	(tm) =	ssettm $0x1  }
0x97: {  	s18 =	sld [smem:$0x3FFB];
	_ =	sdelay $0x3  }
0x98: {  	_ =	strace s18  }
0x99: {  	s5 =	sld [smem:$0x3FFC];
	_ =	sdelay $0x3  }
0x9a: {  	_ =	strace s5  }
0x9b: {  	s5 =	sld [smem:$0x3FFD];
	_ =	sdelay $0x3  }
0x9c: {  	_ =	strace s5  }
0x9d: {  	_ =	strace $0x8FFFFFFF  }
0x9e: {  	s19 =	sld [smem:$0x3FDB];
	_ =	sdelay $0x1  }
0x9f: {  	s6 =	simm.s32 $_scs_section_size  }
0xa0: {  	s7 =	simm.s32 $_size__tile_overlayer_lowered;
	s8 =	simm.s32 $_tile_overlayer_lowered  }
0xa1: {  	s22 =	simm.s32 $0x1BFF;
	s21 =	sshll.u32 s8, $0x1;
	s5 =	sadd.s32 s6, s19  }
0xa2: {  	s9 =	simm.s32 $0x0;
	s20 =	sshll.u32 s7, $0x1;
	s7 =	sadd.s32 s21, s5  }
0xa3: {  	[timem:s9], [sflag:s22] =	dma.local [hbm:s7], s20  }
0xa4: {  	_ =	swait.ge [sflag:s22], s20  }
0xa5: {  	s6 =	ssub.s32 $0x0, s20;
	[sflag:s22] =	ssyncset.done $0x0  }
0xa6: {  	[sflag:s22] =	ssyncadd.s32 s6;
	_ =	sdelay $0x1  }
0xa7: {  	s23 =	simm.s32 $0x1B8B  }
0xa8: {  	_ =	swait.ge [sflag:s23], $0x1  }
0xa9: {  	[sflag:s23] =	ssyncset.done $0x0  }
0xaa: {  	s25 =	simm.s32 $0x1B8E;
	s24 =	sld [smem:$0x3FFE];
	[sflag:s23] =	ssyncadd.s32 $0xFFFFFFFF  }
0xab: {  	s26 =	simm.s32 $execute0_lowered;
	[smem:$0x3FD2] =	sst s25  }
0xac: {  	s7 =	sshll.u32 s26, $0x1;
	_ =	strace $0x80000046;
	[dreg:$0x1] =	wrdreg $0xFFFFFFFF  }
0xad: {  	s28 =	simm.s32 $_size_execute0_lowered;
	s5 =	sadd.s32 s5, s7;
	[dreg:$0x0] =	wrdreg $0x0  }
0xae: {  	s7 =	sshll.u32 s28, $0x1;
	[dreg:$0x2] =	wrdreg s5  }
0xaf: {  	[dreg:$0x3] =	wrdreg s7  }
0xb0: {  	[dreg:$0x4] =	wrdreg $0xC0  }
0xb1: {  	_ =	task [dreg:s9], $0x5FFFF  }
0xb2: {  	[dreg:$0x1] =	wrdreg $0xFFFFFFFF  }
0xb3: {  	[dreg:$0x0] =	wrdreg $0x60  }
0xb4: {  	[dreg:$0x2] =	wrdreg s15  }
0xb5: {  	[dreg:$0x3] =	wrdreg s17  }
0xb6: {  	[dreg:$0x4] =	wrdreg s16  }
0xb7: {  	[dreg:$0x5] =	wrdreg s24  }
0xb8: {  	[dreg:$0x6] =	wrdreg $0xB8000  }
0xb9: {  	[dreg:$0x7] =	wrdreg $0x9  }
0xba: {  	_ =	task.clear_ibuf [dreg:s9], $0x8FFFF;
	_ =	strace $0x90000046  }
0xbb: {  	s29 =	simm.s32 $0x9;
	_ =	strace $0x80000048  }
0xbc: {  	_ =	swait.ge [sflag:s29], $0x1  }
0xbd: {  	[sflag:s29] =	ssyncadd.s32 $0xFFFFFFFF  }
0xbe: {  	_ =	strace $0x90000048  }
0xbf: {  	_ =	sfence  }
0xc0: {  	s30 =	sld [smem:$0x0];
	_ =	sdelay $0x2  }
0xc1: {  	s31 =	sshll.u32 s1, $0xD;
	s1 =	sshrl.u32 s1, $0x2  }
0xc2: {  	s3 =	sand.u32 $0x4000, s31;
	s1 =	sadd.s32 s1, s30  }
0xc3: {  	s0 =	sor.u32 s3, s0;
	s1 =	sshll.u32 s1, $0x11  }
0xc4: {  	s0 =	sor.u32 s1, s0  }
0xc5: {  	s0 =	sadd.s32 $0x8F2B, s0  }
0xc6: {  	[sflag:s0] =	ssyncadd.remote.s32 $0x1  }
0xc7: {  	_ =	sfence.sel $0xFFFF  }
0xc8: {  	[dreg:$0x0] =	wrdreg $0xFFFFFFFF;
	(pc) =	sbr.abs _section_cstart, $3  }
0xc9: {  	[dreg:$0x1] =	wrdreg $0xFFFFFFFF  }
0xca: {  	_ =	task.clear_ibuf [dreg:s9], $0x2FFFF;
	_ =	strace $0x9FFFFFFF  }
0xcb: {  	(tm) =	ssettm $0x7FFFFFFF  }
tec
execute0_lowered:
.L_overlay_start_1:
0x0: {  	(tag) =	ssettag $0x1  }
0x1: {  	s0 =	rddreg [dreg:$0x0]  }
0x2: {  	s5 =	rddreg [dreg:$0x1]  }
0x3: {  	s6 =	rddreg [dreg:$0x2]  }
0x4: {  	s8 =	rddreg [dreg:$0x3]  }
0x5: {  	s1 =	srdreg.scid;
	s3 =	rddreg [dreg:$0x4]  }
0x6: {  	s2 =	rddreg [dreg:$0x5];
	s4 =	simm.s32 $0x0;
	s9 =	sand.u32 $0x1, s1  }
0x7: {  	s21 =	simm.s32 $0x5000;
	s1 =	stileid.u32;
	s7 =	smul.u32 $0x28000, s9  }
0x8: {  	s22 =	simm.s32 $0x7800;
	s23 =	simm.s32 $0x80;
	s10 =	smul.u32 $0x2800, s1  }
0x9: {  	[smem:$0x7FF] =	sst s4;
	s17 =	sadd.s32 $0xA800, s8;
	s12 =	smul.u32 $0x50000, s1  }
0xa: {  	_ =	strace $0x80000047;
	s11 =	ssub.s32 $0x2, s9;
	s13 =	smul.u32 $0x14000, s1  }
0xb: {  	s15 =	smul.u32 $0x140000, s9;
	s25 =	sshrl.u32 s11, $0x1;
	s7 =	sadd.s32 s10, s7  }
0xc: {  	s18 =	ssub.s32 s11, s25;
	s26 =	sshrl.u32 s12, $0x2;
	s28 =	sadd.s32 $0x4000, s13  }
0xd: {  	s16 =	sadd.s32 $0x8000, s13;
	s19 =	sadd.s32 $0xC000, s13;
	s14 =	sadd.s32 s13, s15  }
0xe: {  	s20 =	sadd.s32 $0x10000, s13;
	s25 =	simm.s32 $0x0;
	s7 =	sshrl.u32 s7, $0x3  }
0xf: {  	s9 =	sadd.s32 s28, s3;
	s10 =	sadd.s32 s16, s3;
	s11 =	sadd.s32 s19, s3  }
0x10: {  	s29 =	sshrl.u32 s14, $0x3;
	s30 =	sadd.s32 s15, s28;
	s12 =	sadd.s32 s20, s3  }
0x11: {  	s16 =	sadd.s32 s15, s16;
	s19 =	sadd.s32 s15, s19;
	s20 =	sadd.s32 s15, s20  }
0x12: {  	v0 =	vimm.f32 $0.0e+00;
	v1 =	vimm.s32 $0x0;
	s18 =	smax.u32 s18, $0x1;
	s24 =	sadd.s32 s7, s8;
	s5 =	sadd.s32 s5, s7  }
0x13: {  	v2 =	vimm.s32 $0x1;
	v3 =	vimm.s32 $0x2;
	v4 =	vimm.s32 $0x3;
	s6 =	sadd.s32 s6, s7;
	s8 =	sadd.s32 s26, s3;
	s13 =	sadd.s32 s17, s29  }
0x14: {  	v5 =	vimm.s32 $0x4;
	v6 =	vimm.s32 $0x5;
	v7 =	vimm.s32 $0x6;
	s14 =	sshrl.u32 s30, $0x3;
	s16 =	sshrl.u32 s16, $0x3;
	s19 =	sshrl.u32 s19, $0x3  }
0x15: {  	v8 =	vimm.s32 $0x7;
	v9 =	vimm.s32 $0x8;
	v10 =	vimm.s32 $0x9;
	s31 =	sshrl.u32 s20, $0x3;
	s20 =	simm.s32 $0x2800;
	s7 =	sadd.s32 $0x800, s24  }
0x16: {  	v11 =	vimm.s32 $0xA;
	v12 =	vimm.s32 $0xB;
	v13 =	vimm.s32 $0xC;
	s14 =	sadd.s32 s17, s14;
	s15 =	sadd.s32 s17, s16;
	s16 =	sadd.s32 s17, s19  }
0x17: {  	v14 =	vimm.s32 $0xD;
	v15 =	vimm.s32 $0xE;
	v16 =	vimm.s32 $0xF;
	s17 =	sadd.s32 s17, s31;
	s19 =	simm.s32 $0x2;
	s24 =	simm.s32 $0x1  }
.LBB2_1:
0x18: {  	[tilespmem:s4], [sflag:$0x2] =	stream.linear.gather [hbm4b:s5+s4], $0x2780, $0x38;
	[tilespmem:$0x1F800] =	vst v63  }
0x19: {  	_ =	swait.ge [sflag:s19], $0x2780  }
0x1a: {  	[sflag:s19] =	ssyncset.done $0x0  }
0x1b: {  	[sflag:s19] =	ssyncadd.s32 $0xFFFFD880  }
0x1c: {  	[tilespmem:s20], [sflag:$0x2] =	stream.linear.gather [hbm4b:s6+s4], $0x2780, $0x38;
	[tilespmem:$0x1F800] =	vst v63  }
0x1d: {  	_ =	swait.ge [sflag:s19], $0x2780  }
0x1e: {  	[sflag:s19] =	ssyncset.done $0x0  }
0x1f: {  	[sflag:s19] =	ssyncadd.s32 $0xFFFFD880  }
0x20: {  	[tilespmem:s21], [sflag:$0x2] =	stream.linear.gather [hbm4b:s7+s4], $0x2780, $0x38;
	[tilespmem:$0x1F800] =	vst v63  }
0x21: {  	_ =	swait.ge [sflag:s19], $0x2780  }
0x22: {  	[sflag:s19] =	ssyncset.done $0x0  }
0x23: {  	s26 =	simm.s32 $0x0;
	s28 =	simm.s32 $0x200;
	[sflag:s19] =	ssyncadd.s32 $0xFFFFD880  }
.LBB2_2:
0x24: {  	p0 =	sne.s32 s28, $0xFE00;
	[tilespmem:s26+$0x7870] =	vst v0  }
0x25: {  	[tilespmem:s26+$0x7800] =	vst v0  }
0x26: {  	[tilespmem:s26+$0x7810] =	vst v0  }
.Ltmp0:
0x27: {  	[tilespmem:s26+$0x7820] =	vst v0;
	(pc) =	sbr.rel @p0 .LBB2_2-.Ltmp0, $4  }
0x28: {  	[tilespmem:s26+$0x7830] =	vst v0  }
0x29: {  	[tilespmem:s26+$0x7840] =	vst v0  }
0x2a: {  	[tilespmem:s26+$0x7850] =	vst v0  }
0x2b: {  	[tilespmem:s26+$0x7860] =	vst v0;
	s26 =	sshra.s32 s28, $0x2;
	s28 =	sadd.s32 $0x200, s28  }
0x2c: {  	[tilespmem:s26+$0x7870] =	vst v0  }
0x2d: {  	[tilespmem:s26+$0x7800] =	vst v0  }
0x2e: {  	[tilespmem:s26+$0x7810] =	vst v0  }
0x2f: {  	[tilespmem:s26+$0x7820] =	vst v0  }
0x30: {  	[tilespmem:s26+$0x7830] =	vst v0  }
0x31: {  	[tilespmem:s26+$0x7840] =	vst v0  }
0x32: {  	[tilespmem:s26+$0x7850] =	vst v0  }
0x33: {  	[tilespmem:s26+$0x7860] =	vst v0  }
0x34: {  	[spmem:s8] =	stream.linear.scatter [tilespmem:s22], [sflag:$0x2], $0x4000, $0x38;
	[tilespmem:$0x1F800] =	vst v63  }
0x35: {  	_ =	swait.ge [sflag:s19], $0x4000  }
0x36: {  	[sflag:s19] =	ssyncset.done $0x0  }
0x37: {  	[sflag:s19] =	ssyncadd.s32 $0xFFFFC000  }
0x38: {  	[spmem:s9] =	stream.linear.scatter [tilespmem:s22], [sflag:$0x2], $0x4000, $0x38;
	[tilespmem:$0x1F800] =	vst v63  }
0x39: {  	_ =	swait.ge [sflag:s19], $0x4000  }
0x3a: {  	[sflag:s19] =	ssyncset.done $0x0  }
0x3b: {  	[sflag:s19] =	ssyncadd.s32 $0xFFFFC000  }
0x3c: {  	[spmem:s10] =	stream.linear.scatter [tilespmem:s22], [sflag:$0x2], $0x4000, $0x38;
	[tilespmem:$0x1F800] =	vst v63  }
0x3d: {  	_ =	swait.ge [sflag:s19], $0x4000  }
0x3e: {  	[sflag:s19] =	ssyncset.done $0x0  }
0x3f: {  	[sflag:s19] =	ssyncadd.s32 $0xFFFFC000  }
0x40: {  	[spmem:s11] =	stream.linear.scatter [tilespmem:s22], [sflag:$0x2], $0x4000, $0x38;
	[tilespmem:$0x1F800] =	vst v63  }
0x41: {  	_ =	swait.ge [sflag:s19], $0x4000  }
0x42: {  	[sflag:s19] =	ssyncset.done $0x0  }
0x43: {  	[sflag:s19] =	ssyncadd.s32 $0xFFFFC000  }
0x44: {  	[spmem:s12] =	stream.linear.scatter [tilespmem:s22], [sflag:$0x2], $0x4000, $0x38;
	[tilespmem:$0x1F800] =	vst v63  }
0x45: {  	_ =	swait.ge [sflag:s19], $0x4000  }
0x46: {  	[sflag:s19] =	ssyncset.done $0x0  }
0x47: {  	[sflag:s19] =	ssyncadd.s32 $0xFFFFC000  }
0x48: {  	s26 =	simm.s32 $0x0;
	[bflag:$0x0] =	sbarrier.arrive $0xFFFF  }
.LBB2_4:
0x49: {  	s28 =	sshll.u32 s26, $0x7  }
0x4a: {  	[tilespmem:s22], [sflag:$0x1] =	stream.indirect.gather [hbm4b:s0+s23], $0x80, s28, s23, $0xb8;
	[tilespmem:$0x1F800] =	vst v63  }
0x4b: {  	s29 =	sadd.s32 $0x5000, s28  }
0x4c: {  	_ =	swait.ge [sflag:s24], $0x4000;
	v17 =	vmov s29  }
0x4d: {  	[sflag:s24] =	ssyncset.done $0x0  }
0x4e: {  	s29 =	simm.s32 $0x0;
	[sflag:s24] =	ssyncadd.s32 $0xFFFFC000  }
.LBB2_5:
0x4f: {  	s30 =	sshll.u32 s29, $0x4  }
0x50: {  	s30 =	sand.u32 $0x3FFFFFF0, s30  }
0x51: {  	s31 =	sshll.u32 s29, $0xB;
	v18 =	vld.idx.msk [tilespmem:v17+s30+$0x0 ss:$0x1], $0xffff  }
0x52: {  	s30 =	sand.u32 $0x3FFFF800, s31  }
0x53: {  	v19 =	vld [tilespmem:s30+$0x7800]  }
0x54: {  	v20 =	vld [tilespmem:s30+$0x7810]  }
0x55: {  	v21 =	vld [tilespmem:s30+$0x7820]  }
0x56: {  	v23 =	vld [tilespmem:s30+$0x7830];
	v22 =	vperm.xlane v18, v1  }
0x57: {  	v24 =	vld [tilespmem:s30+$0x7840]  }
0x58: {  	v25 =	vld [tilespmem:s30+$0x7850];
	v19 =	vmul.f32 v19, v22  }
0x59: {  	v26 =	vld [tilespmem:s30+$0x7860];
	v20 =	vmul.f32 v20, v22  }
0x5a: {  	v43 =	vld [tilespmem:s30+$0x7870];
	[tilespmem:s30+$0x7800] =	vst v19;
	v19 =	vmul.f32 v21, v22  }
0x5b: {  	v45 =	vld [tilespmem:s30+$0x7880];
	v44 =	vmul.f32 v23, v22;
	[tilespmem:s30+$0x7810] =	vst v20  }
0x5c: {  	v46 =	vld [tilespmem:s30+$0x7890];
	[tilespmem:s30+$0x7820] =	vst v19;
	v19 =	vmul.f32 v24, v22  }
0x5d: {  	v48 =	vld [tilespmem:s30+$0x78A0];
	v47 =	vmul.f32 v25, v22;
	[tilespmem:s30+$0x7830] =	vst v44  }
0x5e: {  	v27 =	vld [tilespmem:s30+$0x78B0];
	v49 =	vperm.xlane v18, v2;
	[tilespmem:s30+$0x7840] =	vst v19;
	v19 =	vmul.f32 v26, v22  }
0x5f: {  	v51 =	vld [tilespmem:s30+$0x78C0];
	v50 =	vmul.f32 v43, v22;
	[tilespmem:s30+$0x7850] =	vst v47  }
0x60: {  	v52 =	vld [tilespmem:s30+$0x78D0];
	[tilespmem:s30+$0x7860] =	vst v19;
	v19 =	vmul.f32 v45, v49  }
0x61: {  	v54 =	vld [tilespmem:s30+$0x78E0];
	v53 =	vmul.f32 v46, v49;
	[tilespmem:s30+$0x7870] =	vst v50  }
0x62: {  	v55 =	vld [tilespmem:s30+$0x78F0];
	[tilespmem:s30+$0x7880] =	vst v19;
	v19 =	vmul.f32 v48, v49  }
0x63: {  	v57 =	vld [tilespmem:s30+$0x7900];
	v56 =	vmul.f32 v27, v49;
	[tilespmem:s30+$0x7890] =	vst v53  }
0x64: {  	v58 =	vld [tilespmem:s30+$0x7910];
	[tilespmem:s30+$0x78A0] =	vst v19;
	v19 =	vmul.f32 v51, v49  }
0x65: {  	v60 =	vld [tilespmem:s30+$0x7920];
	v59 =	vmul.f32 v52, v49;
	[tilespmem:s30+$0x78B0] =	vst v56  }
0x66: {  	v62 =	vld [tilespmem:s30+$0x7930];
	v61 =	vperm.xlane v18, v3;
	[tilespmem:s30+$0x78C0] =	vst v19;
	v19 =	vmul.f32 v54, v49  }
0x67: {  	v28 =	vld [tilespmem:s30+$0x7940];
	v63 =	vmul.f32 v55, v49;
	[tilespmem:s30+$0x78D0] =	vst v59  }
0x68: {  	v29 =	vld [tilespmem:s30+$0x7950];
	[tilespmem:s30+$0x78E0] =	vst v19;
	v19 =	vmul.f32 v57, v61  }
0x69: {  	v31 =	vld [tilespmem:s30+$0x7960];
	v30 =	vmul.f32 v58, v61;
	[tilespmem:s30+$0x78F0] =	vst v63  }
0x6a: {  	v32 =	vld [tilespmem:s30+$0x7970];
	[tilespmem:s30+$0x7900] =	vst v19;
	v19 =	vmul.f32 v60, v61  }
0x6b: {  	v34 =	vld [tilespmem:s30+$0x7980];
	v33 =	vmul.f32 v62, v61;
	[tilespmem:s30+$0x7910] =	vst v30  }
0x6c: {  	v35 =	vld [tilespmem:s30+$0x7990];
	[tilespmem:s30+$0x7920] =	vst v19;
	v19 =	vmul.f32 v28, v61  }
0x6d: {  	v37 =	vld [tilespmem:s30+$0x79A0];
	v36 =	vmul.f32 v29, v61;
	[tilespmem:s30+$0x7930] =	vst v33  }
0x6e: {  	v39 =	vld [tilespmem:s30+$0x79B0];
	v38 =	vperm.xlane v18, v4;
	[tilespmem:s30+$0x7940] =	vst v19;
	v19 =	vmul.f32 v31, v61  }
0x6f: {  	v41 =	vld [tilespmem:s30+$0x79C0];
	v40 =	vmul.f32 v32, v61;
	[tilespmem:s30+$0x7950] =	vst v36  }
0x70: {  	v45 =	vld [tilespmem:s30+$0x79F0];
	[tilespmem:s30+$0x7960] =	vst v19;
	v19 =	vmul.f32 v34, v38  }
0x71: {  	v43 =	vmul.f32 v35, v38;
	[tilespmem:s30+$0x7970] =	vst v40;
	v44 =	vld [tilespmem:s30+$0x79E0]  }
0x72: {  	v42 =	vld [tilespmem:s30+$0x79D0];
	[tilespmem:s30+$0x7980] =	vst v19;
	v19 =	vmul.f32 v37, v38  }
0x73: {  	v46 =	vmul.f32 v39, v38;
	[tilespmem:s30+$0x7990] =	vst v43;
	v47 =	vld [tilespmem:s30+$0x7A00]  }
0x74: {  	v52 =	vld [tilespmem:s30+$0x7A30];
	[tilespmem:s30+$0x79A0] =	vst v19;
	v19 =	vmul.f32 v41, v38  }
0x75: {  	[tilespmem:s30+$0x79B0] =	vst v46;
	v50 =	vld [tilespmem:s30+$0x7A20];
	v53 =	vmul.f32 v45, v38  }
0x76: {  	v55 =	vld [tilespmem:s30+$0x7A50];
	v51 =	vperm.xlane v18, v5;
	[tilespmem:s30+$0x79C0] =	vst v19;
	v19 =	vmul.f32 v44, v38  }
0x77: {  	v49 =	vmul.f32 v42, v38;
	v54 =	vld [tilespmem:s30+$0x7A40];
	[tilespmem:s30+$0x79F0] =	vst v53  }
0x78: {  	v58 =	vld [tilespmem:s30+$0x7A70];
	[tilespmem:s30+$0x79E0] =	vst v19;
	v19 =	vmul.f32 v47, v51  }
0x79: {  	v59 =	vmul.f32 v52, v51;
	[tilespmem:s30+$0x79D0] =	vst v49;
	v57 =	vld [tilespmem:s30+$0x7A60]  }
0x7a: {  	v48 =	vld [tilespmem:s30+$0x7A10];
	[tilespmem:s30+$0x7A00] =	vst v19;
	v19 =	vmul.f32 v50, v51  }
0x7b: {  	v62 =	vmul.f32 v55, v51;
	[tilespmem:s30+$0x7A30] =	vst v59;
	v60 =	vld [tilespmem:s30+$0x7A80]  }
0x7c: {  	v40 =	vld [tilespmem:s30+$0x7B10];
	[tilespmem:s30+$0x7A20] =	vst v19;
	v19 =	vmul.f32 v54, v51  }
0x7d: {  	v63 =	vld [tilespmem:s30+$0x7AA0];
	v32 =	vmul.f32 v58, v51;
	[tilespmem:s30+$0x7A50] =	vst v62  }
0x7e: {  	v30 =	vperm.xlane v18, v6;
	v61 =	vld [tilespmem:s30+$0x7A90];
	[tilespmem:s30+$0x7A40] =	vst v19;
	v19 =	vmul.f32 v57, v51  }
0x7f: {  	v33 =	vld [tilespmem:s30+$0x7AC0];
	v43 =	vperm.xlane v18, v7;
	v56 =	vmul.f32 v48, v51;
	[tilespmem:s30+$0x7A70] =	vst v32  }
0x80: {  	v53 =	vld [tilespmem:s30+$0x7B90];
	[tilespmem:s30+$0x7A60] =	vst v19;
	v19 =	vmul.f32 v60, v30  }
0x81: {  	v36 =	vld [tilespmem:s30+$0x7AE0];
	v48 =	vmul.f32 v40, v43;
	[tilespmem:s30+$0x7A10] =	vst v56  }
0x82: {  	v31 =	vld [tilespmem:s30+$0x7AB0];
	[tilespmem:s30+$0x7A80] =	vst v19;
	v19 =	vmul.f32 v63, v30  }
0x83: {  	v39 =	vld [tilespmem:s30+$0x7B00];
	[tilespmem:s30+$0x7B10] =	vst v48;
	v56 =	vperm.xlane v18, v8;
	v35 =	vmul.f32 v61, v30  }
0x84: {  	v34 =	vld [tilespmem:s30+$0x7AD0];
	[tilespmem:s30+$0x7AA0] =	vst v19;
	v19 =	vmul.f32 v33, v30  }
0x85: {  	v42 =	vld [tilespmem:s30+$0x7B20];
	v61 =	vmul.f32 v53, v56;
	[tilespmem:s30+$0x7A90] =	vst v35  }
0x86: {  	v37 =	vld [tilespmem:s30+$0x7AF0];
	[tilespmem:s30+$0x7AC0] =	vst v19;
	v19 =	vmul.f32 v36, v30  }
0x87: {  	v46 =	vld [tilespmem:s30+$0x7B40];
	[tilespmem:s30+$0x7B90] =	vst v61;
	v38 =	vmul.f32 v31, v30  }
0x88: {  	v47 =	vld [tilespmem:s30+$0x7B50];
	[tilespmem:s30+$0x7AE0] =	vst v19;
	v19 =	vmul.f32 v39, v43  }
0x89: {  	v49 =	vld [tilespmem:s30+$0x7B60];
	v41 =	vmul.f32 v34, v30;
	[tilespmem:s30+$0x7AB0] =	vst v38  }
0x8a: {  	v38 =	vld [tilespmem:s30+$0x7C50];
	[tilespmem:s30+$0x7B00] =	vst v19;
	v19 =	vmul.f32 v42, v43  }
0x8b: {  	v52 =	vld [tilespmem:s30+$0x7B80];
	[tilespmem:s30+$0x7AD0] =	vst v41;
	v45 =	vmul.f32 v37, v30  }
0x8c: {  	v44 =	vld [tilespmem:s30+$0x7B30];
	[tilespmem:s30+$0x7B20] =	vst v19;
	v19 =	vmul.f32 v46, v43  }
0x8d: {  	v55 =	vld [tilespmem:s30+$0x7BA0];
	v34 =	vperm.xlane v18, v9;
	[tilespmem:s30+$0x7AF0] =	vst v45;
	v54 =	vmul.f32 v47, v43  }
0x8e: {  	v50 =	vld [tilespmem:s30+$0x7B70];
	[tilespmem:s30+$0x7B40] =	vst v19;
	v19 =	vmul.f32 v49, v43  }
0x8f: {  	v59 =	vld [tilespmem:s30+$0x7BC0];
	v45 =	vmul.f32 v38, v34;
	[tilespmem:s30+$0x7B50] =	vst v54  }
0x90: {  	v57 =	vld [tilespmem:s30+$0x7BB0];
	[tilespmem:s30+$0x7B60] =	vst v19;
	v19 =	vmul.f32 v52, v56  }
0x91: {  	v62 =	vld [tilespmem:s30+$0x7BE0];
	v51 =	vmul.f32 v44, v43;
	[tilespmem:s30+$0x7C50] =	vst v45  }
0x92: {  	v60 =	vld [tilespmem:s30+$0x7BD0];
	[tilespmem:s30+$0x7B80] =	vst v19;
	v19 =	vmul.f32 v55, v56  }
0x93: {  	v58 =	vmul.f32 v50, v43;
	[tilespmem:s30+$0x7B30] =	vst v51;
	v30 =	vld [tilespmem:s30+$0x7C00]  }
0x94: {  	v51 =	vld [tilespmem:s30+$0x7CD0];
	[tilespmem:s30+$0x7BA0] =	vst v19;
	v19 =	vmul.f32 v59, v56  }
0x95: {  	[tilespmem:s30+$0x7B70] =	vst v58;
	v29 =	vmul.f32 v57, v56;
	v33 =	vld [tilespmem:s30+$0x7C20]  }
0x96: {  	v63 =	vld [tilespmem:s30+$0x7BF0];
	[tilespmem:s30+$0x7BC0] =	vst v19;
	v19 =	vmul.f32 v62, v56  }
0x97: {  	v37 =	vld [tilespmem:s30+$0x7C40];
	v47 =	vperm.xlane v18, v10;
	[tilespmem:s30+$0x7BB0] =	vst v29;
	v32 =	vmul.f32 v60, v56  }
0x98: {  	v61 =	vld [tilespmem:s30+$0x7D30];
	[tilespmem:s30+$0x7BE0] =	vst v19;
	v19 =	vmul.f32 v30, v34  }
0x99: {  	v40 =	vld [tilespmem:s30+$0x7C60];
	v58 =	vmul.f32 v51, v47;
	[tilespmem:s30+$0x7BD0] =	vst v32  }
0x9a: {  	v31 =	vld [tilespmem:s30+$0x7C10];
	[tilespmem:s30+$0x7C00] =	vst v19;
	v19 =	vmul.f32 v33, v34  }
0x9b: {  	v60 =	vperm.xlane v18, v11;
	v36 =	vmul.f32 v63, v56;
	[tilespmem:s30+$0x7CD0] =	vst v58;
	v43 =	vld [tilespmem:s30+$0x7C80]  }
0x9c: {  	v57 =	vld [tilespmem:s30+$0x7D10];
	[tilespmem:s30+$0x7C20] =	vst v19;
	v19 =	vmul.f32 v37, v34  }
0x9d: {  	v32 =	vmul.f32 v61, v60;
	[tilespmem:s30+$0x7BF0] =	vst v36;
	v46 =	vld [tilespmem:s30+$0x7CA0]  }
0x9e: {  	v35 =	vld [tilespmem:s30+$0x7C30];
	[tilespmem:s30+$0x7C40] =	vst v19;
	v19 =	vmul.f32 v40, v34  }
0x9f: {  	v50 =	vld [tilespmem:s30+$0x7CC0];
	v39 =	vmul.f32 v31, v34;
	[tilespmem:s30+$0x7D30] =	vst v32  }
0xa0: {  	v28 =	vld [tilespmem:s30+$0x7D50];
	[tilespmem:s30+$0x7C60] =	vst v19;
	v19 =	vmul.f32 v43, v47  }
0xa1: {  	v53 =	vld [tilespmem:s30+$0x7CE0];
	v29 =	vmul.f32 v57, v60;
	[tilespmem:s30+$0x7C10] =	vst v39  }
0xa2: {  	v31 =	vld [tilespmem:s30+$0x7D70];
	[tilespmem:s30+$0x7C80] =	vst v19;
	v19 =	vmul.f32 v46, v47  }
0xa3: {  	v42 =	vmul.f32 v35, v34;
	[tilespmem:s30+$0x7D10] =	vst v29;
	v56 =	vld [tilespmem:s30+$0x7D00]  }
0xa4: {  	v41 =	vld [tilespmem:s30+$0x7C70];
	[tilespmem:s30+$0x7CA0] =	vst v19;
	v19 =	vmul.f32 v50, v47  }
0xa5: {  	v35 =	vmul.f32 v28, v60;
	[tilespmem:s30+$0x7C30] =	vst v42;
	v59 =	vld [tilespmem:s30+$0x7D20]  }
0xa6: {  	v44 =	vld [tilespmem:s30+$0x7C90];
	[tilespmem:s30+$0x7CC0] =	vst v19;
	v19 =	vmul.f32 v53, v47  }
0xa7: {  	v63 =	vld [tilespmem:s30+$0x7D40];
	[tilespmem:s30+$0x7D50] =	vst v35;
	v39 =	vmul.f32 v31, v60  }
0xa8: {  	v48 =	vld [tilespmem:s30+$0x7CB0];
	[tilespmem:s30+$0x7CE0] =	vst v19;
	v19 =	vmul.f32 v56, v60  }
0xa9: {  	v49 =	vmul.f32 v41, v34;
	[tilespmem:s30+$0x7D70] =	vst v39;
	v30 =	vld [tilespmem:s30+$0x7D60]  }
0xaa: {  	v54 =	vld [tilespmem:s30+$0x7CF0];
	[tilespmem:s30+$0x7D00] =	vst v19;
	v19 =	vmul.f32 v59, v60  }
0xab: {  	[tilespmem:s30+$0x7C70] =	vst v49;
	v52 =	vmul.f32 v44, v47;
	v33 =	vld [tilespmem:s30+$0x7D80]  }
0xac: {  	v38 =	vld [tilespmem:s30+$0x7DB0];
	[tilespmem:s30+$0x7D20] =	vst v19;
	v19 =	vmul.f32 v63, v60  }
0xad: {  	v36 =	vld [tilespmem:s30+$0x7DA0];
	[tilespmem:s30+$0x7C90] =	vst v52;
	v55 =	vmul.f32 v48, v47  }
0xae: {  	v41 =	vld [tilespmem:s30+$0x7DD0];
	v37 =	vperm.xlane v18, v12;
	[tilespmem:s30+$0x7D40] =	vst v19;
	v19 =	vmul.f32 v30, v60  }
0xaf: {  	[tilespmem:s30+$0x7CB0] =	vst v55;
	v62 =	vmul.f32 v54, v47;
	v40 =	vld [tilespmem:s30+$0x7DC0]  }
0xb0: {  	v44 =	vld [tilespmem:s30+$0x7DF0];
	[tilespmem:s30+$0x7D60] =	vst v19;
	v19 =	vmul.f32 v33, v37  }
0xb1: {  	[tilespmem:s30+$0x7CF0] =	vst v62;
	v45 =	vmul.f32 v38, v37;
	v43 =	vld [tilespmem:s30+$0x7DE0]  }
0xb2: {  	v34 =	vld [tilespmem:s30+$0x7D90];
	[tilespmem:s30+$0x7D80] =	vst v19;
	v19 =	vmul.f32 v36, v37  }
0xb3: {  	v48 =	vmul.f32 v41, v37;
	[tilespmem:s30+$0x7DB0] =	vst v45;
	v46 =	vld [tilespmem:s30+$0x7E00]  }
0xb4: {  	v51 =	vld [tilespmem:s30+$0x7E30];
	[tilespmem:s30+$0x7DA0] =	vst v19;
	v19 =	vmul.f32 v40, v37  }
0xb5: {  	v49 =	vld [tilespmem:s30+$0x7E20];
	v52 =	vmul.f32 v44, v37;
	[tilespmem:s30+$0x7DD0] =	vst v48  }
0xb6: {  	v54 =	vld [tilespmem:s30+$0x7E50];
	v50 =	vperm.xlane v18, v13;
	[tilespmem:s30+$0x7DC0] =	vst v19;
	v19 =	vmul.f32 v43, v37  }
0xb7: {  	[tilespmem:s30+$0x7DF0] =	vst v52;
	v42 =	vmul.f32 v34, v37;
	v53 =	vld [tilespmem:s30+$0x7E40]  }
0xb8: {  	v57 =	vld [tilespmem:s30+$0x7E70];
	[tilespmem:s30+$0x7DE0] =	vst v19;
	v19 =	vmul.f32 v46, v50  }
0xb9: {  	[tilespmem:s30+$0x7D90] =	vst v42;
	v58 =	vmul.f32 v51, v50;
	v56 =	vld [tilespmem:s30+$0x7E60]  }
0xba: {  	v47 =	vld [tilespmem:s30+$0x7E10];
	[tilespmem:s30+$0x7E00] =	vst v19;
	v19 =	vmul.f32 v49, v50  }
0xbb: {  	v61 =	vmul.f32 v54, v50;
	[tilespmem:s30+$0x7E30] =	vst v58;
	v59 =	vld [tilespmem:s30+$0x7E80]  }
0xbc: {  	v39 =	vld [tilespmem:s30+$0x7F10];
	[tilespmem:s30+$0x7E20] =	vst v19;
	v19 =	vmul.f32 v53, v50  }
0xbd: {  	v62 =	vld [tilespmem:s30+$0x7EA0];
	v31 =	vmul.f32 v57, v50;
	[tilespmem:s30+$0x7E50] =	vst v61  }
0xbe: {  	v63 =	vperm.xlane v18, v14;
	v60 =	vld [tilespmem:s30+$0x7E90];
	[tilespmem:s30+$0x7E40] =	vst v19;
	v19 =	vmul.f32 v56, v50  }
0xbf: {  	v32 =	vld [tilespmem:s30+$0x7EC0];
	v42 =	vperm.xlane v18, v15;
	[tilespmem:s30+$0x7E70] =	vst v31;
	v55 =	vmul.f32 v47, v50  }
0xc0: {  	v33 =	vld [tilespmem:s30+$0x7ED0];
	[tilespmem:s30+$0x7E60] =	vst v19;
	v19 =	vmul.f32 v59, v63  }
0xc1: {  	v35 =	vld [tilespmem:s30+$0x7EE0];
	v47 =	vmul.f32 v39, v42;
	[tilespmem:s30+$0x7E10] =	vst v55  }
0xc2: {  	v30 =	vld [tilespmem:s30+$0x7EB0];
	[tilespmem:s30+$0x7E80] =	vst v19;
	v19 =	vmul.f32 v62, v63  }
0xc3: {  	v38 =	vld [tilespmem:s30+$0x7F00];
	[tilespmem:s30+$0x7F10] =	vst v47;
	v34 =	vmul.f32 v60, v63  }
0xc4: {  	v36 =	vld [tilespmem:s30+$0x7EF0];
	[tilespmem:s30+$0x7EA0] =	vst v19;
	v19 =	vmul.f32 v32, v63  }
0xc5: {  	v41 =	vld [tilespmem:s30+$0x7F20];
	[tilespmem:s30+$0x7E90] =	vst v34;
	v40 =	vmul.f32 v33, v63  }
0xc6: {  	v46 =	vld [tilespmem:s30+$0x7F50];
	[tilespmem:s30+$0x7EC0] =	vst v19;
	v19 =	vmul.f32 v35, v63  }
0xc7: {  	v45 =	vld [tilespmem:s30+$0x7F40];
	v37 =	vmul.f32 v30, v63;
	[tilespmem:s30+$0x7ED0] =	vst v40  }
0xc8: {  	v43 =	vld [tilespmem:s30+$0x7F30];
	[tilespmem:s30+$0x7EE0] =	vst v19;
	v19 =	vmul.f32 v38, v42  }
0xc9: {  	v48 =	vld [tilespmem:s30+$0x7F60];
	v44 =	vmul.f32 v36, v63;
	[tilespmem:s30+$0x7EB0] =	vst v37  }
0xca: {  	v49 =	vld [tilespmem:s30+$0x7F70];
	[tilespmem:s30+$0x7F00] =	vst v19;
	v19 =	vmul.f32 v41, v42  }
0xcb: {  	v51 =	vld [tilespmem:s30+$0x7F80];
	[tilespmem:s30+$0x7EF0] =	vst v44;
	v53 =	vmul.f32 v46, v42  }
0xcc: {  	v52 =	vld [tilespmem:s30+$0x7F90];
	[tilespmem:s30+$0x7F20] =	vst v19;
	v19 =	vmul.f32 v45, v42  }
0xcd: {  	v54 =	vld [tilespmem:s30+$0x7FA0];
	v50 =	vmul.f32 v43, v42;
	[tilespmem:s30+$0x7F50] =	vst v53  }
0xce: {  	v18 =	vperm.xlane v18, v16;
	v55 =	vld [tilespmem:s30+$0x7FB0];
	[tilespmem:s30+$0x7F40] =	vst v19;
	v19 =	vmul.f32 v48, v42  }
0xcf: {  	v57 =	vld [tilespmem:s30+$0x7FC0];
	v56 =	vmul.f32 v49, v42;
	[tilespmem:s30+$0x7F30] =	vst v50  }
0xd0: {  	v58 =	vld [tilespmem:s30+$0x7FD0];
	[tilespmem:s30+$0x7F60] =	vst v19;
	v19 =	vmul.f32 v51, v18  }
0xd1: {  	v60 =	vld [tilespmem:s30+$0x7FE0];
	v59 =	vmul.f32 v52, v18;
	[tilespmem:s30+$0x7F70] =	vst v56  }
0xd2: {  	v61 =	vld [tilespmem:s30+$0x7FF0];
	[tilespmem:s30+$0x7F80] =	vst v19;
	v19 =	vmul.f32 v54, v18  }
0xd3: {  	[tilespmem:s30+$0x7F90] =	vst v59;
	v62 =	vmul.f32 v55, v18  }
0xd4: {  	p0 =	sne.s32 s29, $0x7;
	[tilespmem:s30+$0x7FA0] =	vst v19;
	v19 =	vmul.f32 v57, v18  }
.Ltmp1:
0xd5: {  	[tilespmem:s30+$0x7FB0] =	vst v62;
	v63 =	vmul.f32 v58, v18;
	(pc) =	sbr.rel @p0 .LBB2_5-.Ltmp1, $4  }
0xd6: {  	[tilespmem:s30+$0x7FC0] =	vst v19;
	v19 =	vmul.f32 v60, v18  }
0xd7: {  	[tilespmem:s30+$0x7FD0] =	vst v63;
	v18 =	vmul.f32 v61, v18  }
0xd8: {  	[tilespmem:s30+$0x7FE0] =	vst v19  }
0xd9: {  	s29 =	sadd.s32 $0x1, s29;
	[tilespmem:s30+$0x7FF0] =	vst v18  }
0xda: {  	s26 =	sadd.s32 $0x1, s26  }
0xdb: {  	p0 =	sne.s32 s26, $0x4F  }
.Ltmp2:
0xdc: {  	s28 =	sadd.s32 $0x2800, s28;
	(pc) =	sbr.rel @p0 .LBB2_4-.Ltmp2, $4  }
0xdd: {  	[spmem:s3] =	stream.indirect.scatter.add.f32 [tilespmem:s22], [sflag:$0x2], $0x80, s28, s23, $0xb8;
	[tilespmem:$0x1F800] =	vst v63  }
0xde: {  	_ =	swait.ge [sflag:s19], $0x4000  }
0xdf: {  	[sflag:s19] =	ssyncset.done $0x0  }
0xe0: {  	[sflag:s19] =	ssyncadd.s32 $0xFFFFC000  }
0xe1: {  	s26 =	sshll.u32 s1, $0x6  }
0xe2: {  	[bflag:$0x0] =	sbarrier.arrive $0xFFFF;
	s28 =	sshrl.u32 s8, $0x3;
	s26 =	sor.u32 $0x1C02, s26  }
0xe3: {  	[hbm:s13], [sflag:s26] =	dma.local [spmem:s28], $0x800  }
0xe4: {  	_ =	swait.ge [sflag:s19], $0x800  }
0xe5: {  	[sflag:s19] =	ssyncset.done $0x0  }
0xe6: {  	s31 =	sshrl.u32 s9, $0x3;
	[sflag:s19] =	ssyncadd.s32 $0xFFFFF800  }
0xe7: {  	[hbm:s14], [sflag:s26] =	dma.local [spmem:s31], $0x800  }
0xe8: {  	_ =	swait.ge [sflag:s19], $0x800  }
0xe9: {  	[sflag:s19] =	ssyncset.done $0x0  }
0xea: {  	s29 =	sshrl.u32 s10, $0x3;
	[sflag:s19] =	ssyncadd.s32 $0xFFFFF800  }
0xeb: {  	[hbm:s15], [sflag:s26] =	dma.local [spmem:s29], $0x800  }
0xec: {  	_ =	swait.ge [sflag:s19], $0x800  }
0xed: {  	[sflag:s19] =	ssyncset.done $0x0  }
0xee: {  	s30 =	sshrl.u32 s11, $0x3;
	[sflag:s19] =	ssyncadd.s32 $0xFFFFF800  }
0xef: {  	[hbm:s16], [sflag:s26] =	dma.local [spmem:s30], $0x800  }
0xf0: {  	s25 =	sadd.s32 $0x1, s25;
	_ =	swait.ge [sflag:s19], $0x800  }
0xf1: {  	p0 =	sne.s32 s25, s18;
	[sflag:s19] =	ssyncset.done $0x0  }
.Ltmp3:
0xf2: {  	s31 =	sshrl.u32 s12, $0x3;
	[sflag:s19] =	ssyncadd.s32 $0xFFFFF800;
	(pc) =	sbr.rel @p0 .LBB2_1-.Ltmp3, $4  }
0xf3: {  	[hbm:s17], [sflag:s26] =	dma.local [spmem:s31], $0x800  }
0xf4: {  	_ =	swait.ge [sflag:s19], $0x800  }
0xf5: {  	[sflag:s19] =	ssyncset.done $0x0  }
0xf6: {  	[sflag:s19] =	ssyncadd.s32 $0xFFFFF800  }
0xf7: {  	_ =	sfence.sel $0x180000  }
0xf8: {  	[bflag:$0x0] =	sbarrier.arrive $0xFFFF  }
0xf9: {  	p0 =	sne.s32 s1, $0x0;
	_ =	strace $0x90000047  }
0xfa: {  	s0 =	sadd.s32 @!p0 $0x100000, s2;
	[bflag:$0x2] =	sbarrier.arrive $0xFFFF  }
0xfb: {  	[sflag:s0] =	ssyncadd.tile.s32 @!p0 $0x1;
	_ =	shalt  }
.Lfunc_end2:
_tile_overlayer_lowered:
.L_overlay_start_2:
0xfc: {  	(tag) =	ssettag $0x2  }
0xfd: {  	s0 =	rddreg [dreg:$0x0];
	s2 =	stileid.u32  }
0xfe: {  	s1 =	rddreg [dreg:$0x1];
	p0 =	sne.s32 s2, $0x0  }
0xff: {  	s3 =	rddreg [dreg:$0x2];
	[bflag:$0x3] =	sbarrier.arrive $0xFFFF;
	s2 =	simm.s32 @!p0 $0x1C02  }
0x100: {  	[timem:s3], [sflag:s2] =	dma.local @!p0 [hbm:s0], s1  }
0x101: {  	s0 =	simm.s32 @!p0 $0x2  }
0x102: {  	_ =	swait.ge @!p0 [sflag:s0], s1  }
0x103: {  	s1 =	ssub.s32 @!p0 $0x0, s1;
	[sflag:s0] =	ssyncset.done @!p0 $0x0  }
0x104: {  	[sflag:s0] =	ssyncadd.s32 @!p0 s1  }
0x105: {  	[bflag:$0x3] =	sbarrier.arrive $0xFFFF  }
0x106: {  	_ =	shalt  }

</sc_bundles>
